<compile_context>
chip_gen: v7x
topology: tpu7x:2x2x1
jax: 0.10.2.dev20260603
libtpu: 0.0.44.dev20260713+nightly
codegen_flags: <defaults>
</compile_context>

<pallas_src>
import jax
import jax.numpy as jnp
from jax import lax
from jax.experimental import pallas as pl
from jax.experimental.pallas import tpu as pltpu
from jax.experimental.pallas import tpu_sc as plsc

B = 16384
D = 32
NC = 2
NS = 16
L = 16
NW = NC * NS
B_PER_W = B // NW
G = 8


def _dot_kernel(user_hbm, item_hbm, vu_hbm, vi_hbm, out_hbm,
                idx_uv, idx_iv, win_u, win_i, out_v, sem):
    wid = lax.axis_index("s") * NC + lax.axis_index("c")
    base = wid * B_PER_W

    pltpu.sync_copy(user_hbm.at[pl.ds(base, B_PER_W)], idx_uv)
    pltpu.sync_copy(item_hbm.at[pl.ds(base, B_PER_W)], idx_iv)

    lanes = lax.iota(jnp.int32, L)
    slot = jnp.minimum(lanes, G - 1)
    lane_mask = lanes < G
    zero = jnp.zeros((L,), jnp.int32)

    def pair_body(p, _):
        iu16 = idx_uv[pl.ds(p * L, L)]
        ii16 = idx_iv[pl.ds(p * L, L)]
        cu16 = (iu16 >> 7) * 128
        ci16 = (ii16 >> 7) * 128

        for half in range(2):
            copies = []
            for k in range(G):
                c_u = pl.multiple_of(cu16[half * G + k], 128)
                copies.append(pltpu.async_copy(
                    vu_hbm.at[:, pl.ds(c_u, 128)], win_u.at[k], sem))
                c_i = pl.multiple_of(ci16[half * G + k], 128)
                copies.append(pltpu.async_copy(
                    vi_hbm.at[:, pl.ds(c_i, 128)], win_i.at[k], sem))
            for cp in copies:
                cp.wait()

            pos = p * L + half * G + slot
            col_u = plsc.load_gather(idx_uv, [pos]) & 127
            col_i = plsc.load_gather(idx_iv, [pos]) & 127
            acc = (plsc.load_gather(win_u, [slot, zero, col_u])
                   * plsc.load_gather(win_i, [slot, zero, col_i]))
            for d in range(1, D):
                dv = jnp.full((L,), d, jnp.int32)
                au = plsc.load_gather(win_u, [slot, dv, col_u])
                ai = plsc.load_gather(win_i, [slot, dv, col_i])
                acc = acc + au * ai
            plsc.store_scatter(out_v, [pos], acc, mask=lane_mask)
        return _

    lax.fori_loop(0, B_PER_W // L, pair_body, 0, unroll=False)

    pltpu.sync_copy(out_v, out_hbm.at[pl.ds(base, B_PER_W)])


@jax.jit
def _run(user, item, vu, vi):
    mesh = plsc.VectorSubcoreMesh(
        core_axis_name="c", subcore_axis_name="s",
        num_cores=NC, num_subcores=NS)
    f = pl.kernel(
        _dot_kernel,
        out_type=jax.ShapeDtypeStruct((B,), jnp.float32),
        mesh=mesh,
        compiler_params=pltpu.CompilerParams(
            needs_layout_passes=False,
            use_tc_tiling_on_sc=True,
        ),
        scratch_types=[
            pltpu.VMEM((B_PER_W,), jnp.int32),
            pltpu.VMEM((B_PER_W,), jnp.int32),
            pltpu.VMEM((G, D, 128), jnp.float32),
            pltpu.VMEM((G, D, 128), jnp.float32),
            pltpu.VMEM((B_PER_W,), jnp.float32),
            pltpu.SemaphoreType.DMA,
        ],
    )
    return f(user, item, vu, vi)


def kernel(user, item, emb_user, emb_item):
    return _run(user, item, emb_user.T, emb_item.T)

# --- scband reference (transcript-rebuilt; emitter-appended) ---
"""Pipeline reference for scband-simple-mfmodel-31035433681222 (READ-ONLY COPY).

The authoritative reference and input builder live on the scoring server;
editing this copy changes nothing except your own understanding.
"""

import jax, jax.numpy as jnp
import numpy as np

N_USERS = 1000000
N_ITEMS = 1000000
EMB_DIM = 32
BATCH = 16384


def setup_inputs(seed: int = 0) -> dict:
    key = jax.random.key(seed)
    k_user, k_item, k_eu, k_ei = jax.random.split(key, 4)
    user = jax.random.randint(k_user, (BATCH,), 0, N_USERS, dtype=jnp.int64 if jax.config.jax_enable_x64 else jnp.int32)
    item = jax.random.randint(k_item, (BATCH,), 0, N_ITEMS, dtype=jnp.int64 if jax.config.jax_enable_x64 else jnp.int32)
    emb_user = jax.random.normal(k_eu, (N_USERS, EMB_DIM), dtype=jnp.float32)
    emb_item = jax.random.normal(k_ei, (N_ITEMS, EMB_DIM), dtype=jnp.float32)
    return {"user": user, "item": item, "emb_user": emb_user, "emb_item": emb_item}


def reference(user, item, emb_user, emb_item):
    # Embedding lookups (gather)
    u = jnp.take(emb_user, user, axis=0)  # [B, D]
    v = jnp.take(emb_item, item, axis=0)  # [B, D]
    # batch_dot: elementwise multiply then row-wise sum
    prediction = jnp.sum(u * v, axis=1)  # [B]
    return prediction

if __name__ == "__main__":
    import jax
    _d = setup_inputs()
    print(jax.jit(kernel)(*tuple(_d.values())))

</pallas_src>

<mosaic_0001>
#map = affine_map<(d0, d1) -> (0)>
#map1 = affine_map<(d0, d1) -> (0, 0)>
module attributes {stable_mosaic.version = 14 : i64} {
  func.func @_dot_kernel(%arg0: i32, %arg1: i32, %arg2: memref<16384xi32, #tpu.memory_space<hbm>>, %arg3: memref<16384xi32, #tpu.memory_space<hbm>>, %arg4: memref<32x1000000xf32, #tpu.memory_space<hbm>>, %arg5: memref<32x1000000xf32, #tpu.memory_space<hbm>>, %arg6: memref<16384xf32, #tpu.memory_space<hbm>>, %arg7: memref<512xi32, #tpu.memory_space<vmem>>, %arg8: memref<512xi32, #tpu.memory_space<vmem>>, %arg9: memref<8x32x128xf32, #tpu.memory_space<vmem>>, %arg10: memref<8x32x128xf32, #tpu.memory_space<vmem>>, %arg11: memref<512xf32, #tpu.memory_space<vmem>>, %arg12: memref<!tpu.dma_semaphore, #tpu.memory_space<semaphore_mem>>) attributes {dimension_semantics = [#tpu.dimension_semantics<core_parallel>, #tpu.dimension_semantics<subcore_parallel>], iteration_bounds = array<i64: 2, 16>, scalar_prefetch = 0 : i64, scratch_operands = 6 : i64, tpu.core_type = #tpu.core_type<sc_vector_subcore>, window_params = [{transform_indices = #map}, {transform_indices = #map}, {transform_indices = #map1}, {transform_indices = #map1}, {transform_indices = #map}]} {
    %mul3A = arith.constant 2 : i32
    %mul3A_0 = arith.muli %arg1, %mul3A : i32
    %add3A = arith.addi %mul3A_0, %arg0 : i32
    %mul3A_1 = arith.constant 512 : i32
    %mul3A_2 = arith.muli %add3A, %mul3A_1 : i32
    "tpu.region"() ({
      %run_scoped3A = tpu.sem_alloc : memref<!tpu.dma_semaphore, #tpu.memory_space<semaphore_mem>>
      %dma_start3A = tpu.memref_slice %arg2[%mul3A_2] : memref<16384xi32, #tpu.memory_space<hbm>> -> memref<512xi32, #tpu.memory_space<hbm>>
      %dma_start3A_13 = tpu.memref_slice %arg2[%mul3A_2] : memref<16384xi32, #tpu.memory_space<hbm>> -> memref<512xi32, #tpu.memory_space<hbm>>
      tpu.enqueue_dma source(%dma_start3A_13 : memref<512xi32, #tpu.memory_space<hbm>>) target(%arg7 : memref<512xi32, #tpu.memory_space<vmem>>) target_semaphore(%run_scoped3A : memref<!tpu.dma_semaphore, #tpu.memory_space<semaphore_mem>>)
      %dma_wait3A = tpu.memref_slice %arg2[%mul3A_2] : memref<16384xi32, #tpu.memory_space<hbm>> -> memref<512xi32, #tpu.memory_space<hbm>>
      %dma_wait3A_14 = tpu.memref_slice %arg2[%mul3A_2] : memref<16384xi32, #tpu.memory_space<hbm>> -> memref<512xi32, #tpu.memory_space<hbm>>
      tpu.wait_dma2 semaphore(%run_scoped3A : memref<!tpu.dma_semaphore, #tpu.memory_space<semaphore_mem>>) src(%dma_wait3A_14 : memref<512xi32, #tpu.memory_space<hbm>>) dst(%arg7 : memref<512xi32, #tpu.memory_space<vmem>>)
      tpu.yield
    }) : () -> ()
    "tpu.region"() ({
      %run_scoped3A = tpu.sem_alloc : memref<!tpu.dma_semaphore, #tpu.memory_space<semaphore_mem>>
      %dma_start3A = tpu.memref_slice %arg3[%mul3A_2] : memref<16384xi32, #tpu.memory_space<hbm>> -> memref<512xi32, #tpu.memory_space<hbm>>
      %dma_start3A_13 = tpu.memref_slice %arg3[%mul3A_2] : memref<16384xi32, #tpu.memory_space<hbm>> -> memref<512xi32, #tpu.memory_space<hbm>>
      tpu.enqueue_dma source(%dma_start3A_13 : memref<512xi32, #tpu.memory_space<hbm>>) target(%arg8 : memref<512xi32, #tpu.memory_space<vmem>>) target_semaphore(%run_scoped3A : memref<!tpu.dma_semaphore, #tpu.memory_space<semaphore_mem>>)
      %dma_wait3A = tpu.memref_slice %arg3[%mul3A_2] : memref<16384xi32, #tpu.memory_space<hbm>> -> memref<512xi32, #tpu.memory_space<hbm>>
      %dma_wait3A_14 = tpu.memref_slice %arg3[%mul3A_2] : memref<16384xi32, #tpu.memory_space<hbm>> -> memref<512xi32, #tpu.memory_space<hbm>>
      tpu.wait_dma2 semaphore(%run_scoped3A : memref<!tpu.dma_semaphore, #tpu.memory_space<semaphore_mem>>) src(%dma_wait3A_14 : memref<512xi32, #tpu.memory_space<hbm>>) dst(%arg8 : memref<512xi32, #tpu.memory_space<vmem>>)
      tpu.yield
    }) : () -> ()
    %iota3A = tpu.iota {dimensions = array<i32: 0>} : vector<16xi32>
    %min3A = arith.constant 7 : i32
    %min3A_3 = vector.broadcast %min3A : i32 to vector<16xi32>
    %min3A_4 = arith.minsi %iota3A, %min3A_3 : vector<16xi32>
    %lt3A = arith.constant 8 : i32
    %lt3A_5 = vector.broadcast %lt3A : i32 to vector<16xi32>
    %lt3A_6 = arith.cmpi slt, %iota3A, %lt3A_5 : vector<16xi32>
    %broadcast_in_dim3A = arith.constant 0 : i32
    %broadcast_in_dim3A_7 = vector.broadcast %broadcast_in_dim3A : i32 to vector<16xi32>
    %scan3A = arith.constant 0 : i32
    %scan3A_8 = arith.constant 0 : i32
    %scan3A_9 = arith.constant 32 : i32
    %scan3A_10 = arith.addi %scan3A_8, %scan3A_9 : i32
    %scan3A_11 = arith.constant 1 : i32
    scf.for %scan3A_13 = %scan3A_8 to %scan3A_10 step %scan3A_11  : i32 {
      %mul3A_14 = arith.constant 16 : i32
      %mul3A_15 = arith.muli %scan3A_13, %mul3A_14 : i32
      %get3A = arith.index_cast %mul3A_15 : i32 to index
      %get3A_16 = tpu.vector_load %arg7[%get3A] {strides = array<i32>} : memref<512xi32, #tpu.memory_space<vmem>>, vector<16xi32>,
      %mul3A_17 = arith.constant 16 : i32
      %mul3A_18 = arith.muli %scan3A_13, %mul3A_17 : i32
      %get3A_19 = arith.index_cast %mul3A_18 : i32 to index
      %get3A_20 = tpu.vector_load %arg8[%get3A_19] {strides = array<i32>} : memref<512xi32, #tpu.memory_space<vmem>>, vector<16xi32>,
      %shift_right_arithmetic3A = arith.constant 7 : i32
      %shift_right_arithmetic3A_21 = vector.broadcast %shift_right_arithmetic3A : i32 to vector<16xi32>
      %shift_right_arithmetic3A_22 = arith.shrsi %get3A_16, %shift_right_arithmetic3A_21 : vector<16xi32>
      %mul3A_23 = arith.constant 128 : i32
      %mul3A_24 = vector.broadcast %mul3A_23 : i32 to vector<16xi32>
      %mul3A_25 = arith.muli %shift_right_arithmetic3A_22, %mul3A_24 : vector<16xi32>
      %shift_right_arithmetic3A_26 = arith.constant 7 : i32
      %shift_right_arithmetic3A_27 = vector.broadcast %shift_right_arithmetic3A_26 : i32 to vector<16xi32>
      %shift_right_arithmetic3A_28 = arith.shrsi %get3A_20, %shift_right_arithmetic3A_27 : vector<16xi32>
      %mul3A_29 = arith.constant 128 : i32
      %mul3A_30 = vector.broadcast %mul3A_29 : i32 to vector<16xi32>
      %mul3A_31 = arith.muli %shift_right_arithmetic3A_28, %mul3A_30 : vector<16xi32>
      %slice3A = vector.extract_strided_slice %mul3A_25 {offsets = [0], sizes = [1], strides = [1]} : vector<16xi32> to vector<1xi32>
      %squeeze3A = vector.extract %slice3A[0] : i32 from vector<1xi32>
      %multiple_of3A = tpu.assume_multiple %squeeze3A, 128 : i32
      %dma_start3A = arith.constant 0 : i32
      %dma_start3A_32 = arith.constant 0 : i32
      %dma_start3A_33 = arith.constant 0 : i32
      %dma_start3A_34 = tpu.memref_slice %arg9[%dma_start3A, %dma_start3A_32, %dma_start3A_33] : memref<8x32x128xf32, #tpu.memory_space<vmem>> -> memref<1x32x128xf32, #tpu.memory_space<vmem>>
      %dma_start3A_35 = tpu.memref_squeeze %dma_start3A_34 : memref<1x32x128xf32, #tpu.memory_space<vmem>> -> memref<32x128xf32, #tpu.memory_space<vmem>>
      %dma_start3A_36 = arith.constant 0 : i32
      %dma_start3A_37 = tpu.memref_slice %arg4[%dma_start3A_36, %multiple_of3A] : memref<32x1000000xf32, #tpu.memory_space<hbm>> -> memref<32x128xf32, #tpu.memory_space<hbm>>
      %dma_start3A_38 = arith.constant 0 : i32
      %dma_start3A_39 = arith.constant 0 : i32
      %dma_start3A_40 = tpu.memref_slice %arg9[%dma_start3A, %dma_start3A_38, %dma_start3A_39] : memref<8x32x128xf32, #tpu.memory_space<vmem>> -> memref<1x32x128xf32, #tpu.memory_space<vmem>>
      %dma_start3A_41 = tpu.memref_squeeze %dma_start3A_40 : memref<1x32x128xf32, #tpu.memory_space<vmem>> -> memref<32x128xf32, #tpu.memory_space<vmem>>
      %dma_start3A_42 = arith.constant 0 : i32
      %dma_start3A_43 = tpu.memref_slice %arg4[%dma_start3A_42, %multiple_of3A] : memref<32x1000000xf32, #tpu.memory_space<hbm>> -> memref<32x128xf32, #tpu.memory_space<hbm>>
      tpu.enqueue_dma source(%dma_start3A_43 : memref<32x128xf32, #tpu.memory_space<hbm>>) target(%dma_start3A_41 : memref<32x128xf32, #tpu.memory_space<vmem>>) target_semaphore(%arg12 : memref<!tpu.dma_semaphore, #tpu.memory_space<semaphore_mem>>)
      %slice3A_44 = vector.extract_strided_slice %mul3A_31 {offsets = [0], sizes = [1], strides = [1]} : vector<16xi32> to vector<1xi32>
      %squeeze3A_45 = vector.extract %slice3A_44[0] : i32 from vector<1xi32>
      %multiple_of3A_46 = tpu.assume_multiple %squeeze3A_45, 128 : i32
      %dma_start3A_47 = arith.constant 0 : i32
      %dma_start3A_48 = arith.constant 0 : i32
      %dma_start3A_49 = arith.constant 0 : i32
      %dma_start3A_50 = tpu.memref_slice %arg10[%dma_start3A_47, %dma_start3A_48, %dma_start3A_49] : memref<8x32x128xf32, #tpu.memory_space<vmem>> -> memref<1x32x128xf32, #tpu.memory_space<vmem>>
      %dma_start3A_51 = tpu.memref_squeeze %dma_start3A_50 : memref<1x32x128xf32, #tpu.memory_space<vmem>> -> memref<32x128xf32, #tpu.memory_space<vmem>>
      %dma_start3A_52 = arith.constant 0 : i32
      %dma_start3A_53 = tpu.memref_slice %arg5[%dma_start3A_52, %multiple_of3A_46] : memref<32x1000000xf32, #tpu.memory_space<hbm>> -> memref<32x128xf32, #tpu.memory_space<hbm>>
      %dma_start3A_54 = arith.constant 0 : i32
      %dma_start3A_55 = arith.constant 0 : i32
      %dma_start3A_56 = tpu.memref_slice %arg10[%dma_start3A_47, %dma_start3A_54, %dma_start3A_55] : memref<8x32x128xf32, #tpu.memory_space<vmem>> -> memref<1x32x128xf32, #tpu.memory_space<vmem>>
      %dma_start3A_57 = tpu.memref_squeeze %dma_start3A_56 : memref<1x32x128xf32, #tpu.memory_space<vmem>> -> memref<32x128xf32, #tpu.memory_space<vmem>>
      %dma_start3A_58 = arith.constant 0 : i32
      %dma_start3A_59 = tpu.memref_slice %arg5[%dma_start3A_58, %multiple_of3A_46] : memref<32x1000000xf32, #tpu.memory_space<hbm>> -> memref<32x128xf32, #tpu.memory_space<hbm>>
      tpu.enqueue_dma source(%dma_start3A_59 : memref<32x128xf32, #tpu.memory_space<hbm>>) target(%dma_start3A_57 : memref<32x128xf32, #tpu.memory_space<vmem>>) target_semaphore(%arg12 : memref<!tpu.dma_semaphore, #tpu.memory_space<semaphore_mem>>)
      %slice3A_60 = vector.extract_strided_slice %mul3A_25 {offsets = [1], sizes = [1], strides = [1]} : vector<16xi32> to vector<1xi32>
      %squeeze3A_61 = vector.extract %slice3A_60[0] : i32 from vector<1xi32>
      %multiple_of3A_62 = tpu.assume_multiple %squeeze3A_61, 128 : i32
      %dma_start3A_63 = arith.constant 1 : i32
      %dma_start3A_64 = arith.constant 0 : i32
      %dma_start3A_65 = arith.constant 0 : i32
      %dma_start3A_66 = tpu.memref_slice %arg9[%dma_start3A_63, %dma_start3A_64, %dma_start3A_65] : memref<8x32x128xf32, #tpu.memory_space<vmem>> -> memref<1x32x128xf32, #tpu.memory_space<vmem>>
      %dma_start3A_67 = tpu.memref_squeeze %dma_start3A_66 : memref<1x32x128xf32, #tpu.memory_space<vmem>> -> memref<32x128xf32, #tpu.memory_space<vmem>>
      %dma_start3A_68 = arith.constant 0 : i32
      %dma_start3A_69 = tpu.memref_slice %arg4[%dma_start3A_68, %multiple_of3A_62] : memref<32x1000000xf32, #tpu.memory_space<hbm>> -> memref<32x128xf32, #tpu.memory_space<hbm>>
      %dma_start3A_70 = arith.constant 0 : i32
      %dma_start3A_71 = arith.constant 0 : i32
      %dma_start3A_72 = tpu.memref_slice %arg9[%dma_start3A_63, %dma_start3A_70, %dma_start3A_71] : memref<8x32x128xf32, #tpu.memory_space<vmem>> -> memref<1x32x128xf32, #tpu.memory_space<vmem>>
      %dma_start3A_73 = tpu.memref_squeeze %dma_start3A_72 : memref<1x32x128xf32, #tpu.memory_space<vmem>> -> memref<32x128xf32, #tpu.memory_space<vmem>>
      %dma_start3A_74 = arith.constant 0 : i32
      %dma_start3A_75 = tpu.memref_slice %arg4[%dma_start3A_74, %multiple_of3A_62] : memref<32x1000000xf32, #tpu.memory_space<hbm>> -> memref<32x128xf32, #tpu.memory_space<hbm>>
      tpu.enqueue_dma source(%dma_start3A_75 : memref<32x128xf32, #tpu.memory_space<hbm>>) target(%dma_start3A_73 : memref<32x128xf32, #tpu.memory_space<vmem>>) target_semaphore(%arg12 : memref<!tpu.dma_semaphore, #tpu.memory_space<semaphore_mem>>)
      %slice3A_76 = vector.extract_strided_slice %mul3A_31 {offsets = [1], sizes = [1], strides = [1]} : vector<16xi32> to vector<1xi32>
      %squeeze3A_77 = vector.extract %slice3A_76[0] : i32 from vector<1xi32>
      %multiple_of3A_78 = tpu.assume_multiple %squeeze3A_77, 128 : i32
      %dma_start3A_79 = arith.constant 1 : i32
      %dma_start3A_80 = arith.constant 0 : i32
      %dma_start3A_81 = arith.constant 0 : i32
      %dma_start3A_82 = tpu.memref_slice %arg10[%dma_start3A_79, %dma_start3A_80, %dma_start3A_81] : memref<8x32x128xf32, #tpu.memory_space<vmem>> -> memref<1x32x128xf32, #tpu.memory_space<vmem>>
      %dma_start3A_83 = tpu.memref_squeeze %dma_start3A_82 : memref<1x32x128xf32, #tpu.memory_space<vmem>> -> memref<32x128xf32, #tpu.memory_space<vmem>>
      %dma_start3A_84 = arith.constant 0 : i32
      %dma_start3A_85 = tpu.memref_slice %arg5[%dma_start3A_84, %multiple_of3A_78] : memref<32x1000000xf32, #tpu.memory_space<hbm>> -> memref<32x128xf32, #tpu.memory_space<hbm>>
      %dma_start3A_86 = arith.constant 0 : i32
      %dma_start3A_87 = arith.constant 0 : i32
      %dma_start3A_88 = tpu.memref_slice %arg10[%dma_start3A_79, %dma_start3A_86, %dma_start3A_87] : memref<8x32x128xf32, #tpu.memory_space<vmem>> -> memref<1x32x128xf32, #tpu.memory_space<vmem>>
      %dma_start3A_89 = tpu.memref_squeeze %dma_start3A_88 : memref<1x32x128xf32, #tpu.memory_space<vmem>> -> memref<32x128xf32, #tpu.memory_space<vmem>>
      %dma_start3A_90 = arith.constant 0 : i32
      %dma_start3A_91 = tpu.memref_slice %arg5[%dma_start3A_90, %multiple_of3A_78] : memref<32x1000000xf32, #tpu.memory_space<hbm>> -> memref<32x128xf32, #tpu.memory_space<hbm>>
      tpu.enqueue_dma source(%dma_start3A_91 : memref<32x128xf32, #tpu.memory_space<hbm>>) target(%dma_start3A_89 : memref<32x128xf32, #tpu.memory_space<vmem>>) target_semaphore(%arg12 : memref<!tpu.dma_semaphore, #tpu.memory_space<semaphore_mem>>)
      %slice3A_92 = vector.extract_strided_slice %mul3A_25 {offsets = [2], sizes = [1], strides = [1]} : vector<16xi32> to vector<1xi32>
      %squeeze3A_93 = vector.extract %slice3A_92[0] : i32 from vector<1xi32>
      %multiple_of3A_94 = tpu.assume_multiple %squeeze3A_93, 128 : i32
      %dma_start3A_95 = arith.constant 2 : i32
      %dma_start3A_96 = arith.constant 0 : i32
      %dma_start3A_97 = arith.constant 0 : i32
      %dma_start3A_98 = tpu.memref_slice %arg9[%dma_start3A_95, %dma_start3A_96, %dma_start3A_97] : memref<8x32x128xf32, #tpu.memory_space<vmem>> -> memref<1x32x128xf32, #tpu.memory_space<vmem>>
      %dma_start3A_99 = tpu.memref_squeeze %dma_start3A_98 : memref<1x32x128xf32, #tpu.memory_space<vmem>> -> memref<32x128xf32, #tpu.memory_space<vmem>>
      %dma_start3A_100 = arith.constant 0 : i32
      %dma_start3A_101 = tpu.memref_slice %arg4[%dma_start3A_100, %multiple_of3A_94] : memref<32x1000000xf32, #tpu.memory_space<hbm>> -> memref<32x128xf32, #tpu.memory_space<hbm>>
      %dma_start3A_102 = arith.constant 0 : i32
      %dma_start3A_103 = arith.constant 0 : i32
      %dma_start3A_104 = tpu.memref_slice %arg9[%dma_start3A_95, %dma_start3A_102, %dma_start3A_103] : memref<8x32x128xf32, #tpu.memory_space<vmem>> -> memref<1x32x128xf32, #tpu.memory_space<vmem>>
      %dma_start3A_105 = tpu.memref_squeeze %dma_start3A_104 : memref<1x32x128xf32, #tpu.memory_space<vmem>> -> memref<32x128xf32, #tpu.memory_space<vmem>>
      %dma_start3A_106 = arith.constant 0 : i32
      %dma_start3A_107 = tpu.memref_slice %arg4[%dma_start3A_106, %multiple_of3A_94] : memref<32x1000000xf32, #tpu.memory_space<hbm>> -> memref<32x128xf32, #tpu.memory_space<hbm>>
      tpu.enqueue_dma source(%dma_start3A_107 : memref<32x128xf32, #tpu.memory_space<hbm>>) target(%dma_start3A_105 : memref<32x128xf32, #tpu.memory_space<vmem>>) target_semaphore(%arg12 : memref<!tpu.dma_semaphore, #tpu.memory_space<semaphore_mem>>)
      %slice3A_108 = vector.extract_strided_slice %mul3A_31 {offsets = [2], sizes = [1], strides = [1]} : vector<16xi32> to vector<1xi32>
      %squeeze3A_109 = vector.extract %slice3A_108[0] : i32 from vector<1xi32>
      %multiple_of3A_110 = tpu.assume_multiple %squeeze3A_109, 128 : i32
      %dma_start3A_111 = arith.constant 2 : i32
      %dma_start3A_112 = arith.constant 0 : i32
      %dma_start3A_113 = arith.constant 0 : i32
      %dma_start3A_114 = tpu.memref_slice %arg10[%dma_start3A_111, %dma_start3A_112, %dma_start3A_113] : memref<8x32x128xf32, #tpu.memory_space<vmem>> -> memref<1x32x128xf32, #tpu.memory_space<vmem>>
      %dma_start3A_115 = tpu.memref_squeeze %dma_start3A_114 : memref<1x32x128xf32, #tpu.memory_space<vmem>> -> memref<32x128xf32, #tpu.memory_space<vmem>>
      %dma_start3A_116 = arith.constant 0 : i32
      %dma_start3A_117 = tpu.memref_slice %arg5[%dma_start3A_116, %multiple_of3A_110] : memref<32x1000000xf32, #tpu.memory_space<hbm>> -> memref<32x128xf32, #tpu.memory_space<hbm>>
      %dma_start3A_118 = arith.constant 0 : i32
      %dma_start3A_119 = arith.constant 0 : i32
      %dma_start3A_120 = tpu.memref_slice %arg10[%dma_start3A_111, %dma_start3A_118, %dma_start3A_119] : memref<8x32x128xf32, #tpu.memory_space<vmem>> -> memref<1x32x128xf32, #tpu.memory_space<vmem>>
      %dma_start3A_121 = tpu.memref_squeeze %dma_start3A_120 : memref<1x32x128xf32, #tpu.memory_space<vmem>> -> memref<32x128xf32, #tpu.memory_space<vmem>>
      %dma_start3A_122 = arith.constant 0 : i32
      %dma_start3A_123 = tpu.memref_slice %arg5[%dma_start3A_122, %multiple_of3A_110] : memref<32x1000000xf32, #tpu.memory_space<hbm>> -> memref<32x128xf32, #tpu.memory_space<hbm>>
      tpu.enqueue_dma source(%dma_start3A_123 : memref<32x128xf32, #tpu.memory_space<hbm>>) target(%dma_start3A_121 : memref<32x128xf32, #tpu.memory_space<vmem>>) target_semaphore(%arg12 : memref<!tpu.dma_semaphore, #tpu.memory_space<semaphore_mem>>)
      %slice3A_124 = vector.extract_strided_slice %mul3A_25 {offsets = [3], sizes = [1], strides = [1]} : vector<16xi32> to vector<1xi32>
      %squeeze3A_125 = vector.extract %slice3A_124[0] : i32 from vector<1xi32>
      %multiple_of3A_126 = tpu.assume_multiple %squeeze3A_125, 128 : i32
      %dma_start3A_127 = arith.constant 3 : i32
      %dma_start3A_128 = arith.constant 0 : i32
      %dma_start3A_129 = arith.constant 0 : i32
      %dma_start3A_130 = tpu.memref_slice %arg9[%dma_start3A_127, %dma_start3A_128, %dma_start3A_129] : memref<8x32x128xf32, #tpu.memory_space<vmem>> -> memref<1x32x128xf32, #tpu.memory_space<vmem>>
      %dma_start3A_131 = tpu.memref_squeeze %dma_start3A_130 : memref<1x32x128xf32, #tpu.memory_space<vmem>> -> memref<32x128xf32, #tpu.memory_space<vmem>>
      %dma_start3A_132 = arith.constant 0 : i32
      %dma_start3A_133 = tpu.memref_slice %arg4[%dma_start3A_132, %multiple_of3A_126] : memref<32x1000000xf32, #tpu.memory_space<hbm>> -> memref<32x128xf32, #tpu.memory_space<hbm>>
      %dma_start3A_134 = arith.constant 0 : i32
      %dma_start3A_135 = arith.constant 0 : i32
      %dma_start3A_136 = tpu.memref_slice %arg9[%dma_start3A_127, %dma_start3A_134, %dma_start3A_135] : memref<8x32x128xf32, #tpu.memory_space<vmem>> -> memref<1x32x128xf32, #tpu.memory_space<vmem>>
      %dma_start3A_137 = tpu.memref_squeeze %dma_start3A_136 : memref<1x32x128xf32, #tpu.memory_space<vmem>> -> memref<32x128xf32, #tpu.memory_space<vmem>>
      %dma_start3A_138 = arith.constant 0 : i32
      %dma_start3A_139 = tpu.memref_slice %arg4[%dma_start3A_138, %multiple_of3A_126] : memref<32x1000000xf32, #tpu.memory_space<hbm>> -> memref<32x128xf32, #tpu.memory_space<hbm>>
      tpu.enqueue_dma source(%dma_start3A_139 : memref<32x128xf32, #tpu.memory_space<hbm>>) target(%dma_start3A_137 : memref<32x128xf32, #tpu.memory_space<vmem>>) target_semaphore(%arg12 : memref<!tpu.dma_semaphore, #tpu.memory_space<semaphore_mem>>)
      %slice3A_140 = vector.extract_strided_slice %mul3A_31 {offsets = [3], sizes = [1], strides = [1]} : vector<16xi32> to vector<1xi32>
      %squeeze3A_141 = vector.extract %slice3A_140[0] : i32 from vector<1xi32>
      %multiple_of3A_142 = tpu.assume_multiple %squeeze3A_141, 128 : i32
      %dma_start3A_143 = arith.constant 3 : i32
      %dma_start3A_144 = arith.constant 0 : i32
      %dma_start3A_145 = arith.constant 0 : i32
      %dma_start3A_146 = tpu.memref_slice %arg10[%dma_start3A_143, %dma_start3A_144, %dma_start3A_145] : memref<8x32x128xf32, #tpu.memory_space<vmem>> -> memref<1x32x128xf32, #tpu.memory_space<vmem>>
      %dma_start3A_147 = tpu.memref_squeeze %dma_start3A_146 : memref<1x32x128xf32, #tpu.memory_space<vmem>> -> memref<32x128xf32, #tpu.memory_space<vmem>>
      %dma_start3A_148 = arith.constant 0 : i32
      %dma_start3A_149 = tpu.memref_slice %arg5[%dma_start3A_148, %multiple_of3A_142] : memref<32x1000000xf32, #tpu.memory_space<hbm>> -> memref<32x128xf32, #tpu.memory_space<hbm>>
      %dma_start3A_150 = arith.constant 0 : i32
      %dma_start3A_151 = arith.constant 0 : i32
      %dma_start3A_152 = tpu.memref_slice %arg10[%dma_start3A_143, %dma_start3A_150, %dma_start3A_151] : memref<8x32x128xf32, #tpu.memory_space<vmem>> -> memref<1x32x128xf32, #tpu.memory_space<vmem>>
      %dma_start3A_153 = tpu.memref_squeeze %dma_start3A_152 : memref<1x32x128xf32, #tpu.memory_space<vmem>> -> memref<32x128xf32, #tpu.memory_space<vmem>>
      %dma_start3A_154 = arith.constant 0 : i32
      %dma_start3A_155 = tpu.memref_slice %arg5[%dma_start3A_154, %multiple_of3A_142] : memref<32x1000000xf32, #tpu.memory_space<hbm>> -> memref<32x128xf32, #tpu.memory_space<hbm>>
      tpu.enqueue_dma source(%dma_start3A_155 : memref<32x128xf32, #tpu.memory_space<hbm>>) target(%dma_start3A_153 : memref<32x128xf32, #tpu.memory_space<vmem>>) target_semaphore(%arg12 : memref<!tpu.dma_semaphore, #tpu.memory_space<semaphore_mem>>)
      %slice3A_156 = vector.extract_strided_slice %mul3A_25 {offsets = [4], sizes = [1], strides = [1]} : vector<16xi32> to vector<1xi32>
      %squeeze3A_157 = vector.extract %slice3A_156[0] : i32 from vector<1xi32>
      %multiple_of3A_158 = tpu.assume_multiple %squeeze3A_157, 128 : i32
      %dma_start3A_159 = arith.constant 4 : i32
      %dma_start3A_160 = arith.constant 0 : i32
      %dma_start3A_161 = arith.constant 0 : i32
      %dma_start3A_162 = tpu.memref_slice %arg9[%dma_start3A_159, %dma_start3A_160, %dma_start3A_161] : memref<8x32x128xf32, #tpu.memory_space<vmem>> -> memref<1x32x128xf32, #tpu.memory_space<vmem>>
      %dma_start3A_163 = tpu.memref_squeeze %dma_start3A_162 : memref<1x32x128xf32, #tpu.memory_space<vmem>> -> memref<32x128xf32, #tpu.memory_space<vmem>>
      %dma_start3A_164 = arith.constant 0 : i32
      %dma_start3A_165 = tpu.memref_slice %arg4[%dma_start3A_164, %multiple_of3A_158] : memref<32x1000000xf32, #tpu.memory_space<hbm>> -> memref<32x128xf32, #tpu.memory_space<hbm>>
      %dma_start3A_166 = arith.constant 0 : i32
      %dma_start3A_167 = arith.constant 0 : i32
      %dma_start3A_168 = tpu.memref_slice %arg9[%dma_start3A_159, %dma_start3A_166, %dma_start3A_167] : memref<8x32x128xf32, #tpu.memory_space<vmem>> -> memref<1x32x128xf32, #tpu.memory_space<vmem>>
      %dma_start3A_169 = tpu.memref_squeeze %dma_start3A_168 : memref<1x32x128xf32, #tpu.memory_space<vmem>> -> memref<32x128xf32, #tpu.memory_space<vmem>>
      %dma_start3A_170 = arith.constant 0 : i32
      %dma_start3A_171 = tpu.memref_slice %arg4[%dma_start3A_170, %multiple_of3A_158] : memref<32x1000000xf32, #tpu.memory_space<hbm>> -> memref<32x128xf32, #tpu.memory_space<hbm>>
      tpu.enqueue_dma source(%dma_start3A_171 : memref<32x128xf32, #tpu.memory_space<hbm>>) target(%dma_start3A_169 : memref<32x128xf32, #tpu.memory_space<vmem>>) target_semaphore(%arg12 : memref<!tpu.dma_semaphore, #tpu.memory_space<semaphore_mem>>)
      %slice3A_172 = vector.extract_strided_slice %mul3A_31 {offsets = [4], sizes = [1], strides = [1]} : vector<16xi32> to vector<1xi32>
      %squeeze3A_173 = vector.extract %slice3A_172[0] : i32 from vector<1xi32>
      %multiple_of3A_174 = tpu.assume_multiple %squeeze3A_173, 128 : i32
      %dma_start3A_175 = arith.constant 4 : i32
      %dma_start3A_176 = arith.constant 0 : i32
      %dma_start3A_177 = arith.constant 0 : i32
      %dma_start3A_178 = tpu.memref_slice %arg10[%dma_start3A_175, %dma_start3A_176, %dma_start3A_177] : memref<8x32x128xf32, #tpu.memory_space<vmem>> -> memref<1x32x128xf32, #tpu.memory_space<vmem>>
      %dma_start3A_179 = tpu.memref_squeeze %dma_start3A_178 : memref<1x32x128xf32, #tpu.memory_space<vmem>> -> memref<32x128xf32, #tpu.memory_space<vmem>>
      %dma_start3A_180 = arith.constant 0 : i32
      %dma_start3A_181 = tpu.memref_slice %arg5[%dma_start3A_180, %multiple_of3A_174] : memref<32x1000000xf32, #tpu.memory_space<hbm>> -> memref<32x128xf32, #tpu.memory_space<hbm>>
      %dma_start3A_182 = arith.constant 0 : i32
      %dma_start3A_183 = arith.constant 0 : i32
      %dma_start3A_184 = tpu.memref_slice %arg10[%dma_start3A_175, %dma_start3A_182, %dma_start3A_183] : memref<8x32x128xf32, #tpu.memory_space<vmem>> -> memref<1x32x128xf32, #tpu.memory_space<vmem>>
      %dma_start3A_185 = tpu.memref_squeeze %dma_start3A_184 : memref<1x32x128xf32, #tpu.memory_space<vmem>> -> memref<32x128xf32, #tpu.memory_space<vmem>>
      %dma_start3A_186 = arith.constant 0 : i32
      %dma_start3A_187 = tpu.memref_slice %arg5[%dma_start3A_186, %multiple_of3A_174] : memref<32x1000000xf32, #tpu.memory_space<hbm>> -> memref<32x128xf32, #tpu.memory_space<hbm>>
      tpu.enqueue_dma source(%dma_start3A_187 : memref<32x128xf32, #tpu.memory_space<hbm>>) target(%dma_start3A_185 : memref<32x128xf32, #tpu.memory_space<vmem>>) target_semaphore(%arg12 : memref<!tpu.dma_semaphore, #tpu.memory_space<semaphore_mem>>)
      %slice3A_188 = vector.extract_strided_slice %mul3A_25 {offsets = [5], sizes = [1], strides = [1]} : vector<16xi32> to vector<1xi32>
      %squeeze3A_189 = vector.extract %slice3A_188[0] : i32 from vector<1xi32>
      %multiple_of3A_190 = tpu.assume_multiple %squeeze3A_189, 128 : i32
      %dma_start3A_191 = arith.constant 5 : i32
      %dma_start3A_192 = arith.constant 0 : i32
      %dma_start3A_193 = arith.constant 0 : i32
      %dma_start3A_194 = tpu.memref_slice %arg9[%dma_start3A_191, %dma_start3A_192, %dma_start3A_193] : memref<8x32x128xf32, #tpu.memory_space<vmem>> -> memref<1x32x128xf32, #tpu.memory_space<vmem>>
      %dma_start3A_195 = tpu.memref_squeeze %dma_start3A_194 : memref<1x32x128xf32, #tpu.memory_space<vmem>> -> memref<32x128xf32, #tpu.memory_space<vmem>>
      %dma_start3A_196 = arith.constant 0 : i32
      %dma_start3A_197 = tpu.memref_slice %arg4[%dma_start3A_196, %multiple_of3A_190] : memref<32x1000000xf32, #tpu.memory_space<hbm>> -> memref<32x128xf32, #tpu.memory_space<hbm>>
      %dma_start3A_198 = arith.constant 0 : i32
      %dma_start3A_199 = arith.constant 0 : i32
      %dma_start3A_200 = tpu.memref_slice %arg9[%dma_start3A_191, %dma_start3A_198, %dma_start3A_199] : memref<8x32x128xf32, #tpu.memory_space<vmem>> -> memref<1x32x128xf32, #tpu.memory_space<vmem>>
      %dma_start3A_201 = tpu.memref_squeeze %dma_start3A_200 : memref<1x32x128xf32, #tpu.memory_space<vmem>> -> memref<32x128xf32, #tpu.memory_space<vmem>>
      %dma_start3A_202 = arith.constant 0 : i32
      %dma_start3A_203 = tpu.memref_slice %arg4[%dma_start3A_202, %multiple_of3A_190] : memref<32x1000000xf32, #tpu.memory_space<hbm>> -> memref<32x128xf32, #tpu.memory_space<hbm>>
      tpu.enqueue_dma source(%dma_start3A_203 : memref<32x128xf32, #tpu.memory_space<hbm>>) target(%dma_start3A_201 : memref<32x128xf32, #tpu.memory_space<vmem>>) target_semaphore(%arg12 : memref<!tpu.dma_semaphore, #tpu.memory_space<semaphore_mem>>)
      %slice3A_204 = vector.extract_strided_slice %mul3A_31 {offsets = [5], sizes = [1], strides = [1]} : vector<16xi32> to vector<1xi32>
      %squeeze3A_205 = vector.extract %slice3A_204[0] : i32 from vector<1xi32>
      %multiple_of3A_206 = tpu.assume_multiple %squeeze3A_205, 128 : i32
      %dma_start3A_207 = arith.constant 5 : i32
      %dma_start3A_208 = arith.constant 0 : i32
      %dma_start3A_209 = arith.constant 0 : i32
      %dma_start3A_210 = tpu.memref_slice %arg10[%dma_start3A_207, %dma_start3A_208, %dma_start3A_209] : memref<8x32x128xf32, #tpu.memory_space<vmem>> -> memref<1x32x128xf32, #tpu.memory_space<vmem>>
      %dma_start3A_211 = tpu.memref_squeeze %dma_start3A_210 : memref<1x32x128xf32, #tpu.memory_space<vmem>> -> memref<32x128xf32, #tpu.memory_space<vmem>>
      %dma_start3A_212 = arith.constant 0 : i32
      %dma_start3A_213 = tpu.memref_slice %arg5[%dma_start3A_212, %multiple_of3A_206] : memref<32x1000000xf32, #tpu.memory_space<hbm>> -> memref<32x128xf32, #tpu.memory_space<hbm>>
      %dma_start3A_214 = arith.constant 0 : i32
      %dma_start3A_215 = arith.constant 0 : i32
      %dma_start3A_216 = tpu.memref_slice %arg10[%dma_start3A_207, %dma_start3A_214, %dma_start3A_215] : memref<8x32x128xf32, #tpu.memory_space<vmem>> -> memref<1x32x128xf32, #tpu.memory_space<vmem>>
      %dma_start3A_217 = tpu.memref_squeeze %dma_start3A_216 : memref<1x32x128xf32, #tpu.memory_space<vmem>> -> memref<32x128xf32, #tpu.memory_space<vmem>>
      %dma_start3A_218 = arith.constant 0 : i32
      %dma_start3A_219 = tpu.memref_slice %arg5[%dma_start3A_218, %multiple_of3A_206] : memref<32x1000000xf32, #tpu.memory_space<hbm>> -> memref<32x128xf32, #tpu.memory_space<hbm>>
      tpu.enqueue_dma source(%dma_start3A_219 : memref<32x128xf32, #tpu.memory_space<hbm>>) target(%dma_start3A_217 : memref<32x128xf32, #tpu.memory_space<vmem>>) target_semaphore(%arg12 : memref<!tpu.dma_semaphore, #tpu.memory_space<semaphore_mem>>)
      %slice3A_220 = vector.extract_strided_slice %mul3A_25 {offsets = [6], sizes = [1], strides = [1]} : vector<16xi32> to vector<1xi32>
      %squeeze3A_221 = vector.extract %slice3A_220[0] : i32 from vector<1xi32>
      %multiple_of3A_222 = tpu.assume_multiple %squeeze3A_221, 128 : i32
      %dma_start3A_223 = arith.constant 6 : i32
      %dma_start3A_224 = arith.constant 0 : i32
      %dma_start3A_225 = arith.constant 0 : i32
      %dma_start3A_226 = tpu.memref_slice %arg9[%dma_start3A_223, %dma_start3A_224, %dma_start3A_225] : memref<8x32x128xf32, #tpu.memory_space<vmem>> -> memref<1x32x128xf32, #tpu.memory_space<vmem>>
      %dma_start3A_227 = tpu.memref_squeeze %dma_start3A_226 : memref<1x32x128xf32, #tpu.memory_space<vmem>> -> memref<32x128xf32, #tpu.memory_space<vmem>>
      %dma_start3A_228 = arith.constant 0 : i32
      %dma_start3A_229 = tpu.memref_slice %arg4[%dma_start3A_228, %multiple_of3A_222] : memref<32x1000000xf32, #tpu.memory_space<hbm>> -> memref<32x128xf32, #tpu.memory_space<hbm>>
      %dma_start3A_230 = arith.constant 0 : i32
      %dma_start3A_231 = arith.constant 0 : i32
      %dma_start3A_232 = tpu.memref_slice %arg9[%dma_start3A_223, %dma_start3A_230, %dma_start3A_231] : memref<8x32x128xf32, #tpu.memory_space<vmem>> -> memref<1x32x128xf32, #tpu.memory_space<vmem>>
      %dma_start3A_233 = tpu.memref_squeeze %dma_start3A_232 : memref<1x32x128xf32, #tpu.memory_space<vmem>> -> memref<32x128xf32, #tpu.memory_space<vmem>>
      %dma_start3A_234 = arith.constant 0 : i32
      %dma_start3A_235 = tpu.memref_slice %arg4[%dma_start3A_234, %multiple_of3A_222] : memref<32x1000000xf32, #tpu.memory_space<hbm>> -> memref<32x128xf32, #tpu.memory_space<hbm>>
      tpu.enqueue_dma source(%dma_start3A_235 : memref<32x128xf32, #tpu.memory_space<hbm>>) target(%dma_start3A_233 : memref<32x128xf32, #tpu.memory_space<vmem>>) target_semaphore(%arg12 : memref<!tpu.dma_semaphore, #tpu.memory_space<semaphore_mem>>)
      %slice3A_236 = vector.extract_strided_slice %mul3A_31 {offsets = [6], sizes = [1], strides = [1]} : vector<16xi32> to vector<1xi32>
      %squeeze3A_237 = vector.extract %slice3A_236[0] : i32 from vector<1xi32>
      %multiple_of3A_238 = tpu.assume_multiple %squeeze3A_237, 128 : i32
      %dma_start3A_239 = arith.constant 6 : i32
      %dma_start3A_240 = arith.constant 0 : i32
      %dma_start3A_241 = arith.constant 0 : i32
      %dma_start3A_242 = tpu.memref_slice %arg10[%dma_start3A_239, %dma_start3A_240, %dma_start3A_241] : memref<8x32x128xf32, #tpu.memory_space<vmem>> -> memref<1x32x128xf32, #tpu.memory_space<vmem>>
      %dma_start3A_243 = tpu.memref_squeeze %dma_start3A_242 : memref<1x32x128xf32, #tpu.memory_space<vmem>> -> memref<32x128xf32, #tpu.memory_space<vmem>>
      %dma_start3A_244 = arith.constant 0 : i32
      %dma_start3A_245 = tpu.memref_slice %arg5[%dma_start3A_244, %multiple_of3A_238] : memref<32x1000000xf32, #tpu.memory_space<hbm>> -> memref<32x128xf32, #tpu.memory_space<hbm>>
      %dma_start3A_246 = arith.constant 0 : i32
      %dma_start3A_247 = arith.constant 0 : i32
      %dma_start3A_248 = tpu.memref_slice %arg10[%dma_start3A_239, %dma_start3A_246, %dma_start3A_247] : memref<8x32x128xf32, #tpu.memory_space<vmem>> -> memref<1x32x128xf32, #tpu.memory_space<vmem>>
      %dma_start3A_249 = tpu.memref_squeeze %dma_start3A_248 : memref<1x32x128xf32, #tpu.memory_space<vmem>> -> memref<32x128xf32, #tpu.memory_space<vmem>>
      %dma_start3A_250 = arith.constant 0 : i32
      %dma_start3A_251 = tpu.memref_slice %arg5[%dma_start3A_250, %multiple_of3A_238] : memref<32x1000000xf32, #tpu.memory_space<hbm>> -> memref<32x128xf32, #tpu.memory_space<hbm>>
      tpu.enqueue_dma source(%dma_start3A_251 : memref<32x128xf32, #tpu.memory_space<hbm>>) target(%dma_start3A_249 : memref<32x128xf32, #tpu.memory_space<vmem>>) target_semaphore(%arg12 : memref<!tpu.dma_semaphore, #tpu.memory_space<semaphore_mem>>)
      %slice3A_252 = vector.extract_strided_slice %mul3A_25 {offsets = [7], sizes = [1], strides = [1]} : vector<16xi32> to vector<1xi32>
      %squeeze3A_253 = vector.extract %slice3A_252[0] : i32 from vector<1xi32>
      %multiple_of3A_254 = tpu.assume_multiple %squeeze3A_253, 128 : i32
      %dma_start3A_255 = arith.constant 7 : i32
      %dma_start3A_256 = arith.constant 0 : i32
      %dma_start3A_257 = arith.constant 0 : i32
      %dma_start3A_258 = tpu.memref_slice %arg9[%dma_start3A_255, %dma_start3A_256, %dma_start3A_257] : memref<8x32x128xf32, #tpu.memory_space<vmem>> -> memref<1x32x128xf32, #tpu.memory_space<vmem>>
      %dma_start3A_259 = tpu.memref_squeeze %dma_start3A_258 : memref<1x32x128xf32, #tpu.memory_space<vmem>> -> memref<32x128xf32, #tpu.memory_space<vmem>>
      %dma_start3A_260 = arith.constant 0 : i32
      %dma_start3A_261 = tpu.memref_slice %arg4[%dma_start3A_260, %multiple_of3A_254] : memref<32x1000000xf32, #tpu.memory_space<hbm>> -> memref<32x128xf32, #tpu.memory_space<hbm>>
      %dma_start3A_262 = arith.constant 0 : i32
      %dma_start3A_263 = arith.constant 0 : i32
      %dma_start3A_264 = tpu.memref_slice %arg9[%dma_start3A_255, %dma_start3A_262, %dma_start3A_263] : memref<8x32x128xf32, #tpu.memory_space<vmem>> -> memref<1x32x128xf32, #tpu.memory_space<vmem>>
      %dma_start3A_265 = tpu.memref_squeeze %dma_start3A_264 : memref<1x32x128xf32, #tpu.memory_space<vmem>> -> memref<32x128xf32, #tpu.memory_space<vmem>>
      %dma_start3A_266 = arith.constant 0 : i32
      %dma_start3A_267 = tpu.memref_slice %arg4[%dma_start3A_266, %multiple_of3A_254] : memref<32x1000000xf32, #tpu.memory_space<hbm>> -> memref<32x128xf32, #tpu.memory_space<hbm>>
      tpu.enqueue_dma source(%dma_start3A_267 : memref<32x128xf32, #tpu.memory_space<hbm>>) target(%dma_start3A_265 : memref<32x128xf32, #tpu.memory_space<vmem>>) target_semaphore(%arg12 : memref<!tpu.dma_semaphore, #tpu.memory_space<semaphore_mem>>)
      %slice3A_268 = vector.extract_strided_slice %mul3A_31 {offsets = [7], sizes = [1], strides = [1]} : vector<16xi32> to vector<1xi32>
      %squeeze3A_269 = vector.extract %slice3A_268[0] : i32 from vector<1xi32>
      %multiple_of3A_270 = tpu.assume_multiple %squeeze3A_269, 128 : i32
      %dma_start3A_271 = arith.constant 7 : i32
      %dma_start3A_272 = arith.constant 0 : i32
      %dma_start3A_273 = arith.constant 0 : i32
      %dma_start3A_274 = tpu.memref_slice %arg10[%dma_start3A_271, %dma_start3A_272, %dma_start3A_273] : memref<8x32x128xf32, #tpu.memory_space<vmem>> -> memref<1x32x128xf32, #tpu.memory_space<vmem>>
      %dma_start3A_275 = tpu.memref_squeeze %dma_start3A_274 : memref<1x32x128xf32, #tpu.memory_space<vmem>> -> memref<32x128xf32, #tpu.memory_space<vmem>>
      %dma_start3A_276 = arith.constant 0 : i32
      %dma_start3A_277 = tpu.memref_slice %arg5[%dma_start3A_276, %multiple_of3A_270] : memref<32x1000000xf32, #tpu.memory_space<hbm>> -> memref<32x128xf32, #tpu.memory_space<hbm>>
      %dma_start3A_278 = arith.constant 0 : i32
      %dma_start3A_279 = arith.constant 0 : i32
      %dma_start3A_280 = tpu.memref_slice %arg10[%dma_start3A_271, %dma_start3A_278, %dma_start3A_279] : memref<8x32x128xf32, #tpu.memory_space<vmem>> -> memref<1x32x128xf32, #tpu.memory_space<vmem>>
      %dma_start3A_281 = tpu.memref_squeeze %dma_start3A_280 : memref<1x32x128xf32, #tpu.memory_space<vmem>> -> memref<32x128xf32, #tpu.memory_space<vmem>>
      %dma_start3A_282 = arith.constant 0 : i32
      %dma_start3A_283 = tpu.memref_slice %arg5[%dma_start3A_282, %multiple_of3A_270] : memref<32x1000000xf32, #tpu.memory_space<hbm>> -> memref<32x128xf32, #tpu.memory_space<hbm>>
      tpu.enqueue_dma source(%dma_start3A_283 : memref<32x128xf32, #tpu.memory_space<hbm>>) target(%dma_start3A_281 : memref<32x128xf32, #tpu.memory_space<vmem>>) target_semaphore(%arg12 : memref<!tpu.dma_semaphore, #tpu.memory_space<semaphore_mem>>)
      %dma_wait3A = arith.constant 0 : i32
      %dma_wait3A_284 = arith.constant 0 : i32
      %dma_wait3A_285 = arith.constant 0 : i32
      %dma_wait3A_286 = tpu.memref_slice %arg9[%dma_wait3A, %dma_wait3A_284, %dma_wait3A_285] : memref<8x32x128xf32, #tpu.memory_space<vmem>> -> memref<1x32x128xf32, #tpu.memory_space<vmem>>
      %dma_wait3A_287 = tpu.memref_squeeze %dma_wait3A_286 : memref<1x32x128xf32, #tpu.memory_space<vmem>> -> memref<32x128xf32, #tpu.memory_space<vmem>>
      %dma_wait3A_288 = arith.constant 0 : i32
      %dma_wait3A_289 = tpu.memref_slice %arg4[%dma_wait3A_288, %multiple_of3A] : memref<32x1000000xf32, #tpu.memory_space<hbm>> -> memref<32x128xf32, #tpu.memory_space<hbm>>
      %dma_wait3A_290 = arith.constant 0 : i32
      %dma_wait3A_291 = arith.constant 0 : i32
      %dma_wait3A_292 = tpu.memref_slice %arg9[%dma_wait3A, %dma_wait3A_290, %dma_wait3A_291] : memref<8x32x128xf32, #tpu.memory_space<vmem>> -> memref<1x32x128xf32, #tpu.memory_space<vmem>>
      %dma_wait3A_293 = tpu.memref_squeeze %dma_wait3A_292 : memref<1x32x128xf32, #tpu.memory_space<vmem>> -> memref<32x128xf32, #tpu.memory_space<vmem>>
      %dma_wait3A_294 = arith.constant 0 : i32
      %dma_wait3A_295 = tpu.memref_slice %arg4[%dma_wait3A_294, %multiple_of3A] : memref<32x1000000xf32, #tpu.memory_space<hbm>> -> memref<32x128xf32, #tpu.memory_space<hbm>>
      tpu.wait_dma2 semaphore(%arg12 : memref<!tpu.dma_semaphore, #tpu.memory_space<semaphore_mem>>) src(%dma_wait3A_295 : memref<32x128xf32, #tpu.memory_space<hbm>>) dst(%dma_wait3A_293 : memref<32x128xf32, #tpu.memory_space<vmem>>)
      %dma_wait3A_296 = arith.constant 0 : i32
      %dma_wait3A_297 = arith.constant 0 : i32
      %dma_wait3A_298 = arith.constant 0 : i32
      %dma_wait3A_299 = tpu.memref_slice %arg10[%dma_wait3A_296, %dma_wait3A_297, %dma_wait3A_298] : memref<8x32x128xf32, #tpu.memory_space<vmem>> -> memref<1x32x128xf32, #tpu.memory_space<vmem>>
      %dma_wait3A_300 = tpu.memref_squeeze %dma_wait3A_299 : memref<1x32x128xf32, #tpu.memory_space<vmem>> -> memref<32x128xf32, #tpu.memory_space<vmem>>
      %dma_wait3A_301 = arith.constant 0 : i32
      %dma_wait3A_302 = tpu.memref_slice %arg5[%dma_wait3A_301, %multiple_of3A_46] : memref<32x1000000xf32, #tpu.memory_space<hbm>> -> memref<32x128xf32, #tpu.memory_space<hbm>>
      %dma_wait3A_303 = arith.constant 0 : i32
      %dma_wait3A_304 = arith.constant 0 : i32
      %dma_wait3A_305 = tpu.memref_slice %arg10[%dma_wait3A_296, %dma_wait3A_303, %dma_wait3A_304] : memref<8x32x128xf32, #tpu.memory_space<vmem>> -> memref<1x32x128xf32, #tpu.memory_space<vmem>>
      %dma_wait3A_306 = tpu.memref_squeeze %dma_wait3A_305 : memref<1x32x128xf32, #tpu.memory_space<vmem>> -> memref<32x128xf32, #tpu.memory_space<vmem>>
      %dma_wait3A_307 = arith.constant 0 : i32
      %dma_wait3A_308 = tpu.memref_slice %arg5[%dma_wait3A_307, %multiple_of3A_46] : memref<32x1000000xf32, #tpu.memory_space<hbm>> -> memref<32x128xf32, #tpu.memory_space<hbm>>
      tpu.wait_dma2 semaphore(%arg12 : memref<!tpu.dma_semaphore, #tpu.memory_space<semaphore_mem>>) src(%dma_wait3A_308 : memref<32x128xf32, #tpu.memory_space<hbm>>) dst(%dma_wait3A_306 : memref<32x128xf32, #tpu.memory_space<vmem>>)
      %dma_wait3A_309 = arith.constant 1 : i32
      %dma_wait3A_310 = arith.constant 0 : i32
      %dma_wait3A_311 = arith.constant 0 : i32
      %dma_wait3A_312 = tpu.memref_slice %arg9[%dma_wait3A_309, %dma_wait3A_310, %dma_wait3A_311] : memref<8x32x128xf32, #tpu.memory_space<vmem>> -> memref<1x32x128xf32, #tpu.memory_space<vmem>>
      %dma_wait3A_313 = tpu.memref_squeeze %dma_wait3A_312 : memref<1x32x128xf32, #tpu.memory_space<vmem>> -> memref<32x128xf32, #tpu.memory_space<vmem>>
      %dma_wait3A_314 = arith.constant 0 : i32
      %dma_wait3A_315 = tpu.memref_slice %arg4[%dma_wait3A_314, %multiple_of3A_62] : memref<32x1000000xf32, #tpu.memory_space<hbm>> -> memref<32x128xf32, #tpu.memory_space<hbm>>
      %dma_wait3A_316 = arith.constant 0 : i32
      %dma_wait3A_317 = arith.constant 0 : i32
      %dma_wait3A_318 = tpu.memref_slice %arg9[%dma_wait3A_309, %dma_wait3A_316, %dma_wait3A_317] : memref<8x32x128xf32, #tpu.memory_space<vmem>> -> memref<1x32x128xf32, #tpu.memory_space<vmem>>
      %dma_wait3A_319 = tpu.memref_squeeze %dma_wait3A_318 : memref<1x32x128xf32, #tpu.memory_space<vmem>> -> memref<32x128xf32, #tpu.memory_space<vmem>>
      %dma_wait3A_320 = arith.constant 0 : i32
      %dma_wait3A_321 = tpu.memref_slice %arg4[%dma_wait3A_320, %multiple_of3A_62] : memref<32x1000000xf32, #tpu.memory_space<hbm>> -> memref<32x128xf32, #tpu.memory_space<hbm>>
      tpu.wait_dma2 semaphore(%arg12 : memref<!tpu.dma_semaphore, #tpu.memory_space<semaphore_mem>>) src(%dma_wait3A_321 : memref<32x128xf32, #tpu.memory_space<hbm>>) dst(%dma_wait3A_319 : memref<32x128xf32, #tpu.memory_space<vmem>>)
      %dma_wait3A_322 = arith.constant 1 : i32
      %dma_wait3A_323 = arith.constant 0 : i32
      %dma_wait3A_324 = arith.constant 0 : i32
      %dma_wait3A_325 = tpu.memref_slice %arg10[%dma_wait3A_322, %dma_wait3A_323, %dma_wait3A_324] : memref<8x32x128xf32, #tpu.memory_space<vmem>> -> memref<1x32x128xf32, #tpu.memory_space<vmem>>
      %dma_wait3A_326 = tpu.memref_squeeze %dma_wait3A_325 : memref<1x32x128xf32, #tpu.memory_space<vmem>> -> memref<32x128xf32, #tpu.memory_space<vmem>>
      %dma_wait3A_327 = arith.constant 0 : i32
      %dma_wait3A_328 = tpu.memref_slice %arg5[%dma_wait3A_327, %multiple_of3A_78] : memref<32x1000000xf32, #tpu.memory_space<hbm>> -> memref<32x128xf32, #tpu.memory_space<hbm>>
      %dma_wait3A_329 = arith.constant 0 : i32
      %dma_wait3A_330 = arith.constant 0 : i32
      %dma_wait3A_331 = tpu.memref_slice %arg10[%dma_wait3A_322, %dma_wait3A_329, %dma_wait3A_330] : memref<8x32x128xf32, #tpu.memory_space<vmem>> -> memref<1x32x128xf32, #tpu.memory_space<vmem>>
      %dma_wait3A_332 = tpu.memref_squeeze %dma_wait3A_331 : memref<1x32x128xf32, #tpu.memory_space<vmem>> -> memref<32x128xf32, #tpu.memory_space<vmem>>
      %dma_wait3A_333 = arith.constant 0 : i32
      %dma_wait3A_334 = tpu.memref_slice %arg5[%dma_wait3A_333, %multiple_of3A_78] : memref<32x1000000xf32, #tpu.memory_space<hbm>> -> memref<32x128xf32, #tpu.memory_space<hbm>>
      tpu.wait_dma2 semaphore(%arg12 : memref<!tpu.dma_semaphore, #tpu.memory_space<semaphore_mem>>) src(%dma_wait3A_334 : memref<32x128xf32, #tpu.memory_space<hbm>>) dst(%dma_wait3A_332 : memref<32x128xf32, #tpu.memory_space<vmem>>)
      %dma_wait3A_335 = arith.constant 2 : i32
      %dma_wait3A_336 = arith.constant 0 : i32
      %dma_wait3A_337 = arith.constant 0 : i32
      %dma_wait3A_338 = tpu.memref_slice %arg9[%dma_wait3A_335, %dma_wait3A_336, %dma_wait3A_337] : memref<8x32x128xf32, #tpu.memory_space<vmem>> -> memref<1x32x128xf32, #tpu.memory_space<vmem>>
      %dma_wait3A_339 = tpu.memref_squeeze %dma_wait3A_338 : memref<1x32x128xf32, #tpu.memory_space<vmem>> -> memref<32x128xf32, #tpu.memory_space<vmem>>
      %dma_wait3A_340 = arith.constant 0 : i32
      %dma_wait3A_341 = tpu.memref_slice %arg4[%dma_wait3A_340, %multiple_of3A_94] : memref<32x1000000xf32, #tpu.memory_space<hbm>> -> memref<32x128xf32, #tpu.memory_space<hbm>>
      %dma_wait3A_342 = arith.constant 0 : i32
      %dma_wait3A_343 = arith.constant 0 : i32
      %dma_wait3A_344 = tpu.memref_slice %arg9[%dma_wait3A_335, %dma_wait3A_342, %dma_wait3A_343] : memref<8x32x128xf32, #tpu.memory_space<vmem>> -> memref<1x32x128xf32, #tpu.memory_space<vmem>>
      %dma_wait3A_345 = tpu.memref_squeeze %dma_wait3A_344 : memref<1x32x128xf32, #tpu.memory_space<vmem>> -> memref<32x128xf32, #tpu.memory_space<vmem>>
      %dma_wait3A_346 = arith.constant 0 : i32
      %dma_wait3A_347 = tpu.memref_slice %arg4[%dma_wait3A_346, %multiple_of3A_94] : memref<32x1000000xf32, #tpu.memory_space<hbm>> -> memref<32x128xf32, #tpu.memory_space<hbm>>
      tpu.wait_dma2 semaphore(%arg12 : memref<!tpu.dma_semaphore, #tpu.memory_space<semaphore_mem>>) src(%dma_wait3A_347 : memref<32x128xf32, #tpu.memory_space<hbm>>) dst(%dma_wait3A_345 : memref<32x128xf32, #tpu.memory_space<vmem>>)
      %dma_wait3A_348 = arith.constant 2 : i32
      %dma_wait3A_349 = arith.constant 0 : i32
      %dma_wait3A_350 = arith.constant 0 : i32
      %dma_wait3A_351 = tpu.memref_slice %arg10[%dma_wait3A_348, %dma_wait3A_349, %dma_wait3A_350] : memref<8x32x128xf32, #tpu.memory_space<vmem>> -> memref<1x32x128xf32, #tpu.memory_space<vmem>>
      %dma_wait3A_352 = tpu.memref_squeeze %dma_wait3A_351 : memref<1x32x128xf32, #tpu.memory_space<vmem>> -> memref<32x128xf32, #tpu.memory_space<vmem>>
      %dma_wait3A_353 = arith.constant 0 : i32
      %dma_wait3A_354 = tpu.memref_slice %arg5[%dma_wait3A_353, %multiple_of3A_110] : memref<32x1000000xf32, #tpu.memory_space<hbm>> -> memref<32x128xf32, #tpu.memory_space<hbm>>
      %dma_wait3A_355 = arith.constant 0 : i32
      %dma_wait3A_356 = arith.constant 0 : i32
      %dma_wait3A_357 = tpu.memref_slice %arg10[%dma_wait3A_348, %dma_wait3A_355, %dma_wait3A_356] : memref<8x32x128xf32, #tpu.memory_space<vmem>> -> memref<1x32x128xf32, #tpu.memory_space<vmem>>
      %dma_wait3A_358 = tpu.memref_squeeze %dma_wait3A_357 : memref<1x32x128xf32, #tpu.memory_space<vmem>> -> memref<32x128xf32, #tpu.memory_space<vmem>>
      %dma_wait3A_359 = arith.constant 0 : i32
      %dma_wait3A_360 = tpu.memref_slice %arg5[%dma_wait3A_359, %multiple_of3A_110] : memref<32x1000000xf32, #tpu.memory_space<hbm>> -> memref<32x128xf32, #tpu.memory_space<hbm>>
      tpu.wait_dma2 semaphore(%arg12 : memref<!tpu.dma_semaphore, #tpu.memory_space<semaphore_mem>>) src(%dma_wait3A_360 : memref<32x128xf32, #tpu.memory_space<hbm>>) dst(%dma_wait3A_358 : memref<32x128xf32, #tpu.memory_space<vmem>>)
      %dma_wait3A_361 = arith.constant 3 : i32
      %dma_wait3A_362 = arith.constant 0 : i32
      %dma_wait3A_363 = arith.constant 0 : i32
      %dma_wait3A_364 = tpu.memref_slice %arg9[%dma_wait3A_361, %dma_wait3A_362, %dma_wait3A_363] : memref<8x32x128xf32, #tpu.memory_space<vmem>> -> memref<1x32x128xf32, #tpu.memory_space<vmem>>
      %dma_wait3A_365 = tpu.memref_squeeze %dma_wait3A_364 : memref<1x32x128xf32, #tpu.memory_space<vmem>> -> memref<32x128xf32, #tpu.memory_space<vmem>>
      %dma_wait3A_366 = arith.constant 0 : i32
      %dma_wait3A_367 = tpu.memref_slice %arg4[%dma_wait3A_366, %multiple_of3A_126] : memref<32x1000000xf32, #tpu.memory_space<hbm>> -> memref<32x128xf32, #tpu.memory_space<hbm>>
      %dma_wait3A_368 = arith.constant 0 : i32
      %dma_wait3A_369 = arith.constant 0 : i32
      %dma_wait3A_370 = tpu.memref_slice %arg9[%dma_wait3A_361, %dma_wait3A_368, %dma_wait3A_369] : memref<8x32x128xf32, #tpu.memory_space<vmem>> -> memref<1x32x128xf32, #tpu.memory_space<vmem>>
      %dma_wait3A_371 = tpu.memref_squeeze %dma_wait3A_370 : memref<1x32x128xf32, #tpu.memory_space<vmem>> -> memref<32x128xf32, #tpu.memory_space<vmem>>
      %dma_wait3A_372 = arith.constant 0 : i32
      %dma_wait3A_373 = tpu.memref_slice %arg4[%dma_wait3A_372, %multiple_of3A_126] : memref<32x1000000xf32, #tpu.memory_space<hbm>> -> memref<32x128xf32, #tpu.memory_space<hbm>>
      tpu.wait_dma2 semaphore(%arg12 : memref<!tpu.dma_semaphore, #tpu.memory_space<semaphore_mem>>) src(%dma_wait3A_373 : memref<32x128xf32, #tpu.memory_space<hbm>>) dst(%dma_wait3A_371 : memref<32x128xf32, #tpu.memory_space<vmem>>)
      %dma_wait3A_374 = arith.constant 3 : i32
      %dma_wait3A_375 = arith.constant 0 : i32
      %dma_wait3A_376 = arith.constant 0 : i32
      %dma_wait3A_377 = tpu.memref_slice %arg10[%dma_wait3A_374, %dma_wait3A_375, %dma_wait3A_376] : memref<8x32x128xf32, #tpu.memory_space<vmem>> -> memref<1x32x128xf32, #tpu.memory_space<vmem>>
      %dma_wait3A_378 = tpu.memref_squeeze %dma_wait3A_377 : memref<1x32x128xf32, #tpu.memory_space<vmem>> -> memref<32x128xf32, #tpu.memory_space<vmem>>
      %dma_wait3A_379 = arith.constant 0 : i32
      %dma_wait3A_380 = tpu.memref_slice %arg5[%dma_wait3A_379, %multiple_of3A_142] : memref<32x1000000xf32, #tpu.memory_space<hbm>> -> memref<32x128xf32, #tpu.memory_space<hbm>>
      %dma_wait3A_381 = arith.constant 0 : i32
      %dma_wait3A_382 = arith.constant 0 : i32
      %dma_wait3A_383 = tpu.memref_slice %arg10[%dma_wait3A_374, %dma_wait3A_381, %dma_wait3A_382] : memref<8x32x128xf32, #tpu.memory_space<vmem>> -> memref<1x32x128xf32, #tpu.memory_space<vmem>>
      %dma_wait3A_384 = tpu.memref_squeeze %dma_wait3A_383 : memref<1x32x128xf32, #tpu.memory_space<vmem>> -> memref<32x128xf32, #tpu.memory_space<vmem>>
      %dma_wait3A_385 = arith.constant 0 : i32
      %dma_wait3A_386 = tpu.memref_slice %arg5[%dma_wait3A_385, %multiple_of3A_142] : memref<32x1000000xf32, #tpu.memory_space<hbm>> -> memref<32x128xf32, #tpu.memory_space<hbm>>
      tpu.wait_dma2 semaphore(%arg12 : memref<!tpu.dma_semaphore, #tpu.memory_space<semaphore_mem>>) src(%dma_wait3A_386 : memref<32x128xf32, #tpu.memory_space<hbm>>) dst(%dma_wait3A_384 : memref<32x128xf32, #tpu.memory_space<vmem>>)
      %dma_wait3A_387 = arith.constant 4 : i32
      %dma_wait3A_388 = arith.constant 0 : i32
      %dma_wait3A_389 = arith.constant 0 : i32
      %dma_wait3A_390 = tpu.memref_slice %arg9[%dma_wait3A_387, %dma_wait3A_388, %dma_wait3A_389] : memref<8x32x128xf32, #tpu.memory_space<vmem>> -> memref<1x32x128xf32, #tpu.memory_space<vmem>>
      %dma_wait3A_391 = tpu.memref_squeeze %dma_wait3A_390 : memref<1x32x128xf32, #tpu.memory_space<vmem>> -> memref<32x128xf32, #tpu.memory_space<vmem>>
      %dma_wait3A_392 = arith.constant 0 : i32
      %dma_wait3A_393 = tpu.memref_slice %arg4[%dma_wait3A_392, %multiple_of3A_158] : memref<32x1000000xf32, #tpu.memory_space<hbm>> -> memref<32x128xf32, #tpu.memory_space<hbm>>
      %dma_wait3A_394 = arith.constant 0 : i32
      %dma_wait3A_395 = arith.constant 0 : i32
      %dma_wait3A_396 = tpu.memref_slice %arg9[%dma_wait3A_387, %dma_wait3A_394, %dma_wait3A_395] : memref<8x32x128xf32, #tpu.memory_space<vmem>> -> memref<1x32x128xf32, #tpu.memory_space<vmem>>
      %dma_wait3A_397 = tpu.memref_squeeze %dma_wait3A_396 : memref<1x32x128xf32, #tpu.memory_space<vmem>> -> memref<32x128xf32, #tpu.memory_space<vmem>>
      %dma_wait3A_398 = arith.constant 0 : i32
      %dma_wait3A_399 = tpu.memref_slice %arg4[%dma_wait3A_398, %multiple_of3A_158] : memref<32x1000000xf32, #tpu.memory_space<hbm>> -> memref<32x128xf32, #tpu.memory_space<hbm>>
      tpu.wait_dma2 semaphore(%arg12 : memref<!tpu.dma_semaphore, #tpu.memory_space<semaphore_mem>>) src(%dma_wait3A_399 : memref<32x128xf32, #tpu.memory_space<hbm>>) dst(%dma_wait3A_397 : memref<32x128xf32, #tpu.memory_space<vmem>>)
      %dma_wait3A_400 = arith.constant 4 : i32
      %dma_wait3A_401 = arith.constant 0 : i32
      %dma_wait3A_402 = arith.constant 0 : i32
      %dma_wait3A_403 = tpu.memref_slice %arg10[%dma_wait3A_400, %dma_wait3A_401, %dma_wait3A_402] : memref<8x32x128xf32, #tpu.memory_space<vmem>> -> memref<1x32x128xf32, #tpu.memory_space<vmem>>
      %dma_wait3A_404 = tpu.memref_squeeze %dma_wait3A_403 : memref<1x32x128xf32, #tpu.memory_space<vmem>> -> memref<32x128xf32, #tpu.memory_space<vmem>>
      %dma_wait3A_405 = arith.constant 0 : i32
      %dma_wait3A_406 = tpu.memref_slice %arg5[%dma_wait3A_405, %multiple_of3A_174] : memref<32x1000000xf32, #tpu.memory_space<hbm>> -> memref<32x128xf32, #tpu.memory_space<hbm>>
      %dma_wait3A_407 = arith.constant 0 : i32
      %dma_wait3A_408 = arith.constant 0 : i32
      %dma_wait3A_409 = tpu.memref_slice %arg10[%dma_wait3A_400, %dma_wait3A_407, %dma_wait3A_408] : memref<8x32x128xf32, #tpu.memory_space<vmem>> -> memref<1x32x128xf32, #tpu.memory_space<vmem>>
      %dma_wait3A_410 = tpu.memref_squeeze %dma_wait3A_409 : memref<1x32x128xf32, #tpu.memory_space<vmem>> -> memref<32x128xf32, #tpu.memory_space<vmem>>
      %dma_wait3A_411 = arith.constant 0 : i32
      %dma_wait3A_412 = tpu.memref_slice %arg5[%dma_wait3A_411, %multiple_of3A_174] : memref<32x1000000xf32, #tpu.memory_space<hbm>> -> memref<32x128xf32, #tpu.memory_space<hbm>>
      tpu.wait_dma2 semaphore(%arg12 : memref<!tpu.dma_semaphore, #tpu.memory_space<semaphore_mem>>) src(%dma_wait3A_412 : memref<32x128xf32, #tpu.memory_space<hbm>>) dst(%dma_wait3A_410 : memref<32x128xf32, #tpu.memory_space<vmem>>)
      %dma_wait3A_413 = arith.constant 5 : i32
      %dma_wait3A_414 = arith.constant 0 : i32
      %dma_wait3A_415 = arith.constant 0 : i32
      %dma_wait3A_416 = tpu.memref_slice %arg9[%dma_wait3A_413, %dma_wait3A_414, %dma_wait3A_415] : memref<8x32x128xf32, #tpu.memory_space<vmem>> -> memref<1x32x128xf32, #tpu.memory_space<vmem>>
      %dma_wait3A_417 = tpu.memref_squeeze %dma_wait3A_416 : memref<1x32x128xf32, #tpu.memory_space<vmem>> -> memref<32x128xf32, #tpu.memory_space<vmem>>
      %dma_wait3A_418 = arith.constant 0 : i32
      %dma_wait3A_419 = tpu.memref_slice %arg4[%dma_wait3A_418, %multiple_of3A_190] : memref<32x1000000xf32, #tpu.memory_space<hbm>> -> memref<32x128xf32, #tpu.memory_space<hbm>>
      %dma_wait3A_420 = arith.constant 0 : i32
      %dma_wait3A_421 = arith.constant 0 : i32
      %dma_wait3A_422 = tpu.memref_slice %arg9[%dma_wait3A_413, %dma_wait3A_420, %dma_wait3A_421] : memref<8x32x128xf32, #tpu.memory_space<vmem>> -> memref<1x32x128xf32, #tpu.memory_space<vmem>>
      %dma_wait3A_423 = tpu.memref_squeeze %dma_wait3A_422 : memref<1x32x128xf32, #tpu.memory_space<vmem>> -> memref<32x128xf32, #tpu.memory_space<vmem>>
      %dma_wait3A_424 = arith.constant 0 : i32
      %dma_wait3A_425 = tpu.memref_slice %arg4[%dma_wait3A_424, %multiple_of3A_190] : memref<32x1000000xf32, #tpu.memory_space<hbm>> -> memref<32x128xf32, #tpu.memory_space<hbm>>
      tpu.wait_dma2 semaphore(%arg12 : memref<!tpu.dma_semaphore, #tpu.memory_space<semaphore_mem>>) src(%dma_wait3A_425 : memref<32x128xf32, #tpu.memory_space<hbm>>) dst(%dma_wait3A_423 : memref<32x128xf32, #tpu.memory_space<vmem>>)
      %dma_wait3A_426 = arith.constant 5 : i32
      %dma_wait3A_427 = arith.constant 0 : i32
      %dma_wait3A_428 = arith.constant 0 : i32
      %dma_wait3A_429 = tpu.memref_slice %arg10[%dma_wait3A_426, %dma_wait3A_427, %dma_wait3A_428] : memref<8x32x128xf32, #tpu.memory_space<vmem>> -> memref<1x32x128xf32, #tpu.memory_space<vmem>>
      %dma_wait3A_430 = tpu.memref_squeeze %dma_wait3A_429 : memref<1x32x128xf32, #tpu.memory_space<vmem>> -> memref<32x128xf32, #tpu.memory_space<vmem>>
      %dma_wait3A_431 = arith.constant 0 : i32
      %dma_wait3A_432 = tpu.memref_slice %arg5[%dma_wait3A_431, %multiple_of3A_206] : memref<32x1000000xf32, #tpu.memory_space<hbm>> -> memref<32x128xf32, #tpu.memory_space<hbm>>
      %dma_wait3A_433 = arith.constant 0 : i32
      %dma_wait3A_434 = arith.constant 0 : i32
      %dma_wait3A_435 = tpu.memref_slice %arg10[%dma_wait3A_426, %dma_wait3A_433, %dma_wait3A_434] : memref<8x32x128xf32, #tpu.memory_space<vmem>> -> memref<1x32x128xf32, #tpu.memory_space<vmem>>
      %dma_wait3A_436 = tpu.memref_squeeze %dma_wait3A_435 : memref<1x32x128xf32, #tpu.memory_space<vmem>> -> memref<32x128xf32, #tpu.memory_space<vmem>>
      %dma_wait3A_437 = arith.constant 0 : i32
      %dma_wait3A_438 = tpu.memref_slice %arg5[%dma_wait3A_437, %multiple_of3A_206] : memref<32x1000000xf32, #tpu.memory_space<hbm>> -> memref<32x128xf32, #tpu.memory_space<hbm>>
      tpu.wait_dma2 semaphore(%arg12 : memref<!tpu.dma_semaphore, #tpu.memory_space<semaphore_mem>>) src(%dma_wait3A_438 : memref<32x128xf32, #tpu.memory_space<hbm>>) dst(%dma_wait3A_436 : memref<32x128xf32, #tpu.memory_space<vmem>>)
      %dma_wait3A_439 = arith.constant 6 : i32
      %dma_wait3A_440 = arith.constant 0 : i32
      %dma_wait3A_441 = arith.constant 0 : i32
      %dma_wait3A_442 = tpu.memref_slice %arg9[%dma_wait3A_439, %dma_wait3A_440, %dma_wait3A_441] : memref<8x32x128xf32, #tpu.memory_space<vmem>> -> memref<1x32x128xf32, #tpu.memory_space<vmem>>
      %dma_wait3A_443 = tpu.memref_squeeze %dma_wait3A_442 : memref<1x32x128xf32, #tpu.memory_space<vmem>> -> memref<32x128xf32, #tpu.memory_space<vmem>>
      %dma_wait3A_444 = arith.constant 0 : i32
      %dma_wait3A_445 = tpu.memref_slice %arg4[%dma_wait3A_444, %multiple_of3A_222] : memref<32x1000000xf32, #tpu.memory_space<hbm>> -> memref<32x128xf32, #tpu.memory_space<hbm>>
      %dma_wait3A_446 = arith.constant 0 : i32
      %dma_wait3A_447 = arith.constant 0 : i32
      %dma_wait3A_448 = tpu.memref_slice %arg9[%dma_wait3A_439, %dma_wait3A_446, %dma_wait3A_447] : memref<8x32x128xf32, #tpu.memory_space<vmem>> -> memref<1x32x128xf32, #tpu.memory_space<vmem>>
      %dma_wait3A_449 = tpu.memref_squeeze %dma_wait3A_448 : memref<1x32x128xf32, #tpu.memory_space<vmem>> -> memref<32x128xf32, #tpu.memory_space<vmem>>
      %dma_wait3A_450 = arith.constant 0 : i32
      %dma_wait3A_451 = tpu.memref_slice %arg4[%dma_wait3A_450, %multiple_of3A_222] : memref<32x1000000xf32, #tpu.memory_space<hbm>> -> memref<32x128xf32, #tpu.memory_space<hbm>>
      tpu.wait_dma2 semaphore(%arg12 : memref<!tpu.dma_semaphore, #tpu.memory_space<semaphore_mem>>) src(%dma_wait3A_451 : memref<32x128xf32, #tpu.memory_space<hbm>>) dst(%dma_wait3A_449 : memref<32x128xf32, #tpu.memory_space<vmem>>)
      %dma_wait3A_452 = arith.constant 6 : i32
      %dma_wait3A_453 = arith.constant 0 : i32
      %dma_wait3A_454 = arith.constant 0 : i32
      %dma_wait3A_455 = tpu.memref_slice %arg10[%dma_wait3A_452, %dma_wait3A_453, %dma_wait3A_454] : memref<8x32x128xf32, #tpu.memory_space<vmem>> -> memref<1x32x128xf32, #tpu.memory_space<vmem>>
      %dma_wait3A_456 = tpu.memref_squeeze %dma_wait3A_455 : memref<1x32x128xf32, #tpu.memory_space<vmem>> -> memref<32x128xf32, #tpu.memory_space<vmem>>
      %dma_wait3A_457 = arith.constant 0 : i32
      %dma_wait3A_458 = tpu.memref_slice %arg5[%dma_wait3A_457, %multiple_of3A_238] : memref<32x1000000xf32, #tpu.memory_space<hbm>> -> memref<32x128xf32, #tpu.memory_space<hbm>>
      %dma_wait3A_459 = arith.constant 0 : i32
      %dma_wait3A_460 = arith.constant 0 : i32
      %dma_wait3A_461 = tpu.memref_slice %arg10[%dma_wait3A_452, %dma_wait3A_459, %dma_wait3A_460] : memref<8x32x128xf32, #tpu.memory_space<vmem>> -> memref<1x32x128xf32, #tpu.memory_space<vmem>>
      %dma_wait3A_462 = tpu.memref_squeeze %dma_wait3A_461 : memref<1x32x128xf32, #tpu.memory_space<vmem>> -> memref<32x128xf32, #tpu.memory_space<vmem>>
      %dma_wait3A_463 = arith.constant 0 : i32
      %dma_wait3A_464 = tpu.memref_slice %arg5[%dma_wait3A_463, %multiple_of3A_238] : memref<32x1000000xf32, #tpu.memory_space<hbm>> -> memref<32x128xf32, #tpu.memory_space<hbm>>
      tpu.wait_dma2 semaphore(%arg12 : memref<!tpu.dma_semaphore, #tpu.memory_space<semaphore_mem>>) src(%dma_wait3A_464 : memref<32x128xf32, #tpu.memory_space<hbm>>) dst(%dma_wait3A_462 : memref<32x128xf32, #tpu.memory_space<vmem>>)
      %dma_wait3A_465 = arith.constant 7 : i32
      %dma_wait3A_466 = arith.constant 0 : i32
      %dma_wait3A_467 = arith.constant 0 : i32
      %dma_wait3A_468 = tpu.memref_slice %arg9[%dma_wait3A_465, %dma_wait3A_466, %dma_wait3A_467] : memref<8x32x128xf32, #tpu.memory_space<vmem>> -> memref<1x32x128xf32, #tpu.memory_space<vmem>>
      %dma_wait3A_469 = tpu.memref_squeeze %dma_wait3A_468 : memref<1x32x128xf32, #tpu.memory_space<vmem>> -> memref<32x128xf32, #tpu.memory_space<vmem>>
      %dma_wait3A_470 = arith.constant 0 : i32
      %dma_wait3A_471 = tpu.memref_slice %arg4[%dma_wait3A_470, %multiple_of3A_254] : memref<32x1000000xf32, #tpu.memory_space<hbm>> -> memref<32x128xf32, #tpu.memory_space<hbm>>
      %dma_wait3A_472 = arith.constant 0 : i32
      %dma_wait3A_473 = arith.constant 0 : i32
      %dma_wait3A_474 = tpu.memref_slice %arg9[%dma_wait3A_465, %dma_wait3A_472, %dma_wait3A_473] : memref<8x32x128xf32, #tpu.memory_space<vmem>> -> memref<1x32x128xf32, #tpu.memory_space<vmem>>
      %dma_wait3A_475 = tpu.memref_squeeze %dma_wait3A_474 : memref<1x32x128xf32, #tpu.memory_space<vmem>> -> memref<32x128xf32, #tpu.memory_space<vmem>>
      %dma_wait3A_476 = arith.constant 0 : i32
      %dma_wait3A_477 = tpu.memref_slice %arg4[%dma_wait3A_476, %multiple_of3A_254] : memref<32x1000000xf32, #tpu.memory_space<hbm>> -> memref<32x128xf32, #tpu.memory_space<hbm>>
      tpu.wait_dma2 semaphore(%arg12 : memref<!tpu.dma_semaphore, #tpu.memory_space<semaphore_mem>>) src(%dma_wait3A_477 : memref<32x128xf32, #tpu.memory_space<hbm>>) dst(%dma_wait3A_475 : memref<32x128xf32, #tpu.memory_space<vmem>>)
      %dma_wait3A_478 = arith.constant 7 : i32
      %dma_wait3A_479 = arith.constant 0 : i32
      %dma_wait3A_480 = arith.constant 0 : i32
      %dma_wait3A_481 = tpu.memref_slice %arg10[%dma_wait3A_478, %dma_wait3A_479, %dma_wait3A_480] : memref<8x32x128xf32, #tpu.memory_space<vmem>> -> memref<1x32x128xf32, #tpu.memory_space<vmem>>
      %dma_wait3A_482 = tpu.memref_squeeze %dma_wait3A_481 : memref<1x32x128xf32, #tpu.memory_space<vmem>> -> memref<32x128xf32, #tpu.memory_space<vmem>>
      %dma_wait3A_483 = arith.constant 0 : i32
      %dma_wait3A_484 = tpu.memref_slice %arg5[%dma_wait3A_483, %multiple_of3A_270] : memref<32x1000000xf32, #tpu.memory_space<hbm>> -> memref<32x128xf32, #tpu.memory_space<hbm>>
      %dma_wait3A_485 = arith.constant 0 : i32
      %dma_wait3A_486 = arith.constant 0 : i32
      %dma_wait3A_487 = tpu.memref_slice %arg10[%dma_wait3A_478, %dma_wait3A_485, %dma_wait3A_486] : memref<8x32x128xf32, #tpu.memory_space<vmem>> -> memref<1x32x128xf32, #tpu.memory_space<vmem>>
      %dma_wait3A_488 = tpu.memref_squeeze %dma_wait3A_487 : memref<1x32x128xf32, #tpu.memory_space<vmem>> -> memref<32x128xf32, #tpu.memory_space<vmem>>
      %dma_wait3A_489 = arith.constant 0 : i32
      %dma_wait3A_490 = tpu.memref_slice %arg5[%dma_wait3A_489, %multiple_of3A_270] : memref<32x1000000xf32, #tpu.memory_space<hbm>> -> memref<32x128xf32, #tpu.memory_space<hbm>>
      tpu.wait_dma2 semaphore(%arg12 : memref<!tpu.dma_semaphore, #tpu.memory_space<semaphore_mem>>) src(%dma_wait3A_490 : memref<32x128xf32, #tpu.memory_space<hbm>>) dst(%dma_wait3A_488 : memref<32x128xf32, #tpu.memory_space<vmem>>)
      %mul3A_491 = arith.constant 16 : i32
      %mul3A_492 = arith.muli %scan3A_13, %mul3A_491 : i32
      %add3A_493 = arith.constant 0 : i32
      %add3A_494 = arith.addi %mul3A_492, %add3A_493 : i32
      %add3A_495 = vector.broadcast %add3A_494 : i32 to vector<16xi32>
      %add3A_496 = arith.addi %add3A_495, %min3A_4 : vector<16xi32>
      %gather3A = tpu.vector_load_idx %arg7[%add3A_496] : memref<512xi32, #tpu.memory_space<vmem>>[vector<16xi32>], vector<16xi32>,
      %and3A = arith.constant 127 : i32
      %and3A_497 = vector.broadcast %and3A : i32 to vector<16xi32>
      %and3A_498 = arith.andi %gather3A, %and3A_497 : vector<16xi32>
      %gather3A_499 = tpu.vector_load_idx %arg8[%add3A_496] : memref<512xi32, #tpu.memory_space<vmem>>[vector<16xi32>], vector<16xi32>,
      %and3A_500 = arith.constant 127 : i32
      %and3A_501 = vector.broadcast %and3A_500 : i32 to vector<16xi32>
      %and3A_502 = arith.andi %gather3A_499, %and3A_501 : vector<16xi32>
      %gather3A_503 = tpu.vector_load_idx %arg9[%min3A_4, %broadcast_in_dim3A_7, %and3A_498] : memref<8x32x128xf32, #tpu.memory_space<vmem>>[vector<16xi32>, vector<16xi32>, vector<16xi32>], vector<16xf32>,
      %gather3A_504 = tpu.vector_load_idx %arg10[%min3A_4, %broadcast_in_dim3A_7, %and3A_502] : memref<8x32x128xf32, #tpu.memory_space<vmem>>[vector<16xi32>, vector<16xi32>, vector<16xi32>], vector<16xf32>,
      %mul3A_505 = arith.mulf %gather3A_503, %gather3A_504 : vector<16xf32>
      %broadcast_in_dim3A_506 = arith.constant 1 : i32
      %broadcast_in_dim3A_507 = vector.broadcast %broadcast_in_dim3A_506 : i32 to vector<16xi32>
      %gather3A_508 = tpu.vector_load_idx %arg9[%min3A_4, %broadcast_in_dim3A_507, %and3A_498] : memref<8x32x128xf32, #tpu.memory_space<vmem>>[vector<16xi32>, vector<16xi32>, vector<16xi32>], vector<16xf32>,
      %gather3A_509 = tpu.vector_load_idx %arg10[%min3A_4, %broadcast_in_dim3A_507, %and3A_502] : memref<8x32x128xf32, #tpu.memory_space<vmem>>[vector<16xi32>, vector<16xi32>, vector<16xi32>], vector<16xf32>,
      %mul3A_510 = arith.mulf %gather3A_508, %gather3A_509 : vector<16xf32>
      %add3A_511 = arith.addf %mul3A_505, %mul3A_510 : vector<16xf32>
      %broadcast_in_dim3A_512 = arith.constant 2 : i32
      %broadcast_in_dim3A_513 = vector.broadcast %broadcast_in_dim3A_512 : i32 to vector<16xi32>
      %gather3A_514 = tpu.vector_load_idx %arg9[%min3A_4, %broadcast_in_dim3A_513, %and3A_498] : memref<8x32x128xf32, #tpu.memory_space<vmem>>[vector<16xi32>, vector<16xi32>, vector<16xi32>], vector<16xf32>,
      %gather3A_515 = tpu.vector_load_idx %arg10[%min3A_4, %broadcast_in_dim3A_513, %and3A_502] : memref<8x32x128xf32, #tpu.memory_space<vmem>>[vector<16xi32>, vector<16xi32>, vector<16xi32>], vector<16xf32>,
      %mul3A_516 = arith.mulf %gather3A_514, %gather3A_515 : vector<16xf32>
      %add3A_517 = arith.addf %add3A_511, %mul3A_516 : vector<16xf32>
      %broadcast_in_dim3A_518 = arith.constant 3 : i32
      %broadcast_in_dim3A_519 = vector.broadcast %broadcast_in_dim3A_518 : i32 to vector<16xi32>
      %gather3A_520 = tpu.vector_load_idx %arg9[%min3A_4, %broadcast_in_dim3A_519, %and3A_498] : memref<8x32x128xf32, #tpu.memory_space<vmem>>[vector<16xi32>, vector<16xi32>, vector<16xi32>], vector<16xf32>,
      %gather3A_521 = tpu.vector_load_idx %arg10[%min3A_4, %broadcast_in_dim3A_519, %and3A_502] : memref<8x32x128xf32, #tpu.memory_space<vmem>>[vector<16xi32>, vector<16xi32>, vector<16xi32>], vector<16xf32>,
      %mul3A_522 = arith.mulf %gather3A_520, %gather3A_521 : vector<16xf32>
      %add3A_523 = arith.addf %add3A_517, %mul3A_522 : vector<16xf32>
      %broadcast_in_dim3A_524 = arith.constant 4 : i32
      %broadcast_in_dim3A_525 = vector.broadcast %broadcast_in_dim3A_524 : i32 to vector<16xi32>
      %gather3A_526 = tpu.vector_load_idx %arg9[%min3A_4, %broadcast_in_dim3A_525, %and3A_498] : memref<8x32x128xf32, #tpu.memory_space<vmem>>[vector<16xi32>, vector<16xi32>, vector<16xi32>], vector<16xf32>,
      %gather3A_527 = tpu.vector_load_idx %arg10[%min3A_4, %broadcast_in_dim3A_525, %and3A_502] : memref<8x32x128xf32, #tpu.memory_space<vmem>>[vector<16xi32>, vector<16xi32>, vector<16xi32>], vector<16xf32>,
      %mul3A_528 = arith.mulf %gather3A_526, %gather3A_527 : vector<16xf32>
      %add3A_529 = arith.addf %add3A_523, %mul3A_528 : vector<16xf32>
      %broadcast_in_dim3A_530 = arith.constant 5 : i32
      %broadcast_in_dim3A_531 = vector.broadcast %broadcast_in_dim3A_530 : i32 to vector<16xi32>
      %gather3A_532 = tpu.vector_load_idx %arg9[%min3A_4, %broadcast_in_dim3A_531, %and3A_498] : memref<8x32x128xf32, #tpu.memory_space<vmem>>[vector<16xi32>, vector<16xi32>, vector<16xi32>], vector<16xf32>,
      %gather3A_533 = tpu.vector_load_idx %arg10[%min3A_4, %broadcast_in_dim3A_531, %and3A_502] : memref<8x32x128xf32, #tpu.memory_space<vmem>>[vector<16xi32>, vector<16xi32>, vector<16xi32>], vector<16xf32>,
      %mul3A_534 = arith.mulf %gather3A_532, %gather3A_533 : vector<16xf32>
      %add3A_535 = arith.addf %add3A_529, %mul3A_534 : vector<16xf32>
      %broadcast_in_dim3A_536 = arith.constant 6 : i32
      %broadcast_in_dim3A_537 = vector.broadcast %broadcast_in_dim3A_536 : i32 to vector<16xi32>
      %gather3A_538 = tpu.vector_load_idx %arg9[%min3A_4, %broadcast_in_dim3A_537, %and3A_498] : memref<8x32x128xf32, #tpu.memory_space<vmem>>[vector<16xi32>, vector<16xi32>, vector<16xi32>], vector<16xf32>,
      %gather3A_539 = tpu.vector_load_idx %arg10[%min3A_4, %broadcast_in_dim3A_537, %and3A_502] : memref<8x32x128xf32, #tpu.memory_space<vmem>>[vector<16xi32>, vector<16xi32>, vector<16xi32>], vector<16xf32>,
      %mul3A_540 = arith.mulf %gather3A_538, %gather3A_539 : vector<16xf32>
      %add3A_541 = arith.addf %add3A_535, %mul3A_540 : vector<16xf32>
      %broadcast_in_dim3A_542 = arith.constant 7 : i32
      %broadcast_in_dim3A_543 = vector.broadcast %broadcast_in_dim3A_542 : i32 to vector<16xi32>
      %gather3A_544 = tpu.vector_load_idx %arg9[%min3A_4, %broadcast_in_dim3A_543, %and3A_498] : memref<8x32x128xf32, #tpu.memory_space<vmem>>[vector<16xi32>, vector<16xi32>, vector<16xi32>], vector<16xf32>,
      %gather3A_545 = tpu.vector_load_idx %arg10[%min3A_4, %broadcast_in_dim3A_543, %and3A_502] : memref<8x32x128xf32, #tpu.memory_space<vmem>>[vector<16xi32>, vector<16xi32>, vector<16xi32>], vector<16xf32>,
      %mul3A_546 = arith.mulf %gather3A_544, %gather3A_545 : vector<16xf32>
      %add3A_547 = arith.addf %add3A_541, %mul3A_546 : vector<16xf32>
      %broadcast_in_dim3A_548 = arith.constant 8 : i32
      %broadcast_in_dim3A_549 = vector.broadcast %broadcast_in_dim3A_548 : i32 to vector<16xi32>
      %gather3A_550 = tpu.vector_load_idx %arg9[%min3A_4, %broadcast_in_dim3A_549, %and3A_498] : memref<8x32x128xf32, #tpu.memory_space<vmem>>[vector<16xi32>, vector<16xi32>, vector<16xi32>], vector<16xf32>,
      %gather3A_551 = tpu.vector_load_idx %arg10[%min3A_4, %broadcast_in_dim3A_549, %and3A_502] : memref<8x32x128xf32, #tpu.memory_space<vmem>>[vector<16xi32>, vector<16xi32>, vector<16xi32>], vector<16xf32>,
      %mul3A_552 = arith.mulf %gather3A_550, %gather3A_551 : vector<16xf32>
      %add3A_553 = arith.addf %add3A_547, %mul3A_552 : vector<16xf32>
      %broadcast_in_dim3A_554 = arith.constant 9 : i32
      %broadcast_in_dim3A_555 = vector.broadcast %broadcast_in_dim3A_554 : i32 to vector<16xi32>
      %gather3A_556 = tpu.vector_load_idx %arg9[%min3A_4, %broadcast_in_dim3A_555, %and3A_498] : memref<8x32x128xf32, #tpu.memory_space<vmem>>[vector<16xi32>, vector<16xi32>, vector<16xi32>], vector<16xf32>,
      %gather3A_557 = tpu.vector_load_idx %arg10[%min3A_4, %broadcast_in_dim3A_555, %and3A_502] : memref<8x32x128xf32, #tpu.memory_space<vmem>>[vector<16xi32>, vector<16xi32>, vector<16xi32>], vector<16xf32>,
      %mul3A_558 = arith.mulf %gather3A_556, %gather3A_557 : vector<16xf32>
      %add3A_559 = arith.addf %add3A_553, %mul3A_558 : vector<16xf32>
      %broadcast_in_dim3A_560 = arith.constant 10 : i32
      %broadcast_in_dim3A_561 = vector.broadcast %broadcast_in_dim3A_560 : i32 to vector<16xi32>
      %gather3A_562 = tpu.vector_load_idx %arg9[%min3A_4, %broadcast_in_dim3A_561, %and3A_498] : memref<8x32x128xf32, #tpu.memory_space<vmem>>[vector<16xi32>, vector<16xi32>, vector<16xi32>], vector<16xf32>,
      %gather3A_563 = tpu.vector_load_idx %arg10[%min3A_4, %broadcast_in_dim3A_561, %and3A_502] : memref<8x32x128xf32, #tpu.memory_space<vmem>>[vector<16xi32>, vector<16xi32>, vector<16xi32>], vector<16xf32>,
      %mul3A_564 = arith.mulf %gather3A_562, %gather3A_563 : vector<16xf32>
      %add3A_565 = arith.addf %add3A_559, %mul3A_564 : vector<16xf32>
      %broadcast_in_dim3A_566 = arith.constant 11 : i32
      %broadcast_in_dim3A_567 = vector.broadcast %broadcast_in_dim3A_566 : i32 to vector<16xi32>
      %gather3A_568 = tpu.vector_load_idx %arg9[%min3A_4, %broadcast_in_dim3A_567, %and3A_498] : memref<8x32x128xf32, #tpu.memory_space<vmem>>[vector<16xi32>, vector<16xi32>, vector<16xi32>], vector<16xf32>,
      %gather3A_569 = tpu.vector_load_idx %arg10[%min3A_4, %broadcast_in_dim3A_567, %and3A_502] : memref<8x32x128xf32, #tpu.memory_space<vmem>>[vector<16xi32>, vector<16xi32>, vector<16xi32>], vector<16xf32>,
      %mul3A_570 = arith.mulf %gather3A_568, %gather3A_569 : vector<16xf32>
      %add3A_571 = arith.addf %add3A_565, %mul3A_570 : vector<16xf32>
      %broadcast_in_dim3A_572 = arith.constant 12 : i32
      %broadcast_in_dim3A_573 = vector.broadcast %broadcast_in_dim3A_572 : i32 to vector<16xi32>
      %gather3A_574 = tpu.vector_load_idx %arg9[%min3A_4, %broadcast_in_dim3A_573, %and3A_498] : memref<8x32x128xf32, #tpu.memory_space<vmem>>[vector<16xi32>, vector<16xi32>, vector<16xi32>], vector<16xf32>,
      %gather3A_575 = tpu.vector_load_idx %arg10[%min3A_4, %broadcast_in_dim3A_573, %and3A_502] : memref<8x32x128xf32, #tpu.memory_space<vmem>>[vector<16xi32>, vector<16xi32>, vector<16xi32>], vector<16xf32>,
      %mul3A_576 = arith.mulf %gather3A_574, %gather3A_575 : vector<16xf32>
      %add3A_577 = arith.addf %add3A_571, %mul3A_576 : vector<16xf32>
      %broadcast_in_dim3A_578 = arith.constant 13 : i32
      %broadcast_in_dim3A_579 = vector.broadcast %broadcast_in_dim3A_578 : i32 to vector<16xi32>
      %gather3A_580 = tpu.vector_load_idx %arg9[%min3A_4, %broadcast_in_dim3A_579, %and3A_498] : memref<8x32x128xf32, #tpu.memory_space<vmem>>[vector<16xi32>, vector<16xi32>, vector<16xi32>], vector<16xf32>,
      %gather3A_581 = tpu.vector_load_idx %arg10[%min3A_4, %broadcast_in_dim3A_579, %and3A_502] : memref<8x32x128xf32, #tpu.memory_space<vmem>>[vector<16xi32>, vector<16xi32>, vector<16xi32>], vector<16xf32>,
      %mul3A_582 = arith.mulf %gather3A_580, %gather3A_581 : vector<16xf32>
      %add3A_583 = arith.addf %add3A_577, %mul3A_582 : vector<16xf32>
      %broadcast_in_dim3A_584 = arith.constant 14 : i32
      %broadcast_in_dim3A_585 = vector.broadcast %broadcast_in_dim3A_584 : i32 to vector<16xi32>
      %gather3A_586 = tpu.vector_load_idx %arg9[%min3A_4, %broadcast_in_dim3A_585, %and3A_498] : memref<8x32x128xf32, #tpu.memory_space<vmem>>[vector<16xi32>, vector<16xi32>, vector<16xi32>], vector<16xf32>,
      %gather3A_587 = tpu.vector_load_idx %arg10[%min3A_4, %broadcast_in_dim3A_585, %and3A_502] : memref<8x32x128xf32, #tpu.memory_space<vmem>>[vector<16xi32>, vector<16xi32>, vector<16xi32>], vector<16xf32>,
      %mul3A_588 = arith.mulf %gather3A_586, %gather3A_587 : vector<16xf32>
      %add3A_589 = arith.addf %add3A_583, %mul3A_588 : vector<16xf32>
      %broadcast_in_dim3A_590 = arith.constant 15 : i32
      %broadcast_in_dim3A_591 = vector.broadcast %broadcast_in_dim3A_590 : i32 to vector<16xi32>
      %gather3A_592 = tpu.vector_load_idx %arg9[%min3A_4, %broadcast_in_dim3A_591, %and3A_498] : memref<8x32x128xf32, #tpu.memory_space<vmem>>[vector<16xi32>, vector<16xi32>, vector<16xi32>], vector<16xf32>,
      %gather3A_593 = tpu.vector_load_idx %arg10[%min3A_4, %broadcast_in_dim3A_591, %and3A_502] : memref<8x32x128xf32, #tpu.memory_space<vmem>>[vector<16xi32>, vector<16xi32>, vector<16xi32>], vector<16xf32>,
      %mul3A_594 = arith.mulf %gather3A_592, %gather3A_593 : vector<16xf32>
      %add3A_595 = arith.addf %add3A_589, %mul3A_594 : vector<16xf32>
      %broadcast_in_dim3A_596 = arith.constant 16 : i32
      %broadcast_in_dim3A_597 = vector.broadcast %broadcast_in_dim3A_596 : i32 to vector<16xi32>
      %gather3A_598 = tpu.vector_load_idx %arg9[%min3A_4, %broadcast_in_dim3A_597, %and3A_498] : memref<8x32x128xf32, #tpu.memory_space<vmem>>[vector<16xi32>, vector<16xi32>, vector<16xi32>], vector<16xf32>,
      %gather3A_599 = tpu.vector_load_idx %arg10[%min3A_4, %broadcast_in_dim3A_597, %and3A_502] : memref<8x32x128xf32, #tpu.memory_space<vmem>>[vector<16xi32>, vector<16xi32>, vector<16xi32>], vector<16xf32>,
      %mul3A_600 = arith.mulf %gather3A_598, %gather3A_599 : vector<16xf32>
      %add3A_601 = arith.addf %add3A_595, %mul3A_600 : vector<16xf32>
      %broadcast_in_dim3A_602 = arith.constant 17 : i32
      %broadcast_in_dim3A_603 = vector.broadcast %broadcast_in_dim3A_602 : i32 to vector<16xi32>
      %gather3A_604 = tpu.vector_load_idx %arg9[%min3A_4, %broadcast_in_dim3A_603, %and3A_498] : memref<8x32x128xf32, #tpu.memory_space<vmem>>[vector<16xi32>, vector<16xi32>, vector<16xi32>], vector<16xf32>,
      %gather3A_605 = tpu.vector_load_idx %arg10[%min3A_4, %broadcast_in_dim3A_603, %and3A_502] : memref<8x32x128xf32, #tpu.memory_space<vmem>>[vector<16xi32>, vector<16xi32>, vector<16xi32>], vector<16xf32>,
      %mul3A_606 = arith.mulf %gather3A_604, %gather3A_605 : vector<16xf32>
      %add3A_607 = arith.addf %add3A_601, %mul3A_606 : vector<16xf32>
      %broadcast_in_dim3A_608 = arith.constant 18 : i32
      %broadcast_in_dim3A_609 = vector.broadcast %broadcast_in_dim3A_608 : i32 to vector<16xi32>
      %gather3A_610 = tpu.vector_load_idx %arg9[%min3A_4, %broadcast_in_dim3A_609, %and3A_498] : memref<8x32x128xf32, #tpu.memory_space<vmem>>[vector<16xi32>, vector<16xi32>, vector<16xi32>], vector<16xf32>,
      %gather3A_611 = tpu.vector_load_idx %arg10[%min3A_4, %broadcast_in_dim3A_609, %and3A_502] : memref<8x32x128xf32, #tpu.memory_space<vmem>>[vector<16xi32>, vector<16xi32>, vector<16xi32>], vector<16xf32>,
      %mul3A_612 = arith.mulf %gather3A_610, %gather3A_611 : vector<16xf32>
      %add3A_613 = arith.addf %add3A_607, %mul3A_612 : vector<16xf32>
      %broadcast_in_dim3A_614 = arith.constant 19 : i32
      %broadcast_in_dim3A_615 = vector.broadcast %broadcast_in_dim3A_614 : i32 to vector<16xi32>
      %gather3A_616 = tpu.vector_load_idx %arg9[%min3A_4, %broadcast_in_dim3A_615, %and3A_498] : memref<8x32x128xf32, #tpu.memory_space<vmem>>[vector<16xi32>, vector<16xi32>, vector<16xi32>], vector<16xf32>,
      %gather3A_617 = tpu.vector_load_idx %arg10[%min3A_4, %broadcast_in_dim3A_615, %and3A_502] : memref<8x32x128xf32, #tpu.memory_space<vmem>>[vector<16xi32>, vector<16xi32>, vector<16xi32>], vector<16xf32>,
      %mul3A_618 = arith.mulf %gather3A_616, %gather3A_617 : vector<16xf32>
      %add3A_619 = arith.addf %add3A_613, %mul3A_618 : vector<16xf32>
      %broadcast_in_dim3A_620 = arith.constant 20 : i32
      %broadcast_in_dim3A_621 = vector.broadcast %broadcast_in_dim3A_620 : i32 to vector<16xi32>
      %gather3A_622 = tpu.vector_load_idx %arg9[%min3A_4, %broadcast_in_dim3A_621, %and3A_498] : memref<8x32x128xf32, #tpu.memory_space<vmem>>[vector<16xi32>, vector<16xi32>, vector<16xi32>], vector<16xf32>,
      %gather3A_623 = tpu.vector_load_idx %arg10[%min3A_4, %broadcast_in_dim3A_621, %and3A_502] : memref<8x32x128xf32, #tpu.memory_space<vmem>>[vector<16xi32>, vector<16xi32>, vector<16xi32>], vector<16xf32>,
      %mul3A_624 = arith.mulf %gather3A_622, %gather3A_623 : vector<16xf32>
      %add3A_625 = arith.addf %add3A_619, %mul3A_624 : vector<16xf32>
      %broadcast_in_dim3A_626 = arith.constant 21 : i32
      %broadcast_in_dim3A_627 = vector.broadcast %broadcast_in_dim3A_626 : i32 to vector<16xi32>
      %gather3A_628 = tpu.vector_load_idx %arg9[%min3A_4, %broadcast_in_dim3A_627, %and3A_498] : memref<8x32x128xf32, #tpu.memory_space<vmem>>[vector<16xi32>, vector<16xi32>, vector<16xi32>], vector<16xf32>,
      %gather3A_629 = tpu.vector_load_idx %arg10[%min3A_4, %broadcast_in_dim3A_627, %and3A_502] : memref<8x32x128xf32, #tpu.memory_space<vmem>>[vector<16xi32>, vector<16xi32>, vector<16xi32>], vector<16xf32>,
      %mul3A_630 = arith.mulf %gather3A_628, %gather3A_629 : vector<16xf32>
      %add3A_631 = arith.addf %add3A_625, %mul3A_630 : vector<16xf32>
      %broadcast_in_dim3A_632 = arith.constant 22 : i32
      %broadcast_in_dim3A_633 = vector.broadcast %broadcast_in_dim3A_632 : i32 to vector<16xi32>
      %gather3A_634 = tpu.vector_load_idx %arg9[%min3A_4, %broadcast_in_dim3A_633, %and3A_498] : memref<8x32x128xf32, #tpu.memory_space<vmem>>[vector<16xi32>, vector<16xi32>, vector<16xi32>], vector<16xf32>,
      %gather3A_635 = tpu.vector_load_idx %arg10[%min3A_4, %broadcast_in_dim3A_633, %and3A_502] : memref<8x32x128xf32, #tpu.memory_space<vmem>>[vector<16xi32>, vector<16xi32>, vector<16xi32>], vector<16xf32>,
      %mul3A_636 = arith.mulf %gather3A_634, %gather3A_635 : vector<16xf32>
      %add3A_637 = arith.addf %add3A_631, %mul3A_636 : vector<16xf32>
      %broadcast_in_dim3A_638 = arith.constant 23 : i32
      %broadcast_in_dim3A_639 = vector.broadcast %broadcast_in_dim3A_638 : i32 to vector<16xi32>
      %gather3A_640 = tpu.vector_load_idx %arg9[%min3A_4, %broadcast_in_dim3A_639, %and3A_498] : memref<8x32x128xf32, #tpu.memory_space<vmem>>[vector<16xi32>, vector<16xi32>, vector<16xi32>], vector<16xf32>,
      %gather3A_641 = tpu.vector_load_idx %arg10[%min3A_4, %broadcast_in_dim3A_639, %and3A_502] : memref<8x32x128xf32, #tpu.memory_space<vmem>>[vector<16xi32>, vector<16xi32>, vector<16xi32>], vector<16xf32>,
      %mul3A_642 = arith.mulf %gather3A_640, %gather3A_641 : vector<16xf32>
      %add3A_643 = arith.addf %add3A_637, %mul3A_642 : vector<16xf32>
      %broadcast_in_dim3A_644 = arith.constant 24 : i32
      %broadcast_in_dim3A_645 = vector.broadcast %broadcast_in_dim3A_644 : i32 to vector<16xi32>
      %gather3A_646 = tpu.vector_load_idx %arg9[%min3A_4, %broadcast_in_dim3A_645, %and3A_498] : memref<8x32x128xf32, #tpu.memory_space<vmem>>[vector<16xi32>, vector<16xi32>, vector<16xi32>], vector<16xf32>,
      %gather3A_647 = tpu.vector_load_idx %arg10[%min3A_4, %broadcast_in_dim3A_645, %and3A_502] : memref<8x32x128xf32, #tpu.memory_space<vmem>>[vector<16xi32>, vector<16xi32>, vector<16xi32>], vector<16xf32>,
      %mul3A_648 = arith.mulf %gather3A_646, %gather3A_647 : vector<16xf32>
      %add3A_649 = arith.addf %add3A_643, %mul3A_648 : vector<16xf32>
      %broadcast_in_dim3A_650 = arith.constant 25 : i32
      %broadcast_in_dim3A_651 = vector.broadcast %broadcast_in_dim3A_650 : i32 to vector<16xi32>
      %gather3A_652 = tpu.vector_load_idx %arg9[%min3A_4, %broadcast_in_dim3A_651, %and3A_498] : memref<8x32x128xf32, #tpu.memory_space<vmem>>[vector<16xi32>, vector<16xi32>, vector<16xi32>], vector<16xf32>,
      %gather3A_653 = tpu.vector_load_idx %arg10[%min3A_4, %broadcast_in_dim3A_651, %and3A_502] : memref<8x32x128xf32, #tpu.memory_space<vmem>>[vector<16xi32>, vector<16xi32>, vector<16xi32>], vector<16xf32>,
      %mul3A_654 = arith.mulf %gather3A_652, %gather3A_653 : vector<16xf32>
      %add3A_655 = arith.addf %add3A_649, %mul3A_654 : vector<16xf32>
      %broadcast_in_dim3A_656 = arith.constant 26 : i32
      %broadcast_in_dim3A_657 = vector.broadcast %broadcast_in_dim3A_656 : i32 to vector<16xi32>
      %gather3A_658 = tpu.vector_load_idx %arg9[%min3A_4, %broadcast_in_dim3A_657, %and3A_498] : memref<8x32x128xf32, #tpu.memory_space<vmem>>[vector<16xi32>, vector<16xi32>, vector<16xi32>], vector<16xf32>,
      %gather3A_659 = tpu.vector_load_idx %arg10[%min3A_4, %broadcast_in_dim3A_657, %and3A_502] : memref<8x32x128xf32, #tpu.memory_space<vmem>>[vector<16xi32>, vector<16xi32>, vector<16xi32>], vector<16xf32>,
      %mul3A_660 = arith.mulf %gather3A_658, %gather3A_659 : vector<16xf32>
      %add3A_661 = arith.addf %add3A_655, %mul3A_660 : vector<16xf32>
      %broadcast_in_dim3A_662 = arith.constant 27 : i32
      %broadcast_in_dim3A_663 = vector.broadcast %broadcast_in_dim3A_662 : i32 to vector<16xi32>
      %gather3A_664 = tpu.vector_load_idx %arg9[%min3A_4, %broadcast_in_dim3A_663, %and3A_498] : memref<8x32x128xf32, #tpu.memory_space<vmem>>[vector<16xi32>, vector<16xi32>, vector<16xi32>], vector<16xf32>,
      %gather3A_665 = tpu.vector_load_idx %arg10[%min3A_4, %broadcast_in_dim3A_663, %and3A_502] : memref<8x32x128xf32, #tpu.memory_space<vmem>>[vector<16xi32>, vector<16xi32>, vector<16xi32>], vector<16xf32>,
      %mul3A_666 = arith.mulf %gather3A_664, %gather3A_665 : vector<16xf32>
      %add3A_667 = arith.addf %add3A_661, %mul3A_666 : vector<16xf32>
      %broadcast_in_dim3A_668 = arith.constant 28 : i32
      %broadcast_in_dim3A_669 = vector.broadcast %broadcast_in_dim3A_668 : i32 to vector<16xi32>
      %gather3A_670 = tpu.vector_load_idx %arg9[%min3A_4, %broadcast_in_dim3A_669, %and3A_498] : memref<8x32x128xf32, #tpu.memory_space<vmem>>[vector<16xi32>, vector<16xi32>, vector<16xi32>], vector<16xf32>,
      %gather3A_671 = tpu.vector_load_idx %arg10[%min3A_4, %broadcast_in_dim3A_669, %and3A_502] : memref<8x32x128xf32, #tpu.memory_space<vmem>>[vector<16xi32>, vector<16xi32>, vector<16xi32>], vector<16xf32>,
      %mul3A_672 = arith.mulf %gather3A_670, %gather3A_671 : vector<16xf32>
      %add3A_673 = arith.addf %add3A_667, %mul3A_672 : vector<16xf32>
      %broadcast_in_dim3A_674 = arith.constant 29 : i32
      %broadcast_in_dim3A_675 = vector.broadcast %broadcast_in_dim3A_674 : i32 to vector<16xi32>
      %gather3A_676 = tpu.vector_load_idx %arg9[%min3A_4, %broadcast_in_dim3A_675, %and3A_498] : memref<8x32x128xf32, #tpu.memory_space<vmem>>[vector<16xi32>, vector<16xi32>, vector<16xi32>], vector<16xf32>,
      %gather3A_677 = tpu.vector_load_idx %arg10[%min3A_4, %broadcast_in_dim3A_675, %and3A_502] : memref<8x32x128xf32, #tpu.memory_space<vmem>>[vector<16xi32>, vector<16xi32>, vector<16xi32>], vector<16xf32>,
      %mul3A_678 = arith.mulf %gather3A_676, %gather3A_677 : vector<16xf32>
      %add3A_679 = arith.addf %add3A_673, %mul3A_678 : vector<16xf32>
      %broadcast_in_dim3A_680 = arith.constant 30 : i32
      %broadcast_in_dim3A_681 = vector.broadcast %broadcast_in_dim3A_680 : i32 to vector<16xi32>
      %gather3A_682 = tpu.vector_load_idx %arg9[%min3A_4, %broadcast_in_dim3A_681, %and3A_498] : memref<8x32x128xf32, #tpu.memory_space<vmem>>[vector<16xi32>, vector<16xi32>, vector<16xi32>], vector<16xf32>,
      %gather3A_683 = tpu.vector_load_idx %arg10[%min3A_4, %broadcast_in_dim3A_681, %and3A_502] : memref<8x32x128xf32, #tpu.memory_space<vmem>>[vector<16xi32>, vector<16xi32>, vector<16xi32>], vector<16xf32>,
      %mul3A_684 = arith.mulf %gather3A_682, %gather3A_683 : vector<16xf32>
      %add3A_685 = arith.addf %add3A_679, %mul3A_684 : vector<16xf32>
      %broadcast_in_dim3A_686 = arith.constant 31 : i32
      %broadcast_in_dim3A_687 = vector.broadcast %broadcast_in_dim3A_686 : i32 to vector<16xi32>
      %gather3A_688 = tpu.vector_load_idx %arg9[%min3A_4, %broadcast_in_dim3A_687, %and3A_498] : memref<8x32x128xf32, #tpu.memory_space<vmem>>[vector<16xi32>, vector<16xi32>, vector<16xi32>], vector<16xf32>,
      %gather3A_689 = tpu.vector_load_idx %arg10[%min3A_4, %broadcast_in_dim3A_687, %and3A_502] : memref<8x32x128xf32, #tpu.memory_space<vmem>>[vector<16xi32>, vector<16xi32>, vector<16xi32>], vector<16xf32>,
      %mul3A_690 = arith.mulf %gather3A_688, %gather3A_689 : vector<16xf32>
      %add3A_691 = arith.addf %add3A_685, %mul3A_690 : vector<16xf32>
      tpu.vector_store_idx %arg11[%add3A_496], %add3A_691 masked %lt3A_6 : memref<512xf32, #tpu.memory_space<vmem>>[vector<16xi32>], vector<16xf32>, vector<16xi1>
      %slice3A_692 = vector.extract_strided_slice %mul3A_25 {offsets = [8], sizes = [1], strides = [1]} : vector<16xi32> to vector<1xi32>
      %squeeze3A_693 = vector.extract %slice3A_692[0] : i32 from vector<1xi32>
      %multiple_of3A_694 = tpu.assume_multiple %squeeze3A_693, 128 : i32
      %dma_start3A_695 = arith.constant 0 : i32
      %dma_start3A_696 = arith.constant 0 : i32
      %dma_start3A_697 = arith.constant 0 : i32
      %dma_start3A_698 = tpu.memref_slice %arg9[%dma_start3A_695, %dma_start3A_696, %dma_start3A_697] : memref<8x32x128xf32, #tpu.memory_space<vmem>> -> memref<1x32x128xf32, #tpu.memory_space<vmem>>
      %dma_start3A_699 = tpu.memref_squeeze %dma_start3A_698 : memref<1x32x128xf32, #tpu.memory_space<vmem>> -> memref<32x128xf32, #tpu.memory_space<vmem>>
      %dma_start3A_700 = arith.constant 0 : i32
      %dma_start3A_701 = tpu.memref_slice %arg4[%dma_start3A_700, %multiple_of3A_694] : memref<32x1000000xf32, #tpu.memory_space<hbm>> -> memref<32x128xf32, #tpu.memory_space<hbm>>
      %dma_start3A_702 = arith.constant 0 : i32
      %dma_start3A_703 = arith.constant 0 : i32
      %dma_start3A_704 = tpu.memref_slice %arg9[%dma_start3A_695, %dma_start3A_702, %dma_start3A_703] : memref<8x32x128xf32, #tpu.memory_space<vmem>> -> memref<1x32x128xf32, #tpu.memory_space<vmem>>
      %dma_start3A_705 = tpu.memref_squeeze %dma_start3A_704 : memref<1x32x128xf32, #tpu.memory_space<vmem>> -> memref<32x128xf32, #tpu.memory_space<vmem>>
      %dma_start3A_706 = arith.constant 0 : i32
      %dma_start3A_707 = tpu.memref_slice %arg4[%dma_start3A_706, %multiple_of3A_694] : memref<32x1000000xf32, #tpu.memory_space<hbm>> -> memref<32x128xf32, #tpu.memory_space<hbm>>
      tpu.enqueue_dma source(%dma_start3A_707 : memref<32x128xf32, #tpu.memory_space<hbm>>) target(%dma_start3A_705 : memref<32x128xf32, #tpu.memory_space<vmem>>) target_semaphore(%arg12 : memref<!tpu.dma_semaphore, #tpu.memory_space<semaphore_mem>>)
      %slice3A_708 = vector.extract_strided_slice %mul3A_31 {offsets = [8], sizes = [1], strides = [1]} : vector<16xi32> to vector<1xi32>
      %squeeze3A_709 = vector.extract %slice3A_708[0] : i32 from vector<1xi32>
      %multiple_of3A_710 = tpu.assume_multiple %squeeze3A_709, 128 : i32
      %dma_start3A_711 = arith.constant 0 : i32
      %dma_start3A_712 = arith.constant 0 : i32
      %dma_start3A_713 = arith.constant 0 : i32
      %dma_start3A_714 = tpu.memref_slice %arg10[%dma_start3A_711, %dma_start3A_712, %dma_start3A_713] : memref<8x32x128xf32, #tpu.memory_space<vmem>> -> memref<1x32x128xf32, #tpu.memory_space<vmem>>
      %dma_start3A_715 = tpu.memref_squeeze %dma_start3A_714 : memref<1x32x128xf32, #tpu.memory_space<vmem>> -> memref<32x128xf32, #tpu.memory_space<vmem>>
      %dma_start3A_716 = arith.constant 0 : i32
      %dma_start3A_717 = tpu.memref_slice %arg5[%dma_start3A_716, %multiple_of3A_710] : memref<32x1000000xf32, #tpu.memory_space<hbm>> -> memref<32x128xf32, #tpu.memory_space<hbm>>
      %dma_start3A_718 = arith.constant 0 : i32
      %dma_start3A_719 = arith.constant 0 : i32
      %dma_start3A_720 = tpu.memref_slice %arg10[%dma_start3A_711, %dma_start3A_718, %dma_start3A_719] : memref<8x32x128xf32, #tpu.memory_space<vmem>> -> memref<1x32x128xf32, #tpu.memory_space<vmem>>
      %dma_start3A_721 = tpu.memref_squeeze %dma_start3A_720 : memref<1x32x128xf32, #tpu.memory_space<vmem>> -> memref<32x128xf32, #tpu.memory_space<vmem>>
      %dma_start3A_722 = arith.constant 0 : i32
      %dma_start3A_723 = tpu.memref_slice %arg5[%dma_start3A_722, %multiple_of3A_710] : memref<32x1000000xf32, #tpu.memory_space<hbm>> -> memref<32x128xf32, #tpu.memory_space<hbm>>
      tpu.enqueue_dma source(%dma_start3A_723 : memref<32x128xf32, #tpu.memory_space<hbm>>) target(%dma_start3A_721 : memref<32x128xf32, #tpu.memory_space<vmem>>) target_semaphore(%arg12 : memref<!tpu.dma_semaphore, #tpu.memory_space<semaphore_mem>>)
      %slice3A_724 = vector.extract_strided_slice %mul3A_25 {offsets = [9], sizes = [1], strides = [1]} : vector<16xi32> to vector<1xi32>
      %squeeze3A_725 = vector.extract %slice3A_724[0] : i32 from vector<1xi32>
      %multiple_of3A_726 = tpu.assume_multiple %squeeze3A_725, 128 : i32
      %dma_start3A_727 = arith.constant 1 : i32
      %dma_start3A_728 = arith.constant 0 : i32
      %dma_start3A_729 = arith.constant 0 : i32
      %dma_start3A_730 = tpu.memref_slice %arg9[%dma_start3A_727, %dma_start3A_728, %dma_start3A_729] : memref<8x32x128xf32, #tpu.memory_space<vmem>> -> memref<1x32x128xf32, #tpu.memory_space<vmem>>
      %dma_start3A_731 = tpu.memref_squeeze %dma_start3A_730 : memref<1x32x128xf32, #tpu.memory_space<vmem>> -> memref<32x128xf32, #tpu.memory_space<vmem>>
      %dma_start3A_732 = arith.constant 0 : i32
      %dma_start3A_733 = tpu.memref_slice %arg4[%dma_start3A_732, %multiple_of3A_726] : memref<32x1000000xf32, #tpu.memory_space<hbm>> -> memref<32x128xf32, #tpu.memory_space<hbm>>
      %dma_start3A_734 = arith.constant 0 : i32
      %dma_start3A_735 = arith.constant 0 : i32
      %dma_start3A_736 = tpu.memref_slice %arg9[%dma_start3A_727, %dma_start3A_734, %dma_start3A_735] : memref<8x32x128xf32, #tpu.memory_space<vmem>> -> memref<1x32x128xf32, #tpu.memory_space<vmem>>
      %dma_start3A_737 = tpu.memref_squeeze %dma_start3A_736 : memref<1x32x128xf32, #tpu.memory_space<vmem>> -> memref<32x128xf32, #tpu.memory_space<vmem>>
      %dma_start3A_738 = arith.constant 0 : i32
      %dma_start3A_739 = tpu.memref_slice %arg4[%dma_start3A_738, %multiple_of3A_726] : memref<32x1000000xf32, #tpu.memory_space<hbm>> -> memref<32x128xf32, #tpu.memory_space<hbm>>
      tpu.enqueue_dma source(%dma_start3A_739 : memref<32x128xf32, #tpu.memory_space<hbm>>) target(%dma_start3A_737 : memref<32x128xf32, #tpu.memory_space<vmem>>) target_semaphore(%arg12 : memref<!tpu.dma_semaphore, #tpu.memory_space<semaphore_mem>>)
      %slice3A_740 = vector.extract_strided_slice %mul3A_31 {offsets = [9], sizes = [1], strides = [1]} : vector<16xi32> to vector<1xi32>
      %squeeze3A_741 = vector.extract %slice3A_740[0] : i32 from vector<1xi32>
      %multiple_of3A_742 = tpu.assume_multiple %squeeze3A_741, 128 : i32
      %dma_start3A_743 = arith.constant 1 : i32
      %dma_start3A_744 = arith.constant 0 : i32
      %dma_start3A_745 = arith.constant 0 : i32
      %dma_start3A_746 = tpu.memref_slice %arg10[%dma_start3A_743, %dma_start3A_744, %dma_start3A_745] : memref<8x32x128xf32, #tpu.memory_space<vmem>> -> memref<1x32x128xf32, #tpu.memory_space<vmem>>
      %dma_start3A_747 = tpu.memref_squeeze %dma_start3A_746 : memref<1x32x128xf32, #tpu.memory_space<vmem>> -> memref<32x128xf32, #tpu.memory_space<vmem>>
      %dma_start3A_748 = arith.constant 0 : i32
      %dma_start3A_749 = tpu.memref_slice %arg5[%dma_start3A_748, %multiple_of3A_742] : memref<32x1000000xf32, #tpu.memory_space<hbm>> -> memref<32x128xf32, #tpu.memory_space<hbm>>
      %dma_start3A_750 = arith.constant 0 : i32
      %dma_start3A_751 = arith.constant 0 : i32
      %dma_start3A_752 = tpu.memref_slice %arg10[%dma_start3A_743, %dma_start3A_750, %dma_start3A_751] : memref<8x32x128xf32, #tpu.memory_space<vmem>> -> memref<1x32x128xf32, #tpu.memory_space<vmem>>
      %dma_start3A_753 = tpu.memref_squeeze %dma_start3A_752 : memref<1x32x128xf32, #tpu.memory_space<vmem>> -> memref<32x128xf32, #tpu.memory_space<vmem>>
      %dma_start3A_754 = arith.constant 0 : i32
      %dma_start3A_755 = tpu.memref_slice %arg5[%dma_start3A_754, %multiple_of3A_742] : memref<32x1000000xf32, #tpu.memory_space<hbm>> -> memref<32x128xf32, #tpu.memory_space<hbm>>
      tpu.enqueue_dma source(%dma_start3A_755 : memref<32x128xf32, #tpu.memory_space<hbm>>) target(%dma_start3A_753 : memref<32x128xf32, #tpu.memory_space<vmem>>) target_semaphore(%arg12 : memref<!tpu.dma_semaphore, #tpu.memory_space<semaphore_mem>>)
      %slice3A_756 = vector.extract_strided_slice %mul3A_25 {offsets = [10], sizes = [1], strides = [1]} : vector<16xi32> to vector<1xi32>
      %squeeze3A_757 = vector.extract %slice3A_756[0] : i32 from vector<1xi32>
      %multiple_of3A_758 = tpu.assume_multiple %squeeze3A_757, 128 : i32
      %dma_start3A_759 = arith.constant 2 : i32
      %dma_start3A_760 = arith.constant 0 : i32
      %dma_start3A_761 = arith.constant 0 : i32
      %dma_start3A_762 = tpu.memref_slice %arg9[%dma_start3A_759, %dma_start3A_760, %dma_start3A_761] : memref<8x32x128xf32, #tpu.memory_space<vmem>> -> memref<1x32x128xf32, #tpu.memory_space<vmem>>
      %dma_start3A_763 = tpu.memref_squeeze %dma_start3A_762 : memref<1x32x128xf32, #tpu.memory_space<vmem>> -> memref<32x128xf32, #tpu.memory_space<vmem>>
      %dma_start3A_764 = arith.constant 0 : i32
      %dma_start3A_765 = tpu.memref_slice %arg4[%dma_start3A_764, %multiple_of3A_758] : memref<32x1000000xf32, #tpu.memory_space<hbm>> -> memref<32x128xf32, #tpu.memory_space<hbm>>
      %dma_start3A_766 = arith.constant 0 : i32
      %dma_start3A_767 = arith.constant 0 : i32
      %dma_start3A_768 = tpu.memref_slice %arg9[%dma_start3A_759, %dma_start3A_766, %dma_start3A_767] : memref<8x32x128xf32, #tpu.memory_space<vmem>> -> memref<1x32x128xf32, #tpu.memory_space<vmem>>
      %dma_start3A_769 = tpu.memref_squeeze %dma_start3A_768 : memref<1x32x128xf32, #tpu.memory_space<vmem>> -> memref<32x128xf32, #tpu.memory_space<vmem>>
      %dma_start3A_770 = arith.constant 0 : i32
      %dma_start3A_771 = tpu.memref_slice %arg4[%dma_start3A_770, %multiple_of3A_758] : memref<32x1000000xf32, #tpu.memory_space<hbm>> -> memref<32x128xf32, #tpu.memory_space<hbm>>
      tpu.enqueue_dma source(%dma_start3A_771 : memref<32x128xf32, #tpu.memory_space<hbm>>) target(%dma_start3A_769 : memref<32x128xf32, #tpu.memory_space<vmem>>) target_semaphore(%arg12 : memref<!tpu.dma_semaphore, #tpu.memory_space<semaphore_mem>>)
      %slice3A_772 = vector.extract_strided_slice %mul3A_31 {offsets = [10], sizes = [1], strides = [1]} : vector<16xi32> to vector<1xi32>
      %squeeze3A_773 = vector.extract %slice3A_772[0] : i32 from vector<1xi32>
      %multiple_of3A_774 = tpu.assume_multiple %squeeze3A_773, 128 : i32
      %dma_start3A_775 = arith.constant 2 : i32
      %dma_start3A_776 = arith.constant 0 : i32
      %dma_start3A_777 = arith.constant 0 : i32
      %dma_start3A_778 = tpu.memref_slice %arg10[%dma_start3A_775, %dma_start3A_776, %dma_start3A_777] : memref<8x32x128xf32, #tpu.memory_space<vmem>> -> memref<1x32x128xf32, #tpu.memory_space<vmem>>
      %dma_start3A_779 = tpu.memref_squeeze %dma_start3A_778 : memref<1x32x128xf32, #tpu.memory_space<vmem>> -> memref<32x128xf32, #tpu.memory_space<vmem>>
      %dma_start3A_780 = arith.constant 0 : i32
      %dma_start3A_781 = tpu.memref_slice %arg5[%dma_start3A_780, %multiple_of3A_774] : memref<32x1000000xf32, #tpu.memory_space<hbm>> -> memref<32x128xf32, #tpu.memory_space<hbm>>
      %dma_start3A_782 = arith.constant 0 : i32
      %dma_start3A_783 = arith.constant 0 : i32
      %dma_start3A_784 = tpu.memref_slice %arg10[%dma_start3A_775, %dma_start3A_782, %dma_start3A_783] : memref<8x32x128xf32, #tpu.memory_space<vmem>> -> memref<1x32x128xf32, #tpu.memory_space<vmem>>
      %dma_start3A_785 = tpu.memref_squeeze %dma_start3A_784 : memref<1x32x128xf32, #tpu.memory_space<vmem>> -> memref<32x128xf32, #tpu.memory_space<vmem>>
      %dma_start3A_786 = arith.constant 0 : i32
      %dma_start3A_787 = tpu.memref_slice %arg5[%dma_start3A_786, %multiple_of3A_774] : memref<32x1000000xf32, #tpu.memory_space<hbm>> -> memref<32x128xf32, #tpu.memory_space<hbm>>
      tpu.enqueue_dma source(%dma_start3A_787 : memref<32x128xf32, #tpu.memory_space<hbm>>) target(%dma_start3A_785 : memref<32x128xf32, #tpu.memory_space<vmem>>) target_semaphore(%arg12 : memref<!tpu.dma_semaphore, #tpu.memory_space<semaphore_mem>>)
      %slice3A_788 = vector.extract_strided_slice %mul3A_25 {offsets = [11], sizes = [1], strides = [1]} : vector<16xi32> to vector<1xi32>
      %squeeze3A_789 = vector.extract %slice3A_788[0] : i32 from vector<1xi32>
      %multiple_of3A_790 = tpu.assume_multiple %squeeze3A_789, 128 : i32
      %dma_start3A_791 = arith.constant 3 : i32
      %dma_start3A_792 = arith.constant 0 : i32
      %dma_start3A_793 = arith.constant 0 : i32
      %dma_start3A_794 = tpu.memref_slice %arg9[%dma_start3A_791, %dma_start3A_792, %dma_start3A_793] : memref<8x32x128xf32, #tpu.memory_space<vmem>> -> memref<1x32x128xf32, #tpu.memory_space<vmem>>
      %dma_start3A_795 = tpu.memref_squeeze %dma_start3A_794 : memref<1x32x128xf32, #tpu.memory_space<vmem>> -> memref<32x128xf32, #tpu.memory_space<vmem>>
      %dma_start3A_796 = arith.constant 0 : i32
      %dma_start3A_797 = tpu.memref_slice %arg4[%dma_start3A_796, %multiple_of3A_790] : memref<32x1000000xf32, #tpu.memory_space<hbm>> -> memref<32x128xf32, #tpu.memory_space<hbm>>
      %dma_start3A_798 = arith.constant 0 : i32
      %dma_start3A_799 = arith.constant 0 : i32
      %dma_start3A_800 = tpu.memref_slice %arg9[%dma_start3A_791, %dma_start3A_798, %dma_start3A_799] : memref<8x32x128xf32, #tpu.memory_space<vmem>> -> memref<1x32x128xf32, #tpu.memory_space<vmem>>
      %dma_start3A_801 = tpu.memref_squeeze %dma_start3A_800 : memref<1x32x128xf32, #tpu.memory_space<vmem>> -> memref<32x128xf32, #tpu.memory_space<vmem>>
      %dma_start3A_802 = arith.constant 0 : i32
      %dma_start3A_803 = tpu.memref_slice %arg4[%dma_start3A_802, %multiple_of3A_790] : memref<32x1000000xf32, #tpu.memory_space<hbm>> -> memref<32x128xf32, #tpu.memory_space<hbm>>
      tpu.enqueue_dma source(%dma_start3A_803 : memref<32x128xf32, #tpu.memory_space<hbm>>) target(%dma_start3A_801 : memref<32x128xf32, #tpu.memory_space<vmem>>) target_semaphore(%arg12 : memref<!tpu.dma_semaphore, #tpu.memory_space<semaphore_mem>>)
      %slice3A_804 = vector.extract_strided_slice %mul3A_31 {offsets = [11], sizes = [1], strides = [1]} : vector<16xi32> to vector<1xi32>
      %squeeze3A_805 = vector.extract %slice3A_804[0] : i32 from vector<1xi32>
      %multiple_of3A_806 = tpu.assume_multiple %squeeze3A_805, 128 : i32
      %dma_start3A_807 = arith.constant 3 : i32
      %dma_start3A_808 = arith.constant 0 : i32
      %dma_start3A_809 = arith.constant 0 : i32
      %dma_start3A_810 = tpu.memref_slice %arg10[%dma_start3A_807, %dma_start3A_808, %dma_start3A_809] : memref<8x32x128xf32, #tpu.memory_space<vmem>> -> memref<1x32x128xf32, #tpu.memory_space<vmem>>
      %dma_start3A_811 = tpu.memref_squeeze %dma_start3A_810 : memref<1x32x128xf32, #tpu.memory_space<vmem>> -> memref<32x128xf32, #tpu.memory_space<vmem>>
      %dma_start3A_812 = arith.constant 0 : i32
      %dma_start3A_813 = tpu.memref_slice %arg5[%dma_start3A_812, %multiple_of3A_806] : memref<32x1000000xf32, #tpu.memory_space<hbm>> -> memref<32x128xf32, #tpu.memory_space<hbm>>
      %dma_start3A_814 = arith.constant 0 : i32
      %dma_start3A_815 = arith.constant 0 : i32
      %dma_start3A_816 = tpu.memref_slice %arg10[%dma_start3A_807, %dma_start3A_814, %dma_start3A_815] : memref<8x32x128xf32, #tpu.memory_space<vmem>> -> memref<1x32x128xf32, #tpu.memory_space<vmem>>
      %dma_start3A_817 = tpu.memref_squeeze %dma_start3A_816 : memref<1x32x128xf32, #tpu.memory_space<vmem>> -> memref<32x128xf32, #tpu.memory_space<vmem>>
      %dma_start3A_818 = arith.constant 0 : i32
      %dma_start3A_819 = tpu.memref_slice %arg5[%dma_start3A_818, %multiple_of3A_806] : memref<32x1000000xf32, #tpu.memory_space<hbm>> -> memref<32x128xf32, #tpu.memory_space<hbm>>
      tpu.enqueue_dma source(%dma_start3A_819 : memref<32x128xf32, #tpu.memory_space<hbm>>) target(%dma_start3A_817 : memref<32x128xf32, #tpu.memory_space<vmem>>) target_semaphore(%arg12 : memref<!tpu.dma_semaphore, #tpu.memory_space<semaphore_mem>>)
      %slice3A_820 = vector.extract_strided_slice %mul3A_25 {offsets = [12], sizes = [1], strides = [1]} : vector<16xi32> to vector<1xi32>
      %squeeze3A_821 = vector.extract %slice3A_820[0] : i32 from vector<1xi32>
      %multiple_of3A_822 = tpu.assume_multiple %squeeze3A_821, 128 : i32
      %dma_start3A_823 = arith.constant 4 : i32
      %dma_start3A_824 = arith.constant 0 : i32
      %dma_start3A_825 = arith.constant 0 : i32
      %dma_start3A_826 = tpu.memref_slice %arg9[%dma_start3A_823, %dma_start3A_824, %dma_start3A_825] : memref<8x32x128xf32, #tpu.memory_space<vmem>> -> memref<1x32x128xf32, #tpu.memory_space<vmem>>
      %dma_start3A_827 = tpu.memref_squeeze %dma_start3A_826 : memref<1x32x128xf32, #tpu.memory_space<vmem>> -> memref<32x128xf32, #tpu.memory_space<vmem>>
      %dma_start3A_828 = arith.constant 0 : i32
      %dma_start3A_829 = tpu.memref_slice %arg4[%dma_start3A_828, %multiple_of3A_822] : memref<32x1000000xf32, #tpu.memory_space<hbm>> -> memref<32x128xf32, #tpu.memory_space<hbm>>
      %dma_start3A_830 = arith.constant 0 : i32
      %dma_start3A_831 = arith.constant 0 : i32
      %dma_start3A_832 = tpu.memref_slice %arg9[%dma_start3A_823, %dma_start3A_830, %dma_start3A_831] : memref<8x32x128xf32, #tpu.memory_space<vmem>> -> memref<1x32x128xf32, #tpu.memory_space<vmem>>
      %dma_start3A_833 = tpu.memref_squeeze %dma_start3A_832 : memref<1x32x128xf32, #tpu.memory_space<vmem>> -> memref<32x128xf32, #tpu.memory_space<vmem>>
      %dma_start3A_834 = arith.constant 0 : i32
      %dma_start3A_835 = tpu.memref_slice %arg4[%dma_start3A_834, %multiple_of3A_822] : memref<32x1000000xf32, #tpu.memory_space<hbm>> -> memref<32x128xf32, #tpu.memory_space<hbm>>
      tpu.enqueue_dma source(%dma_start3A_835 : memref<32x128xf32, #tpu.memory_space<hbm>>) target(%dma_start3A_833 : memref<32x128xf32, #tpu.memory_space<vmem>>) target_semaphore(%arg12 : memref<!tpu.dma_semaphore, #tpu.memory_space<semaphore_mem>>)
      %slice3A_836 = vector.extract_strided_slice %mul3A_31 {offsets = [12], sizes = [1], strides = [1]} : vector<16xi32> to vector<1xi32>
      %squeeze3A_837 = vector.extract %slice3A_836[0] : i32 from vector<1xi32>
      %multiple_of3A_838 = tpu.assume_multiple %squeeze3A_837, 128 : i32
      %dma_start3A_839 = arith.constant 4 : i32
      %dma_start3A_840 = arith.constant 0 : i32
      %dma_start3A_841 = arith.constant 0 : i32
      %dma_start3A_842 = tpu.memref_slice %arg10[%dma_start3A_839, %dma_start3A_840, %dma_start3A_841] : memref<8x32x128xf32, #tpu.memory_space<vmem>> -> memref<1x32x128xf32, #tpu.memory_space<vmem>>
      %dma_start3A_843 = tpu.memref_squeeze %dma_start3A_842 : memref<1x32x128xf32, #tpu.memory_space<vmem>> -> memref<32x128xf32, #tpu.memory_space<vmem>>
      %dma_start3A_844 = arith.constant 0 : i32
      %dma_start3A_845 = tpu.memref_slice %arg5[%dma_start3A_844, %multiple_of3A_838] : memref<32x1000000xf32, #tpu.memory_space<hbm>> -> memref<32x128xf32, #tpu.memory_space<hbm>>
      %dma_start3A_846 = arith.constant 0 : i32
      %dma_start3A_847 = arith.constant 0 : i32
      %dma_start3A_848 = tpu.memref_slice %arg10[%dma_start3A_839, %dma_start3A_846, %dma_start3A_847] : memref<8x32x128xf32, #tpu.memory_space<vmem>> -> memref<1x32x128xf32, #tpu.memory_space<vmem>>
      %dma_start3A_849 = tpu.memref_squeeze %dma_start3A_848 : memref<1x32x128xf32, #tpu.memory_space<vmem>> -> memref<32x128xf32, #tpu.memory_space<vmem>>
      %dma_start3A_850 = arith.constant 0 : i32
      %dma_start3A_851 = tpu.memref_slice %arg5[%dma_start3A_850, %multiple_of3A_838] : memref<32x1000000xf32, #tpu.memory_space<hbm>> -> memref<32x128xf32, #tpu.memory_space<hbm>>
      tpu.enqueue_dma source(%dma_start3A_851 : memref<32x128xf32, #tpu.memory_space<hbm>>) target(%dma_start3A_849 : memref<32x128xf32, #tpu.memory_space<vmem>>) target_semaphore(%arg12 : memref<!tpu.dma_semaphore, #tpu.memory_space<semaphore_mem>>)
      %slice3A_852 = vector.extract_strided_slice %mul3A_25 {offsets = [13], sizes = [1], strides = [1]} : vector<16xi32> to vector<1xi32>
      %squeeze3A_853 = vector.extract %slice3A_852[0] : i32 from vector<1xi32>
      %multiple_of3A_854 = tpu.assume_multiple %squeeze3A_853, 128 : i32
      %dma_start3A_855 = arith.constant 5 : i32
      %dma_start3A_856 = arith.constant 0 : i32
      %dma_start3A_857 = arith.constant 0 : i32
      %dma_start3A_858 = tpu.memref_slice %arg9[%dma_start3A_855, %dma_start3A_856, %dma_start3A_857] : memref<8x32x128xf32, #tpu.memory_space<vmem>> -> memref<1x32x128xf32, #tpu.memory_space<vmem>>
      %dma_start3A_859 = tpu.memref_squeeze %dma_start3A_858 : memref<1x32x128xf32, #tpu.memory_space<vmem>> -> memref<32x128xf32, #tpu.memory_space<vmem>>
      %dma_start3A_860 = arith.constant 0 : i32
      %dma_start3A_861 = tpu.memref_slice %arg4[%dma_start3A_860, %multiple_of3A_854] : memref<32x1000000xf32, #tpu.memory_space<hbm>> -> memref<32x128xf32, #tpu.memory_space<hbm>>
      %dma_start3A_862 = arith.constant 0 : i32
      %dma_start3A_863 = arith.constant 0 : i32
      %dma_start3A_864 = tpu.memref_slice %arg9[%dma_start3A_855, %dma_start3A_862, %dma_start3A_863] : memref<8x32x128xf32, #tpu.memory_space<vmem>> -> memref<1x32x128xf32, #tpu.memory_space<vmem>>
      %dma_start3A_865 = tpu.memref_squeeze %dma_start3A_864 : memref<1x32x128xf32, #tpu.memory_space<vmem>> -> memref<32x128xf32, #tpu.memory_space<vmem>>
      %dma_start3A_866 = arith.constant 0 : i32
      %dma_start3A_867 = tpu.memref_slice %arg4[%dma_start3A_866, %multiple_of3A_854] : memref<32x1000000xf32, #tpu.memory_space<hbm>> -> memref<32x128xf32, #tpu.memory_space<hbm>>
      tpu.enqueue_dma source(%dma_start3A_867 : memref<32x128xf32, #tpu.memory_space<hbm>>) target(%dma_start3A_865 : memref<32x128xf32, #tpu.memory_space<vmem>>) target_semaphore(%arg12 : memref<!tpu.dma_semaphore, #tpu.memory_space<semaphore_mem>>)
      %slice3A_868 = vector.extract_strided_slice %mul3A_31 {offsets = [13], sizes = [1], strides = [1]} : vector<16xi32> to vector<1xi32>
      %squeeze3A_869 = vector.extract %slice3A_868[0] : i32 from vector<1xi32>
      %multiple_of3A_870 = tpu.assume_multiple %squeeze3A_869, 128 : i32
      %dma_start3A_871 = arith.constant 5 : i32
      %dma_start3A_872 = arith.constant 0 : i32
      %dma_start3A_873 = arith.constant 0 : i32
      %dma_start3A_874 = tpu.memref_slice %arg10[%dma_start3A_871, %dma_start3A_872, %dma_start3A_873] : memref<8x32x128xf32, #tpu.memory_space<vmem>> -> memref<1x32x128xf32, #tpu.memory_space<vmem>>
      %dma_start3A_875 = tpu.memref_squeeze %dma_start3A_874 : memref<1x32x128xf32, #tpu.memory_space<vmem>> -> memref<32x128xf32, #tpu.memory_space<vmem>>
      %dma_start3A_876 = arith.constant 0 : i32
      %dma_start3A_877 = tpu.memref_slice %arg5[%dma_start3A_876, %multiple_of3A_870] : memref<32x1000000xf32, #tpu.memory_space<hbm>> -> memref<32x128xf32, #tpu.memory_space<hbm>>
      %dma_start3A_878 = arith.constant 0 : i32
      %dma_start3A_879 = arith.constant 0 : i32
      %dma_start3A_880 = tpu.memref_slice %arg10[%dma_start3A_871, %dma_start3A_878, %dma_start3A_879] : memref<8x32x128xf32, #tpu.memory_space<vmem>> -> memref<1x32x128xf32, #tpu.memory_space<vmem>>
      %dma_start3A_881 = tpu.memref_squeeze %dma_start3A_880 : memref<1x32x128xf32, #tpu.memory_space<vmem>> -> memref<32x128xf32, #tpu.memory_space<vmem>>
      %dma_start3A_882 = arith.constant 0 : i32
      %dma_start3A_883 = tpu.memref_slice %arg5[%dma_start3A_882, %multiple_of3A_870] : memref<32x1000000xf32, #tpu.memory_space<hbm>> -> memref<32x128xf32, #tpu.memory_space<hbm>>
      tpu.enqueue_dma source(%dma_start3A_883 : memref<32x128xf32, #tpu.memory_space<hbm>>) target(%dma_start3A_881 : memref<32x128xf32, #tpu.memory_space<vmem>>) target_semaphore(%arg12 : memref<!tpu.dma_semaphore, #tpu.memory_space<semaphore_mem>>)
      %slice3A_884 = vector.extract_strided_slice %mul3A_25 {offsets = [14], sizes = [1], strides = [1]} : vector<16xi32> to vector<1xi32>
      %squeeze3A_885 = vector.extract %slice3A_884[0] : i32 from vector<1xi32>
      %multiple_of3A_886 = tpu.assume_multiple %squeeze3A_885, 128 : i32
      %dma_start3A_887 = arith.constant 6 : i32
      %dma_start3A_888 = arith.constant 0 : i32
      %dma_start3A_889 = arith.constant 0 : i32
      %dma_start3A_890 = tpu.memref_slice %arg9[%dma_start3A_887, %dma_start3A_888, %dma_start3A_889] : memref<8x32x128xf32, #tpu.memory_space<vmem>> -> memref<1x32x128xf32, #tpu.memory_space<vmem>>
      %dma_start3A_891 = tpu.memref_squeeze %dma_start3A_890 : memref<1x32x128xf32, #tpu.memory_space<vmem>> -> memref<32x128xf32, #tpu.memory_space<vmem>>
      %dma_start3A_892 = arith.constant 0 : i32
      %dma_start3A_893 = tpu.memref_slice %arg4[%dma_start3A_892, %multiple_of3A_886] : memref<32x1000000xf32, #tpu.memory_space<hbm>> -> memref<32x128xf32, #tpu.memory_space<hbm>>
      %dma_start3A_894 = arith.constant 0 : i32
      %dma_start3A_895 = arith.constant 0 : i32
      %dma_start3A_896 = tpu.memref_slice %arg9[%dma_start3A_887, %dma_start3A_894, %dma_start3A_895] : memref<8x32x128xf32, #tpu.memory_space<vmem>> -> memref<1x32x128xf32, #tpu.memory_space<vmem>>
      %dma_start3A_897 = tpu.memref_squeeze %dma_start3A_896 : memref<1x32x128xf32, #tpu.memory_space<vmem>> -> memref<32x128xf32, #tpu.memory_space<vmem>>
      %dma_start3A_898 = arith.constant 0 : i32
      %dma_start3A_899 = tpu.memref_slice %arg4[%dma_start3A_898, %multiple_of3A_886] : memref<32x1000000xf32, #tpu.memory_space<hbm>> -> memref<32x128xf32, #tpu.memory_space<hbm>>
      tpu.enqueue_dma source(%dma_start3A_899 : memref<32x128xf32, #tpu.memory_space<hbm>>) target(%dma_start3A_897 : memref<32x128xf32, #tpu.memory_space<vmem>>) target_semaphore(%arg12 : memref<!tpu.dma_semaphore, #tpu.memory_space<semaphore_mem>>)
      %slice3A_900 = vector.extract_strided_slice %mul3A_31 {offsets = [14], sizes = [1], strides = [1]} : vector<16xi32> to vector<1xi32>
      %squeeze3A_901 = vector.extract %slice3A_900[0] : i32 from vector<1xi32>
      %multiple_of3A_902 = tpu.assume_multiple %squeeze3A_901, 128 : i32
      %dma_start3A_903 = arith.constant 6 : i32
      %dma_start3A_904 = arith.constant 0 : i32
      %dma_start3A_905 = arith.constant 0 : i32
      %dma_start3A_906 = tpu.memref_slice %arg10[%dma_start3A_903, %dma_start3A_904, %dma_start3A_905] : memref<8x32x128xf32, #tpu.memory_space<vmem>> -> memref<1x32x128xf32, #tpu.memory_space<vmem>>
      %dma_start3A_907 = tpu.memref_squeeze %dma_start3A_906 : memref<1x32x128xf32, #tpu.memory_space<vmem>> -> memref<32x128xf32, #tpu.memory_space<vmem>>
      %dma_start3A_908 = arith.constant 0 : i32
      %dma_start3A_909 = tpu.memref_slice %arg5[%dma_start3A_908, %multiple_of3A_902] : memref<32x1000000xf32, #tpu.memory_space<hbm>> -> memref<32x128xf32, #tpu.memory_space<hbm>>
      %dma_start3A_910 = arith.constant 0 : i32
      %dma_start3A_911 = arith.constant 0 : i32
      %dma_start3A_912 = tpu.memref_slice %arg10[%dma_start3A_903, %dma_start3A_910, %dma_start3A_911] : memref<8x32x128xf32, #tpu.memory_space<vmem>> -> memref<1x32x128xf32, #tpu.memory_space<vmem>>
      %dma_start3A_913 = tpu.memref_squeeze %dma_start3A_912 : memref<1x32x128xf32, #tpu.memory_space<vmem>> -> memref<32x128xf32, #tpu.memory_space<vmem>>
      %dma_start3A_914 = arith.constant 0 : i32
      %dma_start3A_915 = tpu.memref_slice %arg5[%dma_start3A_914, %multiple_of3A_902] : memref<32x1000000xf32, #tpu.memory_space<hbm>> -> memref<32x128xf32, #tpu.memory_space<hbm>>
      tpu.enqueue_dma source(%dma_start3A_915 : memref<32x128xf32, #tpu.memory_space<hbm>>) target(%dma_start3A_913 : memref<32x128xf32, #tpu.memory_space<vmem>>) target_semaphore(%arg12 : memref<!tpu.dma_semaphore, #tpu.memory_space<semaphore_mem>>)
      %slice3A_916 = vector.extract_strided_slice %mul3A_25 {offsets = [15], sizes = [1], strides = [1]} : vector<16xi32> to vector<1xi32>
      %squeeze3A_917 = vector.extract %slice3A_916[0] : i32 from vector<1xi32>
      %multiple_of3A_918 = tpu.assume_multiple %squeeze3A_917, 128 : i32
      %dma_start3A_919 = arith.constant 7 : i32
      %dma_start3A_920 = arith.constant 0 : i32
      %dma_start3A_921 = arith.constant 0 : i32
      %dma_start3A_922 = tpu.memref_slice %arg9[%dma_start3A_919, %dma_start3A_920, %dma_start3A_921] : memref<8x32x128xf32, #tpu.memory_space<vmem>> -> memref<1x32x128xf32, #tpu.memory_space<vmem>>
      %dma_start3A_923 = tpu.memref_squeeze %dma_start3A_922 : memref<1x32x128xf32, #tpu.memory_space<vmem>> -> memref<32x128xf32, #tpu.memory_space<vmem>>
      %dma_start3A_924 = arith.constant 0 : i32
      %dma_start3A_925 = tpu.memref_slice %arg4[%dma_start3A_924, %multiple_of3A_918] : memref<32x1000000xf32, #tpu.memory_space<hbm>> -> memref<32x128xf32, #tpu.memory_space<hbm>>
      %dma_start3A_926 = arith.constant 0 : i32
      %dma_start3A_927 = arith.constant 0 : i32
      %dma_start3A_928 = tpu.memref_slice %arg9[%dma_start3A_919, %dma_start3A_926, %dma_start3A_927] : memref<8x32x128xf32, #tpu.memory_space<vmem>> -> memref<1x32x128xf32, #tpu.memory_space<vmem>>
      %dma_start3A_929 = tpu.memref_squeeze %dma_start3A_928 : memref<1x32x128xf32, #tpu.memory_space<vmem>> -> memref<32x128xf32, #tpu.memory_space<vmem>>
      %dma_start3A_930 = arith.constant 0 : i32
      %dma_start3A_931 = tpu.memref_slice %arg4[%dma_start3A_930, %multiple_of3A_918] : memref<32x1000000xf32, #tpu.memory_space<hbm>> -> memref<32x128xf32, #tpu.memory_space<hbm>>
      tpu.enqueue_dma source(%dma_start3A_931 : memref<32x128xf32, #tpu.memory_space<hbm>>) target(%dma_start3A_929 : memref<32x128xf32, #tpu.memory_space<vmem>>) target_semaphore(%arg12 : memref<!tpu.dma_semaphore, #tpu.memory_space<semaphore_mem>>)
      %slice3A_932 = vector.extract_strided_slice %mul3A_31 {offsets = [15], sizes = [1], strides = [1]} : vector<16xi32> to vector<1xi32>
      %squeeze3A_933 = vector.extract %slice3A_932[0] : i32 from vector<1xi32>
      %multiple_of3A_934 = tpu.assume_multiple %squeeze3A_933, 128 : i32
      %dma_start3A_935 = arith.constant 7 : i32
      %dma_start3A_936 = arith.constant 0 : i32
      %dma_start3A_937 = arith.constant 0 : i32
      %dma_start3A_938 = tpu.memref_slice %arg10[%dma_start3A_935, %dma_start3A_936, %dma_start3A_937] : memref<8x32x128xf32, #tpu.memory_space<vmem>> -> memref<1x32x128xf32, #tpu.memory_space<vmem>>
      %dma_start3A_939 = tpu.memref_squeeze %dma_start3A_938 : memref<1x32x128xf32, #tpu.memory_space<vmem>> -> memref<32x128xf32, #tpu.memory_space<vmem>>
      %dma_start3A_940 = arith.constant 0 : i32
      %dma_start3A_941 = tpu.memref_slice %arg5[%dma_start3A_940, %multiple_of3A_934] : memref<32x1000000xf32, #tpu.memory_space<hbm>> -> memref<32x128xf32, #tpu.memory_space<hbm>>
      %dma_start3A_942 = arith.constant 0 : i32
      %dma_start3A_943 = arith.constant 0 : i32
      %dma_start3A_944 = tpu.memref_slice %arg10[%dma_start3A_935, %dma_start3A_942, %dma_start3A_943] : memref<8x32x128xf32, #tpu.memory_space<vmem>> -> memref<1x32x128xf32, #tpu.memory_space<vmem>>
      %dma_start3A_945 = tpu.memref_squeeze %dma_start3A_944 : memref<1x32x128xf32, #tpu.memory_space<vmem>> -> memref<32x128xf32, #tpu.memory_space<vmem>>
      %dma_start3A_946 = arith.constant 0 : i32
      %dma_start3A_947 = tpu.memref_slice %arg5[%dma_start3A_946, %multiple_of3A_934] : memref<32x1000000xf32, #tpu.memory_space<hbm>> -> memref<32x128xf32, #tpu.memory_space<hbm>>
      tpu.enqueue_dma source(%dma_start3A_947 : memref<32x128xf32, #tpu.memory_space<hbm>>) target(%dma_start3A_945 : memref<32x128xf32, #tpu.memory_space<vmem>>) target_semaphore(%arg12 : memref<!tpu.dma_semaphore, #tpu.memory_space<semaphore_mem>>)
      %dma_wait3A_948 = arith.constant 0 : i32
      %dma_wait3A_949 = arith.constant 0 : i32
      %dma_wait3A_950 = arith.constant 0 : i32
      %dma_wait3A_951 = tpu.memref_slice %arg9[%dma_wait3A_948, %dma_wait3A_949, %dma_wait3A_950] : memref<8x32x128xf32, #tpu.memory_space<vmem>> -> memref<1x32x128xf32, #tpu.memory_space<vmem>>
      %dma_wait3A_952 = tpu.memref_squeeze %dma_wait3A_951 : memref<1x32x128xf32, #tpu.memory_space<vmem>> -> memref<32x128xf32, #tpu.memory_space<vmem>>
      %dma_wait3A_953 = arith.constant 0 : i32
      %dma_wait3A_954 = tpu.memref_slice %arg4[%dma_wait3A_953, %multiple_of3A_694] : memref<32x1000000xf32, #tpu.memory_space<hbm>> -> memref<32x128xf32, #tpu.memory_space<hbm>>
      %dma_wait3A_955 = arith.constant 0 : i32
      %dma_wait3A_956 = arith.constant 0 : i32
      %dma_wait3A_957 = tpu.memref_slice %arg9[%dma_wait3A_948, %dma_wait3A_955, %dma_wait3A_956] : memref<8x32x128xf32, #tpu.memory_space<vmem>> -> memref<1x32x128xf32, #tpu.memory_space<vmem>>
      %dma_wait3A_958 = tpu.memref_squeeze %dma_wait3A_957 : memref<1x32x128xf32, #tpu.memory_space<vmem>> -> memref<32x128xf32, #tpu.memory_space<vmem>>
      %dma_wait3A_959 = arith.constant 0 : i32
      %dma_wait3A_960 = tpu.memref_slice %arg4[%dma_wait3A_959, %multiple_of3A_694] : memref<32x1000000xf32, #tpu.memory_space<hbm>> -> memref<32x128xf32, #tpu.memory_space<hbm>>
      tpu.wait_dma2 semaphore(%arg12 : memref<!tpu.dma_semaphore, #tpu.memory_space<semaphore_mem>>) src(%dma_wait3A_960 : memref<32x128xf32, #tpu.memory_space<hbm>>) dst(%dma_wait3A_958 : memref<32x128xf32, #tpu.memory_space<vmem>>)
      %dma_wait3A_961 = arith.constant 0 : i32
      %dma_wait3A_962 = arith.constant 0 : i32
      %dma_wait3A_963 = arith.constant 0 : i32
      %dma_wait3A_964 = tpu.memref_slice %arg10[%dma_wait3A_961, %dma_wait3A_962, %dma_wait3A_963] : memref<8x32x128xf32, #tpu.memory_space<vmem>> -> memref<1x32x128xf32, #tpu.memory_space<vmem>>
      %dma_wait3A_965 = tpu.memref_squeeze %dma_wait3A_964 : memref<1x32x128xf32, #tpu.memory_space<vmem>> -> memref<32x128xf32, #tpu.memory_space<vmem>>
      %dma_wait3A_966 = arith.constant 0 : i32
      %dma_wait3A_967 = tpu.memref_slice %arg5[%dma_wait3A_966, %multiple_of3A_710] : memref<32x1000000xf32, #tpu.memory_space<hbm>> -> memref<32x128xf32, #tpu.memory_space<hbm>>
      %dma_wait3A_968 = arith.constant 0 : i32
      %dma_wait3A_969 = arith.constant 0 : i32
      %dma_wait3A_970 = tpu.memref_slice %arg10[%dma_wait3A_961, %dma_wait3A_968, %dma_wait3A_969] : memref<8x32x128xf32, #tpu.memory_space<vmem>> -> memref<1x32x128xf32, #tpu.memory_space<vmem>>
      %dma_wait3A_971 = tpu.memref_squeeze %dma_wait3A_970 : memref<1x32x128xf32, #tpu.memory_space<vmem>> -> memref<32x128xf32, #tpu.memory_space<vmem>>
      %dma_wait3A_972 = arith.constant 0 : i32
      %dma_wait3A_973 = tpu.memref_slice %arg5[%dma_wait3A_972, %multiple_of3A_710] : memref<32x1000000xf32, #tpu.memory_space<hbm>> -> memref<32x128xf32, #tpu.memory_space<hbm>>
      tpu.wait_dma2 semaphore(%arg12 : memref<!tpu.dma_semaphore, #tpu.memory_space<semaphore_mem>>) src(%dma_wait3A_973 : memref<32x128xf32, #tpu.memory_space<hbm>>) dst(%dma_wait3A_971 : memref<32x128xf32, #tpu.memory_space<vmem>>)
      %dma_wait3A_974 = arith.constant 1 : i32
      %dma_wait3A_975 = arith.constant 0 : i32
      %dma_wait3A_976 = arith.constant 0 : i32
      %dma_wait3A_977 = tpu.memref_slice %arg9[%dma_wait3A_974, %dma_wait3A_975, %dma_wait3A_976] : memref<8x32x128xf32, #tpu.memory_space<vmem>> -> memref<1x32x128xf32, #tpu.memory_space<vmem>>
      %dma_wait3A_978 = tpu.memref_squeeze %dma_wait3A_977 : memref<1x32x128xf32, #tpu.memory_space<vmem>> -> memref<32x128xf32, #tpu.memory_space<vmem>>
      %dma_wait3A_979 = arith.constant 0 : i32
      %dma_wait3A_980 = tpu.memref_slice %arg4[%dma_wait3A_979, %multiple_of3A_726] : memref<32x1000000xf32, #tpu.memory_space<hbm>> -> memref<32x128xf32, #tpu.memory_space<hbm>>
      %dma_wait3A_981 = arith.constant 0 : i32
      %dma_wait3A_982 = arith.constant 0 : i32
      %dma_wait3A_983 = tpu.memref_slice %arg9[%dma_wait3A_974, %dma_wait3A_981, %dma_wait3A_982] : memref<8x32x128xf32, #tpu.memory_space<vmem>> -> memref<1x32x128xf32, #tpu.memory_space<vmem>>
      %dma_wait3A_984 = tpu.memref_squeeze %dma_wait3A_983 : memref<1x32x128xf32, #tpu.memory_space<vmem>> -> memref<32x128xf32, #tpu.memory_space<vmem>>
      %dma_wait3A_985 = arith.constant 0 : i32
      %dma_wait3A_986 = tpu.memref_slice %arg4[%dma_wait3A_985, %multiple_of3A_726] : memref<32x1000000xf32, #tpu.memory_space<hbm>> -> memref<32x128xf32, #tpu.memory_space<hbm>>
      tpu.wait_dma2 semaphore(%arg12 : memref<!tpu.dma_semaphore, #tpu.memory_space<semaphore_mem>>) src(%dma_wait3A_986 : memref<32x128xf32, #tpu.memory_space<hbm>>) dst(%dma_wait3A_984 : memref<32x128xf32, #tpu.memory_space<vmem>>)
      %dma_wait3A_987 = arith.constant 1 : i32
      %dma_wait3A_988 = arith.constant 0 : i32
      %dma_wait3A_989 = arith.constant 0 : i32
      %dma_wait3A_990 = tpu.memref_slice %arg10[%dma_wait3A_987, %dma_wait3A_988, %dma_wait3A_989] : memref<8x32x128xf32, #tpu.memory_space<vmem>> -> memref<1x32x128xf32, #tpu.memory_space<vmem>>
      %dma_wait3A_991 = tpu.memref_squeeze %dma_wait3A_990 : memref<1x32x128xf32, #tpu.memory_space<vmem>> -> memref<32x128xf32, #tpu.memory_space<vmem>>
      %dma_wait3A_992 = arith.constant 0 : i32
      %dma_wait3A_993 = tpu.memref_slice %arg5[%dma_wait3A_992, %multiple_of3A_742] : memref<32x1000000xf32, #tpu.memory_space<hbm>> -> memref<32x128xf32, #tpu.memory_space<hbm>>
      %dma_wait3A_994 = arith.constant 0 : i32
      %dma_wait3A_995 = arith.constant 0 : i32
      %dma_wait3A_996 = tpu.memref_slice %arg10[%dma_wait3A_987, %dma_wait3A_994, %dma_wait3A_995] : memref<8x32x128xf32, #tpu.memory_space<vmem>> -> memref<1x32x128xf32, #tpu.memory_space<vmem>>
      %dma_wait3A_997 = tpu.memref_squeeze %dma_wait3A_996 : memref<1x32x128xf32, #tpu.memory_space<vmem>> -> memref<32x128xf32, #tpu.memory_space<vmem>>
      %dma_wait3A_998 = arith.constant 0 : i32
      %dma_wait3A_999 = tpu.memref_slice %arg5[%dma_wait3A_998, %multiple_of3A_742] : memref<32x1000000xf32, #tpu.memory_space<hbm>> -> memref<32x128xf32, #tpu.memory_space<hbm>>
      tpu.wait_dma2 semaphore(%arg12 : memref<!tpu.dma_semaphore, #tpu.memory_space<semaphore_mem>>) src(%dma_wait3A_999 : memref<32x128xf32, #tpu.memory_space<hbm>>) dst(%dma_wait3A_997 : memref<32x128xf32, #tpu.memory_space<vmem>>)
      %dma_wait3A_1000 = arith.constant 2 : i32
      %dma_wait3A_1001 = arith.constant 0 : i32
      %dma_wait3A_1002 = arith.constant 0 : i32
      %dma_wait3A_1003 = tpu.memref_slice %arg9[%dma_wait3A_1000, %dma_wait3A_1001, %dma_wait3A_1002] : memref<8x32x128xf32, #tpu.memory_space<vmem>> -> memref<1x32x128xf32, #tpu.memory_space<vmem>>
      %dma_wait3A_1004 = tpu.memref_squeeze %dma_wait3A_1003 : memref<1x32x128xf32, #tpu.memory_space<vmem>> -> memref<32x128xf32, #tpu.memory_space<vmem>>
      %dma_wait3A_1005 = arith.constant 0 : i32
      %dma_wait3A_1006 = tpu.memref_slice %arg4[%dma_wait3A_1005, %multiple_of3A_758] : memref<32x1000000xf32, #tpu.memory_space<hbm>> -> memref<32x128xf32, #tpu.memory_space<hbm>>
      %dma_wait3A_1007 = arith.constant 0 : i32
      %dma_wait3A_1008 = arith.constant 0 : i32
      %dma_wait3A_1009 = tpu.memref_slice %arg9[%dma_wait3A_1000, %dma_wait3A_1007, %dma_wait3A_1008] : memref<8x32x128xf32, #tpu.memory_space<vmem>> -> memref<1x32x128xf32, #tpu.memory_space<vmem>>
      %dma_wait3A_1010 = tpu.memref_squeeze %dma_wait3A_1009 : memref<1x32x128xf32, #tpu.memory_space<vmem>> -> memref<32x128xf32, #tpu.memory_space<vmem>>
      %dma_wait3A_1011 = arith.constant 0 : i32
      %dma_wait3A_1012 = tpu.memref_slice %arg4[%dma_wait3A_1011, %multiple_of3A_758] : memref<32x1000000xf32, #tpu.memory_space<hbm>> -> memref<32x128xf32, #tpu.memory_space<hbm>>
      tpu.wait_dma2 semaphore(%arg12 : memref<!tpu.dma_semaphore, #tpu.memory_space<semaphore_mem>>) src(%dma_wait3A_1012 : memref<32x128xf32, #tpu.memory_space<hbm>>) dst(%dma_wait3A_1010 : memref<32x128xf32, #tpu.memory_space<vmem>>)
      %dma_wait3A_1013 = arith.constant 2 : i32
      %dma_wait3A_1014 = arith.constant 0 : i32
      %dma_wait3A_1015 = arith.constant 0 : i32
      %dma_wait3A_1016 = tpu.memref_slice %arg10[%dma_wait3A_1013, %dma_wait3A_1014, %dma_wait3A_1015] : memref<8x32x128xf32, #tpu.memory_space<vmem>> -> memref<1x32x128xf32, #tpu.memory_space<vmem>>
      %dma_wait3A_1017 = tpu.memref_squeeze %dma_wait3A_1016 : memref<1x32x128xf32, #tpu.memory_space<vmem>> -> memref<32x128xf32, #tpu.memory_space<vmem>>
      %dma_wait3A_1018 = arith.constant 0 : i32
      %dma_wait3A_1019 = tpu.memref_slice %arg5[%dma_wait3A_1018, %multiple_of3A_774] : memref<32x1000000xf32, #tpu.memory_space<hbm>> -> memref<32x128xf32, #tpu.memory_space<hbm>>
      %dma_wait3A_1020 = arith.constant 0 : i32
      %dma_wait3A_1021 = arith.constant 0 : i32
      %dma_wait3A_1022 = tpu.memref_slice %arg10[%dma_wait3A_1013, %dma_wait3A_1020, %dma_wait3A_1021] : memref<8x32x128xf32, #tpu.memory_space<vmem>> -> memref<1x32x128xf32, #tpu.memory_space<vmem>>
      %dma_wait3A_1023 = tpu.memref_squeeze %dma_wait3A_1022 : memref<1x32x128xf32, #tpu.memory_space<vmem>> -> memref<32x128xf32, #tpu.memory_space<vmem>>
      %dma_wait3A_1024 = arith.constant 0 : i32
      %dma_wait3A_1025 = tpu.memref_slice %arg5[%dma_wait3A_1024, %multiple_of3A_774] : memref<32x1000000xf32, #tpu.memory_space<hbm>> -> memref<32x128xf32, #tpu.memory_space<hbm>>
      tpu.wait_dma2 semaphore(%arg12 : memref<!tpu.dma_semaphore, #tpu.memory_space<semaphore_mem>>) src(%dma_wait3A_1025 : memref<32x128xf32, #tpu.memory_space<hbm>>) dst(%dma_wait3A_1023 : memref<32x128xf32, #tpu.memory_space<vmem>>)
      %dma_wait3A_1026 = arith.constant 3 : i32
      %dma_wait3A_1027 = arith.constant 0 : i32
      %dma_wait3A_1028 = arith.constant 0 : i32
      %dma_wait3A_1029 = tpu.memref_slice %arg9[%dma_wait3A_1026, %dma_wait3A_1027, %dma_wait3A_1028] : memref<8x32x128xf32, #tpu.memory_space<vmem>> -> memref<1x32x128xf32, #tpu.memory_space<vmem>>
      %dma_wait3A_1030 = tpu.memref_squeeze %dma_wait3A_1029 : memref<1x32x128xf32, #tpu.memory_space<vmem>> -> memref<32x128xf32, #tpu.memory_space<vmem>>
      %dma_wait3A_1031 = arith.constant 0 : i32
      %dma_wait3A_1032 = tpu.memref_slice %arg4[%dma_wait3A_1031, %multiple_of3A_790] : memref<32x1000000xf32, #tpu.memory_space<hbm>> -> memref<32x128xf32, #tpu.memory_space<hbm>>
      %dma_wait3A_1033 = arith.constant 0 : i32
      %dma_wait3A_1034 = arith.constant 0 : i32
      %dma_wait3A_1035 = tpu.memref_slice %arg9[%dma_wait3A_1026, %dma_wait3A_1033, %dma_wait3A_1034] : memref<8x32x128xf32, #tpu.memory_space<vmem>> -> memref<1x32x128xf32, #tpu.memory_space<vmem>>
      %dma_wait3A_1036 = tpu.memref_squeeze %dma_wait3A_1035 : memref<1x32x128xf32, #tpu.memory_space<vmem>> -> memref<32x128xf32, #tpu.memory_space<vmem>>
      %dma_wait3A_1037 = arith.constant 0 : i32
      %dma_wait3A_1038 = tpu.memref_slice %arg4[%dma_wait3A_1037, %multiple_of3A_790] : memref<32x1000000xf32, #tpu.memory_space<hbm>> -> memref<32x128xf32, #tpu.memory_space<hbm>>
      tpu.wait_dma2 semaphore(%arg12 : memref<!tpu.dma_semaphore, #tpu.memory_space<semaphore_mem>>) src(%dma_wait3A_1038 : memref<32x128xf32, #tpu.memory_space<hbm>>) dst(%dma_wait3A_1036 : memref<32x128xf32, #tpu.memory_space<vmem>>)
      %dma_wait3A_1039 = arith.constant 3 : i32
      %dma_wait3A_1040 = arith.constant 0 : i32
      %dma_wait3A_1041 = arith.constant 0 : i32
      %dma_wait3A_1042 = tpu.memref_slice %arg10[%dma_wait3A_1039, %dma_wait3A_1040, %dma_wait3A_1041] : memref<8x32x128xf32, #tpu.memory_space<vmem>> -> memref<1x32x128xf32, #tpu.memory_space<vmem>>
      %dma_wait3A_1043 = tpu.memref_squeeze %dma_wait3A_1042 : memref<1x32x128xf32, #tpu.memory_space<vmem>> -> memref<32x128xf32, #tpu.memory_space<vmem>>
      %dma_wait3A_1044 = arith.constant 0 : i32
      %dma_wait3A_1045 = tpu.memref_slice %arg5[%dma_wait3A_1044, %multiple_of3A_806] : memref<32x1000000xf32, #tpu.memory_space<hbm>> -> memref<32x128xf32, #tpu.memory_space<hbm>>
      %dma_wait3A_1046 = arith.constant 0 : i32
      %dma_wait3A_1047 = arith.constant 0 : i32
      %dma_wait3A_1048 = tpu.memref_slice %arg10[%dma_wait3A_1039, %dma_wait3A_1046, %dma_wait3A_1047] : memref<8x32x128xf32, #tpu.memory_space<vmem>> -> memref<1x32x128xf32, #tpu.memory_space<vmem>>
      %dma_wait3A_1049 = tpu.memref_squeeze %dma_wait3A_1048 : memref<1x32x128xf32, #tpu.memory_space<vmem>> -> memref<32x128xf32, #tpu.memory_space<vmem>>
      %dma_wait3A_1050 = arith.constant 0 : i32
      %dma_wait3A_1051 = tpu.memref_slice %arg5[%dma_wait3A_1050, %multiple_of3A_806] : memref<32x1000000xf32, #tpu.memory_space<hbm>> -> memref<32x128xf32, #tpu.memory_space<hbm>>
      tpu.wait_dma2 semaphore(%arg12 : memref<!tpu.dma_semaphore, #tpu.memory_space<semaphore_mem>>) src(%dma_wait3A_1051 : memref<32x128xf32, #tpu.memory_space<hbm>>) dst(%dma_wait3A_1049 : memref<32x128xf32, #tpu.memory_space<vmem>>)
      %dma_wait3A_1052 = arith.constant 4 : i32
      %dma_wait3A_1053 = arith.constant 0 : i32
      %dma_wait3A_1054 = arith.constant 0 : i32
      %dma_wait3A_1055 = tpu.memref_slice %arg9[%dma_wait3A_1052, %dma_wait3A_1053, %dma_wait3A_1054] : memref<8x32x128xf32, #tpu.memory_space<vmem>> -> memref<1x32x128xf32, #tpu.memory_space<vmem>>
      %dma_wait3A_1056 = tpu.memref_squeeze %dma_wait3A_1055 : memref<1x32x128xf32, #tpu.memory_space<vmem>> -> memref<32x128xf32, #tpu.memory_space<vmem>>
      %dma_wait3A_1057 = arith.constant 0 : i32
      %dma_wait3A_1058 = tpu.memref_slice %arg4[%dma_wait3A_1057, %multiple_of3A_822] : memref<32x1000000xf32, #tpu.memory_space<hbm>> -> memref<32x128xf32, #tpu.memory_space<hbm>>
      %dma_wait3A_1059 = arith.constant 0 : i32
      %dma_wait3A_1060 = arith.constant 0 : i32
      %dma_wait3A_1061 = tpu.memref_slice %arg9[%dma_wait3A_1052, %dma_wait3A_1059, %dma_wait3A_1060] : memref<8x32x128xf32, #tpu.memory_space<vmem>> -> memref<1x32x128xf32, #tpu.memory_space<vmem>>
      %dma_wait3A_1062 = tpu.memref_squeeze %dma_wait3A_1061 : memref<1x32x128xf32, #tpu.memory_space<vmem>> -> memref<32x128xf32, #tpu.memory_space<vmem>>
      %dma_wait3A_1063 = arith.constant 0 : i32
      %dma_wait3A_1064 = tpu.memref_slice %arg4[%dma_wait3A_1063, %multiple_of3A_822] : memref<32x1000000xf32, #tpu.memory_space<hbm>> -> memref<32x128xf32, #tpu.memory_space<hbm>>
      tpu.wait_dma2 semaphore(%arg12 : memref<!tpu.dma_semaphore, #tpu.memory_space<semaphore_mem>>) src(%dma_wait3A_1064 : memref<32x128xf32, #tpu.memory_space<hbm>>) dst(%dma_wait3A_1062 : memref<32x128xf32, #tpu.memory_space<vmem>>)
      %dma_wait3A_1065 = arith.constant 4 : i32
      %dma_wait3A_1066 = arith.constant 0 : i32
      %dma_wait3A_1067 = arith.constant 0 : i32
      %dma_wait3A_1068 = tpu.memref_slice %arg10[%dma_wait3A_1065, %dma_wait3A_1066, %dma_wait3A_1067] : memref<8x32x128xf32, #tpu.memory_space<vmem>> -> memref<1x32x128xf32, #tpu.memory_space<vmem>>
      %dma_wait3A_1069 = tpu.memref_squeeze %dma_wait3A_1068 : memref<1x32x128xf32, #tpu.memory_space<vmem>> -> memref<32x128xf32, #tpu.memory_space<vmem>>
      %dma_wait3A_1070 = arith.constant 0 : i32
      %dma_wait3A_1071 = tpu.memref_slice %arg5[%dma_wait3A_1070, %multiple_of3A_838] : memref<32x1000000xf32, #tpu.memory_space<hbm>> -> memref<32x128xf32, #tpu.memory_space<hbm>>
      %dma_wait3A_1072 = arith.constant 0 : i32
      %dma_wait3A_1073 = arith.constant 0 : i32
      %dma_wait3A_1074 = tpu.memref_slice %arg10[%dma_wait3A_1065, %dma_wait3A_1072, %dma_wait3A_1073] : memref<8x32x128xf32, #tpu.memory_space<vmem>> -> memref<1x32x128xf32, #tpu.memory_space<vmem>>
      %dma_wait3A_1075 = tpu.memref_squeeze %dma_wait3A_1074 : memref<1x32x128xf32, #tpu.memory_space<vmem>> -> memref<32x128xf32, #tpu.memory_space<vmem>>
      %dma_wait3A_1076 = arith.constant 0 : i32
      %dma_wait3A_1077 = tpu.memref_slice %arg5[%dma_wait3A_1076, %multiple_of3A_838] : memref<32x1000000xf32, #tpu.memory_space<hbm>> -> memref<32x128xf32, #tpu.memory_space<hbm>>
      tpu.wait_dma2 semaphore(%arg12 : memref<!tpu.dma_semaphore, #tpu.memory_space<semaphore_mem>>) src(%dma_wait3A_1077 : memref<32x128xf32, #tpu.memory_space<hbm>>) dst(%dma_wait3A_1075 : memref<32x128xf32, #tpu.memory_space<vmem>>)
      %dma_wait3A_1078 = arith.constant 5 : i32
      %dma_wait3A_1079 = arith.constant 0 : i32
      %dma_wait3A_1080 = arith.constant 0 : i32
      %dma_wait3A_1081 = tpu.memref_slice %arg9[%dma_wait3A_1078, %dma_wait3A_1079, %dma_wait3A_1080] : memref<8x32x128xf32, #tpu.memory_space<vmem>> -> memref<1x32x128xf32, #tpu.memory_space<vmem>>
      %dma_wait3A_1082 = tpu.memref_squeeze %dma_wait3A_1081 : memref<1x32x128xf32, #tpu.memory_space<vmem>> -> memref<32x128xf32, #tpu.memory_space<vmem>>
      %dma_wait3A_1083 = arith.constant 0 : i32
      %dma_wait3A_1084 = tpu.memref_slice %arg4[%dma_wait3A_1083, %multiple_of3A_854] : memref<32x1000000xf32, #tpu.memory_space<hbm>> -> memref<32x128xf32, #tpu.memory_space<hbm>>
      %dma_wait3A_1085 = arith.constant 0 : i32
      %dma_wait3A_1086 = arith.constant 0 : i32
      %dma_wait3A_1087 = tpu.memref_slice %arg9[%dma_wait3A_1078, %dma_wait3A_1085, %dma_wait3A_1086] : memref<8x32x128xf32, #tpu.memory_space<vmem>> -> memref<1x32x128xf32, #tpu.memory_space<vmem>>
      %dma_wait3A_1088 = tpu.memref_squeeze %dma_wait3A_1087 : memref<1x32x128xf32, #tpu.memory_space<vmem>> -> memref<32x128xf32, #tpu.memory_space<vmem>>
      %dma_wait3A_1089 = arith.constant 0 : i32
      %dma_wait3A_1090 = tpu.memref_slice %arg4[%dma_wait3A_1089, %multiple_of3A_854] : memref<32x1000000xf32, #tpu.memory_space<hbm>> -> memref<32x128xf32, #tpu.memory_space<hbm>>
      tpu.wait_dma2 semaphore(%arg12 : memref<!tpu.dma_semaphore, #tpu.memory_space<semaphore_mem>>) src(%dma_wait3A_1090 : memref<32x128xf32, #tpu.memory_space<hbm>>) dst(%dma_wait3A_1088 : memref<32x128xf32, #tpu.memory_space<vmem>>)
      %dma_wait3A_1091 = arith.constant 5 : i32
      %dma_wait3A_1092 = arith.constant 0 : i32
      %dma_wait3A_1093 = arith.constant 0 : i32
      %dma_wait3A_1094 = tpu.memref_slice %arg10[%dma_wait3A_1091, %dma_wait3A_1092, %dma_wait3A_1093] : memref<8x32x128xf32, #tpu.memory_space<vmem>> -> memref<1x32x128xf32, #tpu.memory_space<vmem>>
      %dma_wait3A_1095 = tpu.memref_squeeze %dma_wait3A_1094 : memref<1x32x128xf32, #tpu.memory_space<vmem>> -> memref<32x128xf32, #tpu.memory_space<vmem>>
      %dma_wait3A_1096 = arith.constant 0 : i32
      %dma_wait3A_1097 = tpu.memref_slice %arg5[%dma_wait3A_1096, %multiple_of3A_870] : memref<32x1000000xf32, #tpu.memory_space<hbm>> -> memref<32x128xf32, #tpu.memory_space<hbm>>
      %dma_wait3A_1098 = arith.constant 0 : i32
      %dma_wait3A_1099 = arith.constant 0 : i32
      %dma_wait3A_1100 = tpu.memref_slice %arg10[%dma_wait3A_1091, %dma_wait3A_1098, %dma_wait3A_1099] : memref<8x32x128xf32, #tpu.memory_space<vmem>> -> memref<1x32x128xf32, #tpu.memory_space<vmem>>
      %dma_wait3A_1101 = tpu.memref_squeeze %dma_wait3A_1100 : memref<1x32x128xf32, #tpu.memory_space<vmem>> -> memref<32x128xf32, #tpu.memory_space<vmem>>
      %dma_wait3A_1102 = arith.constant 0 : i32
      %dma_wait3A_1103 = tpu.memref_slice %arg5[%dma_wait3A_1102, %multiple_of3A_870] : memref<32x1000000xf32, #tpu.memory_space<hbm>> -> memref<32x128xf32, #tpu.memory_space<hbm>>
      tpu.wait_dma2 semaphore(%arg12 : memref<!tpu.dma_semaphore, #tpu.memory_space<semaphore_mem>>) src(%dma_wait3A_1103 : memref<32x128xf32, #tpu.memory_space<hbm>>) dst(%dma_wait3A_1101 : memref<32x128xf32, #tpu.memory_space<vmem>>)
      %dma_wait3A_1104 = arith.constant 6 : i32
      %dma_wait3A_1105 = arith.constant 0 : i32
      %dma_wait3A_1106 = arith.constant 0 : i32
      %dma_wait3A_1107 = tpu.memref_slice %arg9[%dma_wait3A_1104, %dma_wait3A_1105, %dma_wait3A_1106] : memref<8x32x128xf32, #tpu.memory_space<vmem>> -> memref<1x32x128xf32, #tpu.memory_space<vmem>>
      %dma_wait3A_1108 = tpu.memref_squeeze %dma_wait3A_1107 : memref<1x32x128xf32, #tpu.memory_space<vmem>> -> memref<32x128xf32, #tpu.memory_space<vmem>>
      %dma_wait3A_1109 = arith.constant 0 : i32
      %dma_wait3A_1110 = tpu.memref_slice %arg4[%dma_wait3A_1109, %multiple_of3A_886] : memref<32x1000000xf32, #tpu.memory_space<hbm>> -> memref<32x128xf32, #tpu.memory_space<hbm>>
      %dma_wait3A_1111 = arith.constant 0 : i32
      %dma_wait3A_1112 = arith.constant 0 : i32
      %dma_wait3A_1113 = tpu.memref_slice %arg9[%dma_wait3A_1104, %dma_wait3A_1111, %dma_wait3A_1112] : memref<8x32x128xf32, #tpu.memory_space<vmem>> -> memref<1x32x128xf32, #tpu.memory_space<vmem>>
      %dma_wait3A_1114 = tpu.memref_squeeze %dma_wait3A_1113 : memref<1x32x128xf32, #tpu.memory_space<vmem>> -> memref<32x128xf32, #tpu.memory_space<vmem>>
      %dma_wait3A_1115 = arith.constant 0 : i32
      %dma_wait3A_1116 = tpu.memref_slice %arg4[%dma_wait3A_1115, %multiple_of3A_886] : memref<32x1000000xf32, #tpu.memory_space<hbm>> -> memref<32x128xf32, #tpu.memory_space<hbm>>
      tpu.wait_dma2 semaphore(%arg12 : memref<!tpu.dma_semaphore, #tpu.memory_space<semaphore_mem>>) src(%dma_wait3A_1116 : memref<32x128xf32, #tpu.memory_space<hbm>>) dst(%dma_wait3A_1114 : memref<32x128xf32, #tpu.memory_space<vmem>>)
      %dma_wait3A_1117 = arith.constant 6 : i32
      %dma_wait3A_1118 = arith.constant 0 : i32
      %dma_wait3A_1119 = arith.constant 0 : i32
      %dma_wait3A_1120 = tpu.memref_slice %arg10[%dma_wait3A_1117, %dma_wait3A_1118, %dma_wait3A_1119] : memref<8x32x128xf32, #tpu.memory_space<vmem>> -> memref<1x32x128xf32, #tpu.memory_space<vmem>>
      %dma_wait3A_1121 = tpu.memref_squeeze %dma_wait3A_1120 : memref<1x32x128xf32, #tpu.memory_space<vmem>> -> memref<32x128xf32, #tpu.memory_space<vmem>>
      %dma_wait3A_1122 = arith.constant 0 : i32
      %dma_wait3A_1123 = tpu.memref_slice %arg5[%dma_wait3A_1122, %multiple_of3A_902] : memref<32x1000000xf32, #tpu.memory_space<hbm>> -> memref<32x128xf32, #tpu.memory_space<hbm>>
      %dma_wait3A_1124 = arith.constant 0 : i32
      %dma_wait3A_1125 = arith.constant 0 : i32
      %dma_wait3A_1126 = tpu.memref_slice %arg10[%dma_wait3A_1117, %dma_wait3A_1124, %dma_wait3A_1125] : memref<8x32x128xf32, #tpu.memory_space<vmem>> -> memref<1x32x128xf32, #tpu.memory_space<vmem>>
      %dma_wait3A_1127 = tpu.memref_squeeze %dma_wait3A_1126 : memref<1x32x128xf32, #tpu.memory_space<vmem>> -> memref<32x128xf32, #tpu.memory_space<vmem>>
      %dma_wait3A_1128 = arith.constant 0 : i32
      %dma_wait3A_1129 = tpu.memref_slice %arg5[%dma_wait3A_1128, %multiple_of3A_902] : memref<32x1000000xf32, #tpu.memory_space<hbm>> -> memref<32x128xf32, #tpu.memory_space<hbm>>
      tpu.wait_dma2 semaphore(%arg12 : memref<!tpu.dma_semaphore, #tpu.memory_space<semaphore_mem>>) src(%dma_wait3A_1129 : memref<32x128xf32, #tpu.memory_space<hbm>>) dst(%dma_wait3A_1127 : memref<32x128xf32, #tpu.memory_space<vmem>>)
      %dma_wait3A_1130 = arith.constant 7 : i32
      %dma_wait3A_1131 = arith.constant 0 : i32
      %dma_wait3A_1132 = arith.constant 0 : i32
      %dma_wait3A_1133 = tpu.memref_slice %arg9[%dma_wait3A_1130, %dma_wait3A_1131, %dma_wait3A_1132] : memref<8x32x128xf32, #tpu.memory_space<vmem>> -> memref<1x32x128xf32, #tpu.memory_space<vmem>>
      %dma_wait3A_1134 = tpu.memref_squeeze %dma_wait3A_1133 : memref<1x32x128xf32, #tpu.memory_space<vmem>> -> memref<32x128xf32, #tpu.memory_space<vmem>>
      %dma_wait3A_1135 = arith.constant 0 : i32
      %dma_wait3A_1136 = tpu.memref_slice %arg4[%dma_wait3A_1135, %multiple_of3A_918] : memref<32x1000000xf32, #tpu.memory_space<hbm>> -> memref<32x128xf32, #tpu.memory_space<hbm>>
      %dma_wait3A_1137 = arith.constant 0 : i32
      %dma_wait3A_1138 = arith.constant 0 : i32
      %dma_wait3A_1139 = tpu.memref_slice %arg9[%dma_wait3A_1130, %dma_wait3A_1137, %dma_wait3A_1138] : memref<8x32x128xf32, #tpu.memory_space<vmem>> -> memref<1x32x128xf32, #tpu.memory_space<vmem>>
      %dma_wait3A_1140 = tpu.memref_squeeze %dma_wait3A_1139 : memref<1x32x128xf32, #tpu.memory_space<vmem>> -> memref<32x128xf32, #tpu.memory_space<vmem>>
      %dma_wait3A_1141 = arith.constant 0 : i32
      %dma_wait3A_1142 = tpu.memref_slice %arg4[%dma_wait3A_1141, %multiple_of3A_918] : memref<32x1000000xf32, #tpu.memory_space<hbm>> -> memref<32x128xf32, #tpu.memory_space<hbm>>
      tpu.wait_dma2 semaphore(%arg12 : memref<!tpu.dma_semaphore, #tpu.memory_space<semaphore_mem>>) src(%dma_wait3A_1142 : memref<32x128xf32, #tpu.memory_space<hbm>>) dst(%dma_wait3A_1140 : memref<32x128xf32, #tpu.memory_space<vmem>>)
      %dma_wait3A_1143 = arith.constant 7 : i32
      %dma_wait3A_1144 = arith.constant 0 : i32
      %dma_wait3A_1145 = arith.constant 0 : i32
      %dma_wait3A_1146 = tpu.memref_slice %arg10[%dma_wait3A_1143, %dma_wait3A_1144, %dma_wait3A_1145] : memref<8x32x128xf32, #tpu.memory_space<vmem>> -> memref<1x32x128xf32, #tpu.memory_space<vmem>>
      %dma_wait3A_1147 = tpu.memref_squeeze %dma_wait3A_1146 : memref<1x32x128xf32, #tpu.memory_space<vmem>> -> memref<32x128xf32, #tpu.memory_space<vmem>>
      %dma_wait3A_1148 = arith.constant 0 : i32
      %dma_wait3A_1149 = tpu.memref_slice %arg5[%dma_wait3A_1148, %multiple_of3A_934] : memref<32x1000000xf32, #tpu.memory_space<hbm>> -> memref<32x128xf32, #tpu.memory_space<hbm>>
      %dma_wait3A_1150 = arith.constant 0 : i32
      %dma_wait3A_1151 = arith.constant 0 : i32
      %dma_wait3A_1152 = tpu.memref_slice %arg10[%dma_wait3A_1143, %dma_wait3A_1150, %dma_wait3A_1151] : memref<8x32x128xf32, #tpu.memory_space<vmem>> -> memref<1x32x128xf32, #tpu.memory_space<vmem>>
      %dma_wait3A_1153 = tpu.memref_squeeze %dma_wait3A_1152 : memref<1x32x128xf32, #tpu.memory_space<vmem>> -> memref<32x128xf32, #tpu.memory_space<vmem>>
      %dma_wait3A_1154 = arith.constant 0 : i32
      %dma_wait3A_1155 = tpu.memref_slice %arg5[%dma_wait3A_1154, %multiple_of3A_934] : memref<32x1000000xf32, #tpu.memory_space<hbm>> -> memref<32x128xf32, #tpu.memory_space<hbm>>
      tpu.wait_dma2 semaphore(%arg12 : memref<!tpu.dma_semaphore, #tpu.memory_space<semaphore_mem>>) src(%dma_wait3A_1155 : memref<32x128xf32, #tpu.memory_space<hbm>>) dst(%dma_wait3A_1153 : memref<32x128xf32, #tpu.memory_space<vmem>>)
      %mul3A_1156 = arith.constant 16 : i32
      %mul3A_1157 = arith.muli %scan3A_13, %mul3A_1156 : i32
      %add3A_1158 = arith.constant 8 : i32
      %add3A_1159 = arith.addi %mul3A_1157, %add3A_1158 : i32
      %add3A_1160 = vector.broadcast %add3A_1159 : i32 to vector<16xi32>
      %add3A_1161 = arith.addi %add3A_1160, %min3A_4 : vector<16xi32>
      %gather3A_1162 = tpu.vector_load_idx %arg7[%add3A_1161] : memref<512xi32, #tpu.memory_space<vmem>>[vector<16xi32>], vector<16xi32>,
      %and3A_1163 = arith.constant 127 : i32
      %and3A_1164 = vector.broadcast %and3A_1163 : i32 to vector<16xi32>
      %and3A_1165 = arith.andi %gather3A_1162, %and3A_1164 : vector<16xi32>
      %gather3A_1166 = tpu.vector_load_idx %arg8[%add3A_1161] : memref<512xi32, #tpu.memory_space<vmem>>[vector<16xi32>], vector<16xi32>,
      %and3A_1167 = arith.constant 127 : i32
      %and3A_1168 = vector.broadcast %and3A_1167 : i32 to vector<16xi32>
      %and3A_1169 = arith.andi %gather3A_1166, %and3A_1168 : vector<16xi32>
      %gather3A_1170 = tpu.vector_load_idx %arg9[%min3A_4, %broadcast_in_dim3A_7, %and3A_1165] : memref<8x32x128xf32, #tpu.memory_space<vmem>>[vector<16xi32>, vector<16xi32>, vector<16xi32>], vector<16xf32>,
      %gather3A_1171 = tpu.vector_load_idx %arg10[%min3A_4, %broadcast_in_dim3A_7, %and3A_1169] : memref<8x32x128xf32, #tpu.memory_space<vmem>>[vector<16xi32>, vector<16xi32>, vector<16xi32>], vector<16xf32>,
      %mul3A_1172 = arith.mulf %gather3A_1170, %gather3A_1171 : vector<16xf32>
      %broadcast_in_dim3A_1173 = arith.constant 1 : i32
      %broadcast_in_dim3A_1174 = vector.broadcast %broadcast_in_dim3A_1173 : i32 to vector<16xi32>
      %gather3A_1175 = tpu.vector_load_idx %arg9[%min3A_4, %broadcast_in_dim3A_1174, %and3A_1165] : memref<8x32x128xf32, #tpu.memory_space<vmem>>[vector<16xi32>, vector<16xi32>, vector<16xi32>], vector<16xf32>,
      %gather3A_1176 = tpu.vector_load_idx %arg10[%min3A_4, %broadcast_in_dim3A_1174, %and3A_1169] : memref<8x32x128xf32, #tpu.memory_space<vmem>>[vector<16xi32>, vector<16xi32>, vector<16xi32>], vector<16xf32>,
      %mul3A_1177 = arith.mulf %gather3A_1175, %gather3A_1176 : vector<16xf32>
      %add3A_1178 = arith.addf %mul3A_1172, %mul3A_1177 : vector<16xf32>
      %broadcast_in_dim3A_1179 = arith.constant 2 : i32
      %broadcast_in_dim3A_1180 = vector.broadcast %broadcast_in_dim3A_1179 : i32 to vector<16xi32>
      %gather3A_1181 = tpu.vector_load_idx %arg9[%min3A_4, %broadcast_in_dim3A_1180, %and3A_1165] : memref<8x32x128xf32, #tpu.memory_space<vmem>>[vector<16xi32>, vector<16xi32>, vector<16xi32>], vector<16xf32>,
      %gather3A_1182 = tpu.vector_load_idx %arg10[%min3A_4, %broadcast_in_dim3A_1180, %and3A_1169] : memref<8x32x128xf32, #tpu.memory_space<vmem>>[vector<16xi32>, vector<16xi32>, vector<16xi32>], vector<16xf32>,
      %mul3A_1183 = arith.mulf %gather3A_1181, %gather3A_1182 : vector<16xf32>
      %add3A_1184 = arith.addf %add3A_1178, %mul3A_1183 : vector<16xf32>
      %broadcast_in_dim3A_1185 = arith.constant 3 : i32
      %broadcast_in_dim3A_1186 = vector.broadcast %broadcast_in_dim3A_1185 : i32 to vector<16xi32>
      %gather3A_1187 = tpu.vector_load_idx %arg9[%min3A_4, %broadcast_in_dim3A_1186, %and3A_1165] : memref<8x32x128xf32, #tpu.memory_space<vmem>>[vector<16xi32>, vector<16xi32>, vector<16xi32>], vector<16xf32>,
      %gather3A_1188 = tpu.vector_load_idx %arg10[%min3A_4, %broadcast_in_dim3A_1186, %and3A_1169] : memref<8x32x128xf32, #tpu.memory_space<vmem>>[vector<16xi32>, vector<16xi32>, vector<16xi32>], vector<16xf32>,
      %mul3A_1189 = arith.mulf %gather3A_1187, %gather3A_1188 : vector<16xf32>
      %add3A_1190 = arith.addf %add3A_1184, %mul3A_1189 : vector<16xf32>
      %broadcast_in_dim3A_1191 = arith.constant 4 : i32
      %broadcast_in_dim3A_1192 = vector.broadcast %broadcast_in_dim3A_1191 : i32 to vector<16xi32>
      %gather3A_1193 = tpu.vector_load_idx %arg9[%min3A_4, %broadcast_in_dim3A_1192, %and3A_1165] : memref<8x32x128xf32, #tpu.memory_space<vmem>>[vector<16xi32>, vector<16xi32>, vector<16xi32>], vector<16xf32>,
      %gather3A_1194 = tpu.vector_load_idx %arg10[%min3A_4, %broadcast_in_dim3A_1192, %and3A_1169] : memref<8x32x128xf32, #tpu.memory_space<vmem>>[vector<16xi32>, vector<16xi32>, vector<16xi32>], vector<16xf32>,
      %mul3A_1195 = arith.mulf %gather3A_1193, %gather3A_1194 : vector<16xf32>
      %add3A_1196 = arith.addf %add3A_1190, %mul3A_1195 : vector<16xf32>
      %broadcast_in_dim3A_1197 = arith.constant 5 : i32
      %broadcast_in_dim3A_1198 = vector.broadcast %broadcast_in_dim3A_1197 : i32 to vector<16xi32>
      %gather3A_1199 = tpu.vector_load_idx %arg9[%min3A_4, %broadcast_in_dim3A_1198, %and3A_1165] : memref<8x32x128xf32, #tpu.memory_space<vmem>>[vector<16xi32>, vector<16xi32>, vector<16xi32>], vector<16xf32>,
      %gather3A_1200 = tpu.vector_load_idx %arg10[%min3A_4, %broadcast_in_dim3A_1198, %and3A_1169] : memref<8x32x128xf32, #tpu.memory_space<vmem>>[vector<16xi32>, vector<16xi32>, vector<16xi32>], vector<16xf32>,
      %mul3A_1201 = arith.mulf %gather3A_1199, %gather3A_1200 : vector<16xf32>
      %add3A_1202 = arith.addf %add3A_1196, %mul3A_1201 : vector<16xf32>
      %broadcast_in_dim3A_1203 = arith.constant 6 : i32
      %broadcast_in_dim3A_1204 = vector.broadcast %broadcast_in_dim3A_1203 : i32 to vector<16xi32>
      %gather3A_1205 = tpu.vector_load_idx %arg9[%min3A_4, %broadcast_in_dim3A_1204, %and3A_1165] : memref<8x32x128xf32, #tpu.memory_space<vmem>>[vector<16xi32>, vector<16xi32>, vector<16xi32>], vector<16xf32>,
      %gather3A_1206 = tpu.vector_load_idx %arg10[%min3A_4, %broadcast_in_dim3A_1204, %and3A_1169] : memref<8x32x128xf32, #tpu.memory_space<vmem>>[vector<16xi32>, vector<16xi32>, vector<16xi32>], vector<16xf32>,
      %mul3A_1207 = arith.mulf %gather3A_1205, %gather3A_1206 : vector<16xf32>
      %add3A_1208 = arith.addf %add3A_1202, %mul3A_1207 : vector<16xf32>
      %broadcast_in_dim3A_1209 = arith.constant 7 : i32
      %broadcast_in_dim3A_1210 = vector.broadcast %broadcast_in_dim3A_1209 : i32 to vector<16xi32>
      %gather3A_1211 = tpu.vector_load_idx %arg9[%min3A_4, %broadcast_in_dim3A_1210, %and3A_1165] : memref<8x32x128xf32, #tpu.memory_space<vmem>>[vector<16xi32>, vector<16xi32>, vector<16xi32>], vector<16xf32>,
      %gather3A_1212 = tpu.vector_load_idx %arg10[%min3A_4, %broadcast_in_dim3A_1210, %and3A_1169] : memref<8x32x128xf32, #tpu.memory_space<vmem>>[vector<16xi32>, vector<16xi32>, vector<16xi32>], vector<16xf32>,
      %mul3A_1213 = arith.mulf %gather3A_1211, %gather3A_1212 : vector<16xf32>
      %add3A_1214 = arith.addf %add3A_1208, %mul3A_1213 : vector<16xf32>
      %broadcast_in_dim3A_1215 = arith.constant 8 : i32
      %broadcast_in_dim3A_1216 = vector.broadcast %broadcast_in_dim3A_1215 : i32 to vector<16xi32>
      %gather3A_1217 = tpu.vector_load_idx %arg9[%min3A_4, %broadcast_in_dim3A_1216, %and3A_1165] : memref<8x32x128xf32, #tpu.memory_space<vmem>>[vector<16xi32>, vector<16xi32>, vector<16xi32>], vector<16xf32>,
      %gather3A_1218 = tpu.vector_load_idx %arg10[%min3A_4, %broadcast_in_dim3A_1216, %and3A_1169] : memref<8x32x128xf32, #tpu.memory_space<vmem>>[vector<16xi32>, vector<16xi32>, vector<16xi32>], vector<16xf32>,
      %mul3A_1219 = arith.mulf %gather3A_1217, %gather3A_1218 : vector<16xf32>
      %add3A_1220 = arith.addf %add3A_1214, %mul3A_1219 : vector<16xf32>
      %broadcast_in_dim3A_1221 = arith.constant 9 : i32
      %broadcast_in_dim3A_1222 = vector.broadcast %broadcast_in_dim3A_1221 : i32 to vector<16xi32>
      %gather3A_1223 = tpu.vector_load_idx %arg9[%min3A_4, %broadcast_in_dim3A_1222, %and3A_1165] : memref<8x32x128xf32, #tpu.memory_space<vmem>>[vector<16xi32>, vector<16xi32>, vector<16xi32>], vector<16xf32>,
      %gather3A_1224 = tpu.vector_load_idx %arg10[%min3A_4, %broadcast_in_dim3A_1222, %and3A_1169] : memref<8x32x128xf32, #tpu.memory_space<vmem>>[vector<16xi32>, vector<16xi32>, vector<16xi32>], vector<16xf32>,
      %mul3A_1225 = arith.mulf %gather3A_1223, %gather3A_1224 : vector<16xf32>
      %add3A_1226 = arith.addf %add3A_1220, %mul3A_1225 : vector<16xf32>
      %broadcast_in_dim3A_1227 = arith.constant 10 : i32
      %broadcast_in_dim3A_1228 = vector.broadcast %broadcast_in_dim3A_1227 : i32 to vector<16xi32>
      %gather3A_1229 = tpu.vector_load_idx %arg9[%min3A_4, %broadcast_in_dim3A_1228, %and3A_1165] : memref<8x32x128xf32, #tpu.memory_space<vmem>>[vector<16xi32>, vector<16xi32>, vector<16xi32>], vector<16xf32>,
      %gather3A_1230 = tpu.vector_load_idx %arg10[%min3A_4, %broadcast_in_dim3A_1228, %and3A_1169] : memref<8x32x128xf32, #tpu.memory_space<vmem>>[vector<16xi32>, vector<16xi32>, vector<16xi32>], vector<16xf32>,
      %mul3A_1231 = arith.mulf %gather3A_1229, %gather3A_1230 : vector<16xf32>
      %add3A_1232 = arith.addf %add3A_1226, %mul3A_1231 : vector<16xf32>
      %broadcast_in_dim3A_1233 = arith.constant 11 : i32
      %broadcast_in_dim3A_1234 = vector.broadcast %broadcast_in_dim3A_1233 : i32 to vector<16xi32>
      %gather3A_1235 = tpu.vector_load_idx %arg9[%min3A_4, %broadcast_in_dim3A_1234, %and3A_1165] : memref<8x32x128xf32, #tpu.memory_space<vmem>>[vector<16xi32>, vector<16xi32>, vector<16xi32>], vector<16xf32>,
      %gather3A_1236 = tpu.vector_load_idx %arg10[%min3A_4, %broadcast_in_dim3A_1234, %and3A_1169] : memref<8x32x128xf32, #tpu.memory_space<vmem>>[vector<16xi32>, vector<16xi32>, vector<16xi32>], vector<16xf32>,
      %mul3A_1237 = arith.mulf %gather3A_1235, %gather3A_1236 : vector<16xf32>
      %add3A_1238 = arith.addf %add3A_1232, %mul3A_1237 : vector<16xf32>
      %broadcast_in_dim3A_1239 = arith.constant 12 : i32
      %broadcast_in_dim3A_1240 = vector.broadcast %broadcast_in_dim3A_1239 : i32 to vector<16xi32>
      %gather3A_1241 = tpu.vector_load_idx %arg9[%min3A_4, %broadcast_in_dim3A_1240, %and3A_1165] : memref<8x32x128xf32, #tpu.memory_space<vmem>>[vector<16xi32>, vector<16xi32>, vector<16xi32>], vector<16xf32>,
      %gather3A_1242 = tpu.vector_load_idx %arg10[%min3A_4, %broadcast_in_dim3A_1240, %and3A_1169] : memref<8x32x128xf32, #tpu.memory_space<vmem>>[vector<16xi32>, vector<16xi32>, vector<16xi32>], vector<16xf32>,
      %mul3A_1243 = arith.mulf %gather3A_1241, %gather3A_1242 : vector<16xf32>
      %add3A_1244 = arith.addf %add3A_1238, %mul3A_1243 : vector<16xf32>
      %broadcast_in_dim3A_1245 = arith.constant 13 : i32
      %broadcast_in_dim3A_1246 = vector.broadcast %broadcast_in_dim3A_1245 : i32 to vector<16xi32>
      %gather3A_1247 = tpu.vector_load_idx %arg9[%min3A_4, %broadcast_in_dim3A_1246, %and3A_1165] : memref<8x32x128xf32, #tpu.memory_space<vmem>>[vector<16xi32>, vector<16xi32>, vector<16xi32>], vector<16xf32>,
      %gather3A_1248 = tpu.vector_load_idx %arg10[%min3A_4, %broadcast_in_dim3A_1246, %and3A_1169] : memref<8x32x128xf32, #tpu.memory_space<vmem>>[vector<16xi32>, vector<16xi32>, vector<16xi32>], vector<16xf32>,
      %mul3A_1249 = arith.mulf %gather3A_1247, %gather3A_1248 : vector<16xf32>
      %add3A_1250 = arith.addf %add3A_1244, %mul3A_1249 : vector<16xf32>
      %broadcast_in_dim3A_1251 = arith.constant 14 : i32
      %broadcast_in_dim3A_1252 = vector.broadcast %broadcast_in_dim3A_1251 : i32 to vector<16xi32>
      %gather3A_1253 = tpu.vector_load_idx %arg9[%min3A_4, %broadcast_in_dim3A_1252, %and3A_1165] : memref<8x32x128xf32, #tpu.memory_space<vmem>>[vector<16xi32>, vector<16xi32>, vector<16xi32>], vector<16xf32>,
      %gather3A_1254 = tpu.vector_load_idx %arg10[%min3A_4, %broadcast_in_dim3A_1252, %and3A_1169] : memref<8x32x128xf32, #tpu.memory_space<vmem>>[vector<16xi32>, vector<16xi32>, vector<16xi32>], vector<16xf32>,
      %mul3A_1255 = arith.mulf %gather3A_1253, %gather3A_1254 : vector<16xf32>
      %add3A_1256 = arith.addf %add3A_1250, %mul3A_1255 : vector<16xf32>
      %broadcast_in_dim3A_1257 = arith.constant 15 : i32
      %broadcast_in_dim3A_1258 = vector.broadcast %broadcast_in_dim3A_1257 : i32 to vector<16xi32>
      %gather3A_1259 = tpu.vector_load_idx %arg9[%min3A_4, %broadcast_in_dim3A_1258, %and3A_1165] : memref<8x32x128xf32, #tpu.memory_space<vmem>>[vector<16xi32>, vector<16xi32>, vector<16xi32>], vector<16xf32>,
      %gather3A_1260 = tpu.vector_load_idx %arg10[%min3A_4, %broadcast_in_dim3A_1258, %and3A_1169] : memref<8x32x128xf32, #tpu.memory_space<vmem>>[vector<16xi32>, vector<16xi32>, vector<16xi32>], vector<16xf32>,
      %mul3A_1261 = arith.mulf %gather3A_1259, %gather3A_1260 : vector<16xf32>
      %add3A_1262 = arith.addf %add3A_1256, %mul3A_1261 : vector<16xf32>
      %broadcast_in_dim3A_1263 = arith.constant 16 : i32
      %broadcast_in_dim3A_1264 = vector.broadcast %broadcast_in_dim3A_1263 : i32 to vector<16xi32>
      %gather3A_1265 = tpu.vector_load_idx %arg9[%min3A_4, %broadcast_in_dim3A_1264, %and3A_1165] : memref<8x32x128xf32, #tpu.memory_space<vmem>>[vector<16xi32>, vector<16xi32>, vector<16xi32>], vector<16xf32>,
      %gather3A_1266 = tpu.vector_load_idx %arg10[%min3A_4, %broadcast_in_dim3A_1264, %and3A_1169] : memref<8x32x128xf32, #tpu.memory_space<vmem>>[vector<16xi32>, vector<16xi32>, vector<16xi32>], vector<16xf32>,
      %mul3A_1267 = arith.mulf %gather3A_1265, %gather3A_1266 : vector<16xf32>
      %add3A_1268 = arith.addf %add3A_1262, %mul3A_1267 : vector<16xf32>
      %broadcast_in_dim3A_1269 = arith.constant 17 : i32
      %broadcast_in_dim3A_1270 = vector.broadcast %broadcast_in_dim3A_1269 : i32 to vector<16xi32>
      %gather3A_1271 = tpu.vector_load_idx %arg9[%min3A_4, %broadcast_in_dim3A_1270, %and3A_1165] : memref<8x32x128xf32, #tpu.memory_space<vmem>>[vector<16xi32>, vector<16xi32>, vector<16xi32>], vector<16xf32>,
      %gather3A_1272 = tpu.vector_load_idx %arg10[%min3A_4, %broadcast_in_dim3A_1270, %and3A_1169] : memref<8x32x128xf32, #tpu.memory_space<vmem>>[vector<16xi32>, vector<16xi32>, vector<16xi32>], vector<16xf32>,
      %mul3A_1273 = arith.mulf %gather3A_1271, %gather3A_1272 : vector<16xf32>
      %add3A_1274 = arith.addf %add3A_1268, %mul3A_1273 : vector<16xf32>
      %broadcast_in_dim3A_1275 = arith.constant 18 : i32
      %broadcast_in_dim3A_1276 = vector.broadcast %broadcast_in_dim3A_1275 : i32 to vector<16xi32>
      %gather3A_1277 = tpu.vector_load_idx %arg9[%min3A_4, %broadcast_in_dim3A_1276, %and3A_1165] : memref<8x32x128xf32, #tpu.memory_space<vmem>>[vector<16xi32>, vector<16xi32>, vector<16xi32>], vector<16xf32>,
      %gather3A_1278 = tpu.vector_load_idx %arg10[%min3A_4, %broadcast_in_dim3A_1276, %and3A_1169] : memref<8x32x128xf32, #tpu.memory_space<vmem>>[vector<16xi32>, vector<16xi32>, vector<16xi32>], vector<16xf32>,
      %mul3A_1279 = arith.mulf %gather3A_1277, %gather3A_1278 : vector<16xf32>
      %add3A_1280 = arith.addf %add3A_1274, %mul3A_1279 : vector<16xf32>
      %broadcast_in_dim3A_1281 = arith.constant 19 : i32
      %broadcast_in_dim3A_1282 = vector.broadcast %broadcast_in_dim3A_1281 : i32 to vector<16xi32>
      %gather3A_1283 = tpu.vector_load_idx %arg9[%min3A_4, %broadcast_in_dim3A_1282, %and3A_1165] : memref<8x32x128xf32, #tpu.memory_space<vmem>>[vector<16xi32>, vector<16xi32>, vector<16xi32>], vector<16xf32>,
      %gather3A_1284 = tpu.vector_load_idx %arg10[%min3A_4, %broadcast_in_dim3A_1282, %and3A_1169] : memref<8x32x128xf32, #tpu.memory_space<vmem>>[vector<16xi32>, vector<16xi32>, vector<16xi32>], vector<16xf32>,
      %mul3A_1285 = arith.mulf %gather3A_1283, %gather3A_1284 : vector<16xf32>
      %add3A_1286 = arith.addf %add3A_1280, %mul3A_1285 : vector<16xf32>
      %broadcast_in_dim3A_1287 = arith.constant 20 : i32
      %broadcast_in_dim3A_1288 = vector.broadcast %broadcast_in_dim3A_1287 : i32 to vector<16xi32>
      %gather3A_1289 = tpu.vector_load_idx %arg9[%min3A_4, %broadcast_in_dim3A_1288, %and3A_1165] : memref<8x32x128xf32, #tpu.memory_space<vmem>>[vector<16xi32>, vector<16xi32>, vector<16xi32>], vector<16xf32>,
      %gather3A_1290 = tpu.vector_load_idx %arg10[%min3A_4, %broadcast_in_dim3A_1288, %and3A_1169] : memref<8x32x128xf32, #tpu.memory_space<vmem>>[vector<16xi32>, vector<16xi32>, vector<16xi32>], vector<16xf32>,
      %mul3A_1291 = arith.mulf %gather3A_1289, %gather3A_1290 : vector<16xf32>
      %add3A_1292 = arith.addf %add3A_1286, %mul3A_1291 : vector<16xf32>
      %broadcast_in_dim3A_1293 = arith.constant 21 : i32
      %broadcast_in_dim3A_1294 = vector.broadcast %broadcast_in_dim3A_1293 : i32 to vector<16xi32>
      %gather3A_1295 = tpu.vector_load_idx %arg9[%min3A_4, %broadcast_in_dim3A_1294, %and3A_1165] : memref<8x32x128xf32, #tpu.memory_space<vmem>>[vector<16xi32>, vector<16xi32>, vector<16xi32>], vector<16xf32>,
      %gather3A_1296 = tpu.vector_load_idx %arg10[%min3A_4, %broadcast_in_dim3A_1294, %and3A_1169] : memref<8x32x128xf32, #tpu.memory_space<vmem>>[vector<16xi32>, vector<16xi32>, vector<16xi32>], vector<16xf32>,
      %mul3A_1297 = arith.mulf %gather3A_1295, %gather3A_1296 : vector<16xf32>
      %add3A_1298 = arith.addf %add3A_1292, %mul3A_1297 : vector<16xf32>
      %broadcast_in_dim3A_1299 = arith.constant 22 : i32
      %broadcast_in_dim3A_1300 = vector.broadcast %broadcast_in_dim3A_1299 : i32 to vector<16xi32>
      %gather3A_1301 = tpu.vector_load_idx %arg9[%min3A_4, %broadcast_in_dim3A_1300, %and3A_1165] : memref<8x32x128xf32, #tpu.memory_space<vmem>>[vector<16xi32>, vector<16xi32>, vector<16xi32>], vector<16xf32>,
      %gather3A_1302 = tpu.vector_load_idx %arg10[%min3A_4, %broadcast_in_dim3A_1300, %and3A_1169] : memref<8x32x128xf32, #tpu.memory_space<vmem>>[vector<16xi32>, vector<16xi32>, vector<16xi32>], vector<16xf32>,
      %mul3A_1303 = arith.mulf %gather3A_1301, %gather3A_1302 : vector<16xf32>
      %add3A_1304 = arith.addf %add3A_1298, %mul3A_1303 : vector<16xf32>
      %broadcast_in_dim3A_1305 = arith.constant 23 : i32
      %broadcast_in_dim3A_1306 = vector.broadcast %broadcast_in_dim3A_1305 : i32 to vector<16xi32>
      %gather3A_1307 = tpu.vector_load_idx %arg9[%min3A_4, %broadcast_in_dim3A_1306, %and3A_1165] : memref<8x32x128xf32, #tpu.memory_space<vmem>>[vector<16xi32>, vector<16xi32>, vector<16xi32>], vector<16xf32>,
      %gather3A_1308 = tpu.vector_load_idx %arg10[%min3A_4, %broadcast_in_dim3A_1306, %and3A_1169] : memref<8x32x128xf32, #tpu.memory_space<vmem>>[vector<16xi32>, vector<16xi32>, vector<16xi32>], vector<16xf32>,
      %mul3A_1309 = arith.mulf %gather3A_1307, %gather3A_1308 : vector<16xf32>
      %add3A_1310 = arith.addf %add3A_1304, %mul3A_1309 : vector<16xf32>
      %broadcast_in_dim3A_1311 = arith.constant 24 : i32
      %broadcast_in_dim3A_1312 = vector.broadcast %broadcast_in_dim3A_1311 : i32 to vector<16xi32>
      %gather3A_1313 = tpu.vector_load_idx %arg9[%min3A_4, %broadcast_in_dim3A_1312, %and3A_1165] : memref<8x32x128xf32, #tpu.memory_space<vmem>>[vector<16xi32>, vector<16xi32>, vector<16xi32>], vector<16xf32>,
      %gather3A_1314 = tpu.vector_load_idx %arg10[%min3A_4, %broadcast_in_dim3A_1312, %and3A_1169] : memref<8x32x128xf32, #tpu.memory_space<vmem>>[vector<16xi32>, vector<16xi32>, vector<16xi32>], vector<16xf32>,
      %mul3A_1315 = arith.mulf %gather3A_1313, %gather3A_1314 : vector<16xf32>
      %add3A_1316 = arith.addf %add3A_1310, %mul3A_1315 : vector<16xf32>
      %broadcast_in_dim3A_1317 = arith.constant 25 : i32
      %broadcast_in_dim3A_1318 = vector.broadcast %broadcast_in_dim3A_1317 : i32 to vector<16xi32>
      %gather3A_1319 = tpu.vector_load_idx %arg9[%min3A_4, %broadcast_in_dim3A_1318, %and3A_1165] : memref<8x32x128xf32, #tpu.memory_space<vmem>>[vector<16xi32>, vector<16xi32>, vector<16xi32>], vector<16xf32>,
      %gather3A_1320 = tpu.vector_load_idx %arg10[%min3A_4, %broadcast_in_dim3A_1318, %and3A_1169] : memref<8x32x128xf32, #tpu.memory_space<vmem>>[vector<16xi32>, vector<16xi32>, vector<16xi32>], vector<16xf32>,
      %mul3A_1321 = arith.mulf %gather3A_1319, %gather3A_1320 : vector<16xf32>
      %add3A_1322 = arith.addf %add3A_1316, %mul3A_1321 : vector<16xf32>
      %broadcast_in_dim3A_1323 = arith.constant 26 : i32
      %broadcast_in_dim3A_1324 = vector.broadcast %broadcast_in_dim3A_1323 : i32 to vector<16xi32>
      %gather3A_1325 = tpu.vector_load_idx %arg9[%min3A_4, %broadcast_in_dim3A_1324, %and3A_1165] : memref<8x32x128xf32, #tpu.memory_space<vmem>>[vector<16xi32>, vector<16xi32>, vector<16xi32>], vector<16xf32>,
      %gather3A_1326 = tpu.vector_load_idx %arg10[%min3A_4, %broadcast_in_dim3A_1324, %and3A_1169] : memref<8x32x128xf32, #tpu.memory_space<vmem>>[vector<16xi32>, vector<16xi32>, vector<16xi32>], vector<16xf32>,
      %mul3A_1327 = arith.mulf %gather3A_1325, %gather3A_1326 : vector<16xf32>
      %add3A_1328 = arith.addf %add3A_1322, %mul3A_1327 : vector<16xf32>
      %broadcast_in_dim3A_1329 = arith.constant 27 : i32
      %broadcast_in_dim3A_1330 = vector.broadcast %broadcast_in_dim3A_1329 : i32 to vector<16xi32>
      %gather3A_1331 = tpu.vector_load_idx %arg9[%min3A_4, %broadcast_in_dim3A_1330, %and3A_1165] : memref<8x32x128xf32, #tpu.memory_space<vmem>>[vector<16xi32>, vector<16xi32>, vector<16xi32>], vector<16xf32>,
      %gather3A_1332 = tpu.vector_load_idx %arg10[%min3A_4, %broadcast_in_dim3A_1330, %and3A_1169] : memref<8x32x128xf32, #tpu.memory_space<vmem>>[vector<16xi32>, vector<16xi32>, vector<16xi32>], vector<16xf32>,
      %mul3A_1333 = arith.mulf %gather3A_1331, %gather3A_1332 : vector<16xf32>
      %add3A_1334 = arith.addf %add3A_1328, %mul3A_1333 : vector<16xf32>
      %broadcast_in_dim3A_1335 = arith.constant 28 : i32
      %broadcast_in_dim3A_1336 = vector.broadcast %broadcast_in_dim3A_1335 : i32 to vector<16xi32>
      %gather3A_1337 = tpu.vector_load_idx %arg9[%min3A_4, %broadcast_in_dim3A_1336, %and3A_1165] : memref<8x32x128xf32, #tpu.memory_space<vmem>>[vector<16xi32>, vector<16xi32>, vector<16xi32>], vector<16xf32>,
      %gather3A_1338 = tpu.vector_load_idx %arg10[%min3A_4, %broadcast_in_dim3A_1336, %and3A_1169] : memref<8x32x128xf32, #tpu.memory_space<vmem>>[vector<16xi32>, vector<16xi32>, vector<16xi32>], vector<16xf32>,
      %mul3A_1339 = arith.mulf %gather3A_1337, %gather3A_1338 : vector<16xf32>
      %add3A_1340 = arith.addf %add3A_1334, %mul3A_1339 : vector<16xf32>
      %broadcast_in_dim3A_1341 = arith.constant 29 : i32
      %broadcast_in_dim3A_1342 = vector.broadcast %broadcast_in_dim3A_1341 : i32 to vector<16xi32>
      %gather3A_1343 = tpu.vector_load_idx %arg9[%min3A_4, %broadcast_in_dim3A_1342, %and3A_1165] : memref<8x32x128xf32, #tpu.memory_space<vmem>>[vector<16xi32>, vector<16xi32>, vector<16xi32>], vector<16xf32>,
      %gather3A_1344 = tpu.vector_load_idx %arg10[%min3A_4, %broadcast_in_dim3A_1342, %and3A_1169] : memref<8x32x128xf32, #tpu.memory_space<vmem>>[vector<16xi32>, vector<16xi32>, vector<16xi32>], vector<16xf32>,
      %mul3A_1345 = arith.mulf %gather3A_1343, %gather3A_1344 : vector<16xf32>
      %add3A_1346 = arith.addf %add3A_1340, %mul3A_1345 : vector<16xf32>
      %broadcast_in_dim3A_1347 = arith.constant 30 : i32
      %broadcast_in_dim3A_1348 = vector.broadcast %broadcast_in_dim3A_1347 : i32 to vector<16xi32>
      %gather3A_1349 = tpu.vector_load_idx %arg9[%min3A_4, %broadcast_in_dim3A_1348, %and3A_1165] : memref<8x32x128xf32, #tpu.memory_space<vmem>>[vector<16xi32>, vector<16xi32>, vector<16xi32>], vector<16xf32>,
      %gather3A_1350 = tpu.vector_load_idx %arg10[%min3A_4, %broadcast_in_dim3A_1348, %and3A_1169] : memref<8x32x128xf32, #tpu.memory_space<vmem>>[vector<16xi32>, vector<16xi32>, vector<16xi32>], vector<16xf32>,
      %mul3A_1351 = arith.mulf %gather3A_1349, %gather3A_1350 : vector<16xf32>
      %add3A_1352 = arith.addf %add3A_1346, %mul3A_1351 : vector<16xf32>
      %broadcast_in_dim3A_1353 = arith.constant 31 : i32
      %broadcast_in_dim3A_1354 = vector.broadcast %broadcast_in_dim3A_1353 : i32 to vector<16xi32>
      %gather3A_1355 = tpu.vector_load_idx %arg9[%min3A_4, %broadcast_in_dim3A_1354, %and3A_1165] : memref<8x32x128xf32, #tpu.memory_space<vmem>>[vector<16xi32>, vector<16xi32>, vector<16xi32>], vector<16xf32>,
      %gather3A_1356 = tpu.vector_load_idx %arg10[%min3A_4, %broadcast_in_dim3A_1354, %and3A_1169] : memref<8x32x128xf32, #tpu.memory_space<vmem>>[vector<16xi32>, vector<16xi32>, vector<16xi32>], vector<16xf32>,
      %mul3A_1357 = arith.mulf %gather3A_1355, %gather3A_1356 : vector<16xf32>
      %add3A_1358 = arith.addf %add3A_1352, %mul3A_1357 : vector<16xf32>
      tpu.vector_store_idx %arg11[%add3A_1161], %add3A_1358 masked %lt3A_6 : memref<512xf32, #tpu.memory_space<vmem>>[vector<16xi32>], vector<16xf32>, vector<16xi1>
    }
    %scan3A_12 = arith.constant 32 : i32
    "tpu.region"() ({
      %run_scoped3A = tpu.sem_alloc : memref<!tpu.dma_semaphore, #tpu.memory_space<semaphore_mem>>
      %dma_start3A = tpu.memref_slice %arg6[%mul3A_2] : memref<16384xf32, #tpu.memory_space<hbm>> -> memref<512xf32, #tpu.memory_space<hbm>>
      %dma_start3A_13 = tpu.memref_slice %arg6[%mul3A_2] : memref<16384xf32, #tpu.memory_space<hbm>> -> memref<512xf32, #tpu.memory_space<hbm>>
      tpu.enqueue_dma source(%arg11 : memref<512xf32, #tpu.memory_space<vmem>>) target(%dma_start3A_13 : memref<512xf32, #tpu.memory_space<hbm>>) target_semaphore(%run_scoped3A : memref<!tpu.dma_semaphore, #tpu.memory_space<semaphore_mem>>)
      %dma_wait3A = tpu.memref_slice %arg6[%mul3A_2] : memref<16384xf32, #tpu.memory_space<hbm>> -> memref<512xf32, #tpu.memory_space<hbm>>
      %dma_wait3A_14 = tpu.memref_slice %arg6[%mul3A_2] : memref<16384xf32, #tpu.memory_space<hbm>> -> memref<512xf32, #tpu.memory_space<hbm>>
      tpu.wait_dma2 semaphore(%run_scoped3A : memref<!tpu.dma_semaphore, #tpu.memory_space<semaphore_mem>>) src(%arg11 : memref<512xf32, #tpu.memory_space<vmem>>) dst(%dma_wait3A_14 : memref<512xf32, #tpu.memory_space<hbm>>)
      tpu.yield
    }) : () -> ()
    return
  }
}

</mosaic_0001>

<sc_bundles>
// kernel: _run.3.cloned.1.call-start
scs
__scs_entry_jumppad:
0x0: {  	(pc) =	sbr.rel $0x88, $3  }
0x1: {  	(tag) =	ssettag $0x0;
	lr =	simm.s32 $0x1  }
0x2: {  	[smem:$0x3F9D] =	sst lr;
	_ =	strace $0xD0000000  }
0x3: {  	_ = 	snop  }
0x4: {  	_ = 	snop  }
0x5: {  	_ = 	snop  }
0x6: {  	_ = 	snop  }
0x7: {  	_ = 	snop  }
__scs_overlays_trampoline_lowered:
0x8: {  	[smem:$0x3FAC] =	sst s0  }
0x9: {  	[smem:$0x3FAD] =	sst s1  }
0xa: {  	[smem:$0x3FAE] =	sst s2  }
0xb: {  	[smem:$0x3FAF] =	sst s3  }
0xc: {  	[smem:$0x3FB0] =	sst s4  }
0xd: {  	[smem:$0x3FB1] =	sst s5  }
0xe: {  	[smem:$0x3FB2] =	sst s6  }
0xf: {  	[smem:$0x3FB3] =	sst s7  }
0x10: {  	[smem:$0x3FB4] =	sst s8  }
0x11: {  	[smem:$0x3FB5] =	sst s9;
	s0 =	simm.s32 @!p0 $0x0  }
0x12: {  	s1 =	sld [smem:$0x3F9B];
	s0 =	simm.s32 @p0 $0x1  }
0x13: {  	[smem:$0x3FB6] =	sst s0;
	s0 =	simm.s32 @!p1 $0x0  }
0x14: {  	s2 =	sld [smem:$0x3F9A];
	s0 =	simm.s32 @p1 $0x1  }
0x15: {  	[smem:$0x3FB7] =	sst s0;
	s0 =	simm.s32 @!p2 $0x0  }
0x16: {  	s3 =	sld [smem:$0x3FDB];
	s0 =	simm.s32 @p2 $0x1  }
0x17: {  	s4 =	simm.s32 $0x1BF5;
	[smem:$0x3FB9] =	sst s0  }
0x18: {  	s0 =	sld [smem:$0x3F9C];
	_ =	swait.ge [sflag:s4], $0x0  }
0x19: {  	s7 =	sld [smem:$0x3F9D]  }
0x1a: {  	s8 =	sadd.s32 $0xFFFFE003, lr  }
0x1b: {  	s9 =	sadd.s32 $0xFFFFFEF7, lr;
	s5 =	simm.s32 $0xFFFFFFFF;
	p2 =	slt.u32 s8, $0xFFFFF086  }
0x1c: {  	p1 =	slt.u32 s9, $0xF7A;
	s5 =	simm.s32 @!p2 $0x0  }
0x1d: {  	s5 =	simm.s32 @p1 $0x1;
	p0 =	seq.s32 s7, s2  }
0x1e: {  	s7 =	smul.u32 @!p0 $0xF7A, s2;
	p2 =	seq.s32 @!p0 s5, $0x0  }
0x1f: {  	s9 =	smul.u32 $0xF7A, s1;
	s8 =	simm.s32 @!p0 $0x1BF5;
	p2 =	por !p2, p0  }
0x20: {  	[sflag:s8] =	ssyncset.s32 @!p0 $0xFFFFF086;
	s6 =	sadd.s32 @!p0 s3, s7;
	s7 =	simm.s32 @!p0 $0x108  }
0x21: {  	s3 =	sadd.s32 s3, s9;
	s6 =	sadd.s32 @!p0 $0x88, s6;
	s7 =	simm.s32 @p2 $0x1082  }
0x22: {  	[simem:s7], [sflag:s8] =	dma.local @!p0 [hbm:s6], $0xF7A  }
0x23: {  	s9 =	sor.u32 $0xD0000000, s2;
	s6 =	simm.s32 $0x108;
	_ =	swait.ge @!p0 [sflag:s8], $0x0  }
0x24: {  	s3 =	sadd.s32 $0x88, s3;
	s6 =	simm.s32 @!p1 $0x1082;
	[sflag:s4] =	ssyncset.s32 $0xFFFFF086  }
0x25: {  	[simem:s6], [sflag:s4] =	dma.local [hbm:s3], $0xF7A  }
0x26: {  	[smem:$0x3F9D] =	sst s1;
	(tag) =	ssettag s2;
	_ =	strace s9  }
0x27: {  	s1 =	sld [smem:$0x3FAD]  }
0x28: {  	s2 =	sld [smem:$0x3FAE]  }
0x29: {  	s4 =	sld [smem:$0x3FB0]  }
0x2a: {  	p0 =	seq.s32 s5, $0x0;
	s5 =	sld [smem:$0x3FB1]  }
0x2b: {  	s6 =	sld [smem:$0x3FB2]  }
0x2c: {  	s7 =	sld [smem:$0x3FB3]  }
0x2d: {  	s3 =	simm.s32 $0x108;
	s8 =	sld [smem:$0x3FB4]  }
0x2e: {  	s3 =	simm.s32 @!p0 $0x1082;
	s9 =	sld [smem:$0x3FB5]  }
0x2f: {  	lr =	sadd.s32 s0, s3;
	s0 =	sld [smem:$0x3FAC]  }
0x30: {  	s3 =	sld [smem:$0x3FAF]  }
0x31: {  	[smem:$0x3FB8] =	sst s10  }
0x32: {  	s10 =	sld [smem:$0x3FB6];
	_ =	sdelay $0x3  }
0x33: {  	p0 =	seq.s32 s10, $0x1;
	s10 =	sld [smem:$0x3FB8];
	_ =	sdelay $0x3  }
0x34: {  	[smem:$0x3FB8] =	sst s10  }
0x35: {  	s10 =	sld [smem:$0x3FB7];
	_ =	sdelay $0x3  }
0x36: {  	p1 =	seq.s32 s10, $0x1;
	s10 =	sld [smem:$0x3FB8];
	_ =	sdelay $0x3  }
0x37: {  	[smem:$0x3FB8] =	sst s10  }
0x38: {  	s10 =	sld [smem:$0x3FB9]  }
0x39: {  	_ = 	snop;
	(pc) =	sbr.ind lr, $3  }
0x3a: {  	_ = 	snop  }
0x3b: {  	_ = 	snop  }
0x3c: {  	p2 =	seq.s32 s10, $0x1;
	s10 =	sld [smem:$0x3FB8]  }
0x3d: {  	_ =	shalt  }
0x3e: {  	_ =	shalt  }
0x3f: {  	_ =	shalt  }
0x40: {  	_ =	shalt  }
0x41: {  	_ =	shalt  }
0x42: {  	_ =	shalt  }
0x43: {  	_ =	shalt  }
0x44: {  	_ =	shalt  }
0x45: {  	_ =	shalt  }
0x46: {  	_ =	shalt  }
0x47: {  	_ =	shalt  }
0x48: {  	_ =	shalt  }
0x49: {  	_ =	shalt  }
0x4a: {  	_ =	shalt  }
0x4b: {  	_ =	shalt  }
0x4c: {  	_ =	shalt  }
0x4d: {  	_ =	shalt  }
0x4e: {  	_ =	shalt  }
0x4f: {  	_ =	shalt  }
0x50: {  	_ =	shalt  }
0x51: {  	_ =	shalt  }
0x52: {  	_ =	shalt  }
0x53: {  	_ =	shalt  }
0x54: {  	_ =	shalt  }
0x55: {  	_ =	shalt  }
0x56: {  	_ =	shalt  }
0x57: {  	_ =	shalt  }
0x58: {  	_ =	shalt  }
0x59: {  	_ =	shalt  }
0x5a: {  	_ =	shalt  }
0x5b: {  	_ =	shalt  }
0x5c: {  	_ =	shalt  }
0x5d: {  	_ =	shalt  }
0x5e: {  	_ =	shalt  }
0x5f: {  	_ =	shalt  }
0x60: {  	_ =	shalt  }
0x61: {  	_ =	shalt  }
0x62: {  	_ =	shalt  }
0x63: {  	_ =	shalt  }
0x64: {  	_ =	shalt  }
0x65: {  	_ =	shalt  }
0x66: {  	_ =	shalt  }
0x67: {  	_ =	shalt  }
0x68: {  	_ =	shalt  }
0x69: {  	_ =	shalt  }
0x6a: {  	_ =	shalt  }
0x6b: {  	_ =	shalt  }
0x6c: {  	_ =	shalt  }
0x6d: {  	_ =	shalt  }
0x6e: {  	_ =	shalt  }
0x6f: {  	_ =	shalt  }
0x70: {  	_ =	shalt  }
0x71: {  	_ =	shalt  }
0x72: {  	_ =	shalt  }
0x73: {  	_ =	shalt  }
0x74: {  	_ =	shalt  }
0x75: {  	_ =	shalt  }
0x76: {  	_ =	shalt  }
0x77: {  	_ =	shalt  }
0x78: {  	_ =	shalt  }
0x79: {  	_ =	shalt  }
0x7a: {  	_ =	shalt  }
0x7b: {  	_ =	shalt  }
0x7c: {  	_ =	shalt  }
0x7d: {  	_ =	shalt  }
0x7e: {  	_ =	shalt  }
0x7f: {  	_ =	shalt  }
0x80: {  	_ =	shalt  }
0x81: {  	_ =	shalt  }
0x82: {  	_ =	shalt  }
0x83: {  	_ =	shalt  }
0x84: {  	_ =	shalt  }
0x85: {  	_ =	shalt  }
0x86: {  	_ =	shalt  }
0x87: {  	_ =	shalt  }
.Lfunc_end0:
.L_simem_size_0:
called_computation_lowered:
.L_overlay_start_0:
0x88: {  	s2 =	sld [smem:$0x3FD9]  }
0x89: {  	s3 =	sld [smem:$0x3FFE];
	_ =	sdelay $0x1  }
0x8a: {  	s1 =	srdreg.scid  }
0x8b: {  	s0 =	sand.u32 $0x1, s1  }
0x8c: {  	s18 =	sshll.u32 s0, $0xA;
	s2 =	sadd.s32 s3, s2  }
0x8d: {  	s2 =	sadd.s32 s2, s18  }
0x8e: {  	[smem:$0x3FC4] =	sst s2  }
0x8f: {  	_ = 	snop  }
0x90: {  	s2 =	sld [smem:$0x3FC9]  }
0x91: {  	s19 =	sld [smem:$0x3FC8]  }
0x92: {  	s4 =	sld [smem:$0x3FC7]  }
0x93: {  	s5 =	sld [smem:$0x3FC6]  }
0x94: {  	s6 =	sld [smem:$0x3FD0];
	(tm) =	ssettm $0x1  }
0x95: {  	s7 =	sld [smem:$0x3FFB];
	_ =	sdelay $0x3  }
0x96: {  	_ =	strace s7  }
0x97: {  	s7 =	sld [smem:$0x3FFC];
	_ =	sdelay $0x3  }
0x98: {  	_ =	strace s7  }
0x99: {  	s7 =	sld [smem:$0x3FFD];
	_ =	sdelay $0x3  }
0x9a: {  	_ =	strace s7  }
0x9b: {  	_ =	strace $0x8FFFFFFF  }
0x9c: {  	s20 =	sld [smem:$0x3FDB];
	_ =	sdelay $0x1  }
0x9d: {  	s8 =	simm.s32 $_scs_section_size  }
0x9e: {  	s9 =	simm.s32 $_size__tile_overlayer_lowered;
	s10 =	simm.s32 $_tile_overlayer_lowered  }
0x9f: {  	s23 =	simm.s32 $0x1BFF;
	s22 =	sshll.u32 s10, $0x1;
	s7 =	sadd.s32 s8, s20  }
0xa0: {  	s11 =	simm.s32 $0x0;
	s21 =	sshll.u32 s9, $0x1;
	s9 =	sadd.s32 s22, s7  }
0xa1: {  	[timem:s11], [sflag:s23] =	dma.local [hbm:s9], s21  }
0xa2: {  	_ =	swait.ge [sflag:s23], s21  }
0xa3: {  	s8 =	ssub.s32 $0x0, s21;
	[sflag:s23] =	ssyncset.done $0x0  }
0xa4: {  	[sflag:s23] =	ssyncadd.s32 s8;
	_ =	sdelay $0x1  }
0xa5: {  	s24 =	simm.s32 $0x1B8B  }
0xa6: {  	_ =	swait.ge [sflag:s24], $0x1  }
0xa7: {  	[sflag:s24] =	ssyncset.done $0x0  }
0xa8: {  	s25 =	simm.s32 $0x1B8E;
	[sflag:s24] =	ssyncadd.s32 $0xFFFFFFFF  }
0xa9: {  	s26 =	simm.s32 $execute0_lowered;
	[smem:$0x3FD2] =	sst s25  }
0xaa: {  	s8 =	sshll.u32 s26, $0x1;
	_ =	strace $0x80000046;
	[dreg:$0x1] =	wrdreg $0xFFFFFFFF  }
0xab: {  	s28 =	simm.s32 $_size_execute0_lowered;
	s7 =	sadd.s32 s7, s8;
	[dreg:$0x0] =	wrdreg $0x0  }
0xac: {  	s8 =	sshll.u32 s28, $0x1;
	[dreg:$0x2] =	wrdreg s7  }
0xad: {  	[dreg:$0x3] =	wrdreg s8  }
0xae: {  	[dreg:$0x4] =	wrdreg $0xC0  }
0xaf: {  	_ =	task [dreg:s11], $0x5FFFF  }
0xb0: {  	[dreg:$0x1] =	wrdreg $0xFFFFFFFF  }
0xb1: {  	[dreg:$0x0] =	wrdreg $0x60  }
0xb2: {  	[dreg:$0x2] =	wrdreg s2  }
0xb3: {  	[dreg:$0x3] =	wrdreg s19  }
0xb4: {  	[dreg:$0x4] =	wrdreg s4  }
0xb5: {  	[dreg:$0x5] =	wrdreg s5  }
0xb6: {  	[dreg:$0x6] =	wrdreg s6  }
0xb7: {  	[dreg:$0x7] =	wrdreg $0x9  }
0xb8: {  	_ =	task.clear_ibuf [dreg:s11], $0x8FFFF;
	_ =	strace $0x90000046  }
0xb9: {  	s29 =	simm.s32 $0x9;
	_ =	strace $0x80000048  }
0xba: {  	_ =	swait.ge [sflag:s29], $0x1  }
0xbb: {  	[sflag:s29] =	ssyncadd.s32 $0xFFFFFFFF  }
0xbc: {  	_ =	strace $0x90000048  }
0xbd: {  	_ =	sfence  }
0xbe: {  	s30 =	sld [smem:$0x0];
	_ =	sdelay $0x2  }
0xbf: {  	s31 =	sshll.u32 s1, $0xD;
	s1 =	sshrl.u32 s1, $0x2  }
0xc0: {  	s3 =	sand.u32 $0x4000, s31;
	s1 =	sadd.s32 s1, s30  }
0xc1: {  	s0 =	sor.u32 s3, s0;
	s1 =	sshll.u32 s1, $0x11  }
0xc2: {  	s0 =	sor.u32 s1, s0  }
0xc3: {  	s0 =	sadd.s32 $0x8F2B, s0  }
0xc4: {  	[sflag:s0] =	ssyncadd.remote.s32 $0x1  }
0xc5: {  	_ =	sfence.sel $0xFFFF  }
0xc6: {  	[dreg:$0x0] =	wrdreg $0xFFFFFFFF;
	(pc) =	sbr.abs _section_cstart, $3  }
0xc7: {  	[dreg:$0x1] =	wrdreg $0xFFFFFFFF  }
0xc8: {  	_ =	task.clear_ibuf [dreg:s11], $0x2FFFF;
	_ =	strace $0x9FFFFFFF  }
0xc9: {  	(tm) =	ssettm $0x7FFFFFFF  }
tec
execute0_lowered:
.L_overlay_start_1:
0x0: {  	(tag) =	ssettag $0x1  }
0x1: {  	v0 =	vimm.s32 $0x76543210  }
0x2: {  	vm7 =	vcmask $0x1F00;
	v1 =	vimm.s32 $0x7000;
	vm6 =	vcmask $0x300  }
0x3: {  	v2 =	vimm.s32 $0x7080;
	vm5 =	vcmask $0x704;
	vm4 =	vcmask $0xB08  }
0x4: {  	vm3 =	vcmask $0xF0C;
	vm2 =	vcmask $0x1310;
	vm0 =	vcmask $0x1714  }
0x5: {  	vm1 =	vcmask $0x1B18;
	v3 =	vimm.s32 $0x7100;
	v4 =	vimm.s32 $0x7180  }
0x6: {  	v5 =	vimm.s32 $0x7200;
	v6 =	vimm.s32 $0x7280;
	v7 =	vimm.s32 $0x7300  }
0x7: {  	v8 =	vimm.s32 $0x7380;
	v9 =	vimm.s32 $0x7400;
	v10 =	vimm.s32 $0x7480  }
0x8: {  	v11 =	vimm.s32 $0x7500;
	v12 =	vimm.s32 $0x7580;
	v13 =	vimm.s32 $0x7600  }
0x9: {  	v14 =	vimm.s32 $0x7680;
	v15 =	vimm.s32 $0x7700;
	v16 =	vimm.s32 $0x7780  }
0xa: {  	v17 =	vimm.s32 $0x7800;
	v18 =	vimm.s32 $0x7880;
	v19 =	vimm.s32 $0x7900  }
0xb: {  	v20 =	vimm.s32 $0x7980;
	v21 =	vimm.s32 $0x7A00;
	v22 =	vimm.s32 $0x7A80  }
0xc: {  	v23 =	vimm.s32 $0x7B00;
	v24 =	vimm.s32 $0x7B80;
	v25 =	vimm.s32 $0x7C00  }
0xd: {  	v26 =	vimm.s32 $0x7C80;
	v27 =	vimm.s32 $0x7D00;
	v28 =	vimm.s32 $0x7D80  }
0xe: {  	v29 =	vimm.s32 $0x7E00;
	v30 =	vimm.s32 $0x7E80;
	v31 =	vimm.s32 $0x7F00  }
0xf: {  	v32 =	vimm.s32 $0x7F80;
	v0 =	vunpack.c.l.s4.s8 v0;
	v1 =	vsel vm6, $0x0, v1  }
0x10: {  	v2 =	vsel vm6, $0x80, v2;
	v3 =	vsel vm6, $0x100, v3;
	v4 =	vsel vm6, $0x180, v4  }
0x11: {  	v5 =	vsel vm6, $0x200, v5;
	v6 =	vsel vm6, $0x280, v6;
	v7 =	vsel vm6, $0x300, v7  }
0x12: {  	v8 =	vsel vm6, $0x380, v8;
	v9 =	vsel vm6, $0x400, v9;
	v10 =	vsel vm6, $0x480, v10  }
0x13: {  	v11 =	vsel vm6, $0x500, v11;
	v12 =	vsel vm6, $0x580, v12;
	v13 =	vsel vm6, $0x600, v13  }
0x14: {  	v14 =	vsel vm6, $0x680, v14;
	v15 =	vsel vm6, $0x700, v15;
	v16 =	vsel vm6, $0x780, v16  }
0x15: {  	v17 =	vsel vm6, $0x800, v17;
	v18 =	vsel vm6, $0x880, v18;
	v19 =	vsel vm6, $0x900, v19  }
0x16: {  	v20 =	vsel vm6, $0x980, v20;
	v21 =	vsel vm6, $0xA00, v21;
	v22 =	vsel vm6, $0xA80, v22  }
0x17: {  	v23 =	vsel vm6, $0xB00, v23;
	v24 =	vsel vm6, $0xB80, v24;
	v25 =	vsel vm6, $0xC00, v25  }
0x18: {  	v26 =	vsel vm6, $0xC80, v26;
	v27 =	vsel vm6, $0xD00, v27;
	v28 =	vsel vm6, $0xD80, v28  }
0x19: {  	v29 =	vsel vm6, $0xE00, v29;
	v30 =	vsel vm6, $0xE80, v30;
	v31 =	vsel vm6, $0xF00, v31  }
0x1a: {  	v32 =	vsel vm6, $0xF80, v32;
	v1 =	vsel vm5, $0x1000, v1;
	v2 =	vsel vm5, $0x1080, v2  }
0x1b: {  	v3 =	vsel vm5, $0x1100, v3;
	v4 =	vsel vm5, $0x1180, v4;
	v5 =	vsel vm5, $0x1200, v5  }
0x1c: {  	v6 =	vsel vm5, $0x1280, v6;
	v7 =	vsel vm5, $0x1300, v7;
	v8 =	vsel vm5, $0x1380, v8  }
0x1d: {  	v9 =	vsel vm5, $0x1400, v9;
	v10 =	vsel vm5, $0x1480, v10;
	v11 =	vsel vm5, $0x1500, v11  }
0x1e: {  	v12 =	vsel vm5, $0x1580, v12;
	v13 =	vsel vm5, $0x1600, v13;
	v14 =	vsel vm5, $0x1680, v14  }
0x1f: {  	v15 =	vsel vm5, $0x1700, v15;
	v16 =	vsel vm5, $0x1780, v16;
	v17 =	vsel vm5, $0x1800, v17  }
0x20: {  	v18 =	vsel vm5, $0x1880, v18;
	v19 =	vsel vm5, $0x1900, v19;
	v20 =	vsel vm5, $0x1980, v20  }
0x21: {  	v21 =	vsel vm5, $0x1A00, v21;
	v22 =	vsel vm5, $0x1A80, v22;
	v23 =	vsel vm5, $0x1B00, v23  }
0x22: {  	v24 =	vsel vm5, $0x1B80, v24;
	v25 =	vsel vm5, $0x1C00, v25;
	v26 =	vsel vm5, $0x1C80, v26  }
0x23: {  	v27 =	vsel vm5, $0x1D00, v27;
	v28 =	vsel vm5, $0x1D80, v28;
	v29 =	vsel vm5, $0x1E00, v29  }
0x24: {  	v30 =	vsel vm5, $0x1E80, v30;
	v31 =	vsel vm5, $0x1F00, v31;
	v32 =	vsel vm5, $0x1F80, v32  }
0x25: {  	v0 =	vunpack.c.0.s8.s32 v0;
	v1 =	vsel vm4, $0x2000, v1;
	v2 =	vsel vm4, $0x2080, v2  }
0x26: {  	v3 =	vsel vm4, $0x2100, v3;
	v4 =	vsel vm4, $0x2180, v4;
	v5 =	vsel vm4, $0x2200, v5  }
0x27: {  	v6 =	vsel vm4, $0x2280, v6;
	v7 =	vsel vm4, $0x2300, v7;
	v8 =	vsel vm4, $0x2380, v8  }
0x28: {  	v9 =	vsel vm4, $0x2400, v9;
	v10 =	vsel vm4, $0x2480, v10;
	v11 =	vsel vm4, $0x2500, v11  }
0x29: {  	v12 =	vsel vm4, $0x2580, v12;
	v13 =	vsel vm4, $0x2600, v13;
	v14 =	vsel vm4, $0x2680, v14  }
0x2a: {  	v15 =	vsel vm4, $0x2700, v15;
	v16 =	vsel vm4, $0x2780, v16;
	v17 =	vsel vm4, $0x2800, v17  }
0x2b: {  	v18 =	vsel vm4, $0x2880, v18;
	v19 =	vsel vm4, $0x2900, v19;
	v20 =	vsel vm4, $0x2980, v20  }
0x2c: {  	v21 =	vsel vm4, $0x2A00, v21;
	v22 =	vsel vm4, $0x2A80, v22;
	v23 =	vsel vm4, $0x2B00, v23  }
0x2d: {  	v24 =	vsel vm4, $0x2B80, v24;
	v25 =	vsel vm4, $0x2C00, v25;
	v26 =	vsel vm4, $0x2C80, v26  }
0x2e: {  	v27 =	vsel vm4, $0x2D00, v27;
	v28 =	vsel vm4, $0x2D80, v28;
	v29 =	vsel vm4, $0x2E00, v29  }
0x2f: {  	v30 =	vsel vm4, $0x2E80, v30;
	v31 =	vsel vm4, $0x2F00, v31;
	v32 =	vsel vm4, $0x2F80, v32  }
0x30: {  	v1 =	vsel vm3, $0x3000, v1;
	v2 =	vsel vm3, $0x3080, v2;
	v3 =	vsel vm3, $0x3100, v3  }
0x31: {  	v4 =	vsel vm3, $0x3180, v4;
	v5 =	vsel vm3, $0x3200, v5;
	v6 =	vsel vm3, $0x3280, v6  }
0x32: {  	v7 =	vsel vm3, $0x3300, v7;
	v8 =	vsel vm3, $0x3380, v8;
	v9 =	vsel vm3, $0x3400, v9  }
0x33: {  	v10 =	vsel vm3, $0x3480, v10;
	v11 =	vsel vm3, $0x3500, v11;
	v12 =	vsel vm3, $0x3580, v12  }
0x34: {  	v13 =	vsel vm3, $0x3600, v13;
	v14 =	vsel vm3, $0x3680, v14;
	v15 =	vsel vm3, $0x3700, v15  }
0x35: {  	v16 =	vsel vm3, $0x3780, v16;
	v17 =	vsel vm3, $0x3800, v17;
	v18 =	vsel vm3, $0x3880, v18  }
0x36: {  	v19 =	vsel vm3, $0x3900, v19;
	v20 =	vsel vm3, $0x3980, v20;
	v21 =	vsel vm3, $0x3A00, v21  }
0x37: {  	v22 =	vsel vm3, $0x3A80, v22;
	v23 =	vsel vm3, $0x3B00, v23;
	v24 =	vsel vm3, $0x3B80, v24  }
0x38: {  	v25 =	vsel vm3, $0x3C00, v25;
	v26 =	vsel vm3, $0x3C80, v26;
	v27 =	vsel vm3, $0x3D00, v27  }
0x39: {  	v28 =	vsel vm3, $0x3D80, v28;
	v29 =	vsel vm3, $0x3E00, v29;
	v30 =	vsel vm3, $0x3E80, v30  }
0x3a: {  	v31 =	vsel vm3, $0x3F00, v31;
	v32 =	vsel vm3, $0x3F80, v32;
	v1 =	vsel vm2, $0x4000, v1  }
0x3b: {  	v2 =	vsel vm2, $0x4080, v2;
	v0 =	vnsel vm7, $0x7, v0;
	v3 =	vsel vm2, $0x4100, v3  }
0x3c: {  	v4 =	vsel vm2, $0x4180, v4;
	v5 =	vsel vm2, $0x4200, v5;
	v6 =	vsel vm2, $0x4280, v6  }
0x3d: {  	v7 =	vsel vm2, $0x4300, v7;
	v8 =	vsel vm2, $0x4380, v8;
	v9 =	vsel vm2, $0x4400, v9  }
0x3e: {  	v10 =	vsel vm2, $0x4480, v10;
	v11 =	vsel vm2, $0x4500, v11;
	v12 =	vsel vm2, $0x4580, v12  }
0x3f: {  	v13 =	vsel vm2, $0x4600, v13;
	v14 =	vsel vm2, $0x4680, v14;
	v15 =	vsel vm2, $0x4700, v15  }
0x40: {  	v16 =	vsel vm2, $0x4780, v16;
	v17 =	vsel vm2, $0x4800, v17;
	v18 =	vsel vm2, $0x4880, v18  }
0x41: {  	v19 =	vsel vm2, $0x4900, v19;
	v20 =	vsel vm2, $0x4980, v20;
	v21 =	vsel vm2, $0x4A00, v21  }
0x42: {  	v22 =	vsel vm2, $0x4A80, v22;
	v23 =	vsel vm2, $0x4B00, v23;
	v24 =	vsel vm2, $0x4B80, v24  }
0x43: {  	v25 =	vsel vm2, $0x4C00, v25;
	v26 =	vsel vm2, $0x4C80, v26;
	v27 =	vsel vm2, $0x4D00, v27  }
0x44: {  	v28 =	vsel vm2, $0x4D80, v28;
	v29 =	vsel vm2, $0x4E00, v29;
	v30 =	vsel vm2, $0x4E80, v30  }
0x45: {  	v31 =	vsel vm2, $0x4F00, v31;
	v32 =	vsel vm2, $0x4F80, v32;
	v1 =	vsel vm0, $0x5000, v1  }
0x46: {  	v2 =	vsel vm0, $0x5080, v2;
	v3 =	vsel vm0, $0x5100, v3;
	v4 =	vsel vm0, $0x5180, v4  }
0x47: {  	v5 =	vsel vm0, $0x5200, v5;
	v6 =	vsel vm0, $0x5280, v6;
	v7 =	vsel vm0, $0x5300, v7  }
0x48: {  	s0 =	rddreg [dreg:$0x0];
	v8 =	vsel vm0, $0x5380, v8;
	v9 =	vsel vm0, $0x5400, v9;
	v10 =	vsel vm0, $0x5480, v10  }
0x49: {  	s4 =	rddreg [dreg:$0x1];
	v11 =	vsel vm0, $0x5500, v11;
	v12 =	vsel vm0, $0x5580, v12;
	v13 =	vsel vm0, $0x5600, v13  }
0x4a: {  	s1 =	rddreg [dreg:$0x2];
	v14 =	vsel vm0, $0x5680, v14;
	v15 =	vsel vm0, $0x5700, v15;
	v16 =	vsel vm0, $0x5780, v16  }
0x4b: {  	s31 =	rddreg [dreg:$0x3];
	v17 =	vsel vm0, $0x5800, v17;
	v18 =	vsel vm0, $0x5880, v18;
	v19 =	vsel vm0, $0x5900, v19  }
0x4c: {  	s5 =	rddreg [dreg:$0x4];
	v20 =	vsel vm0, $0x5980, v20;
	v21 =	vsel vm0, $0x5A00, v21;
	v22 =	vsel vm0, $0x5A80, v22  }
0x4d: {  	s3 =	srdreg.scid;
	s2 =	stileid.u32;
	v23 =	vsel vm0, $0x5B00, v23;
	v24 =	vsel vm0, $0x5B80, v24;
	v25 =	vsel vm0, $0x5C00, v25  }
0x4e: {  	s9 =	simm.s32 $0x400;
	s10 =	simm.s32 $0x8400;
	s11 =	simm.s32 $0x1400;
	v26 =	vsel vm0, $0x5C80, v26;
	v27 =	vsel vm0, $0x5D00, v27;
	v28 =	vsel vm0, $0x5D80, v28  }
0x4f: {  	s12 =	simm.s32 $0x9400;
	s13 =	simm.s32 $0x2400;
	s14 =	simm.s32 $0xA400;
	v29 =	vsel vm0, $0x5E00, v29;
	v30 =	vsel vm0, $0x5E80, v30;
	v31 =	vsel vm0, $0x5F00, v31  }
0x50: {  	s15 =	simm.s32 $0x3400;
	s16 =	simm.s32 $0xB400;
	s17 =	simm.s32 $0x4400;
	v32 =	vsel vm0, $0x5F80, v32;
	v1 =	vsel vm1, $0x6000, v1;
	v2 =	vsel vm1, $0x6080, v2  }
0x51: {  	s18 =	simm.s32 $0xC400;
	s19 =	simm.s32 $0x5400;
	s20 =	simm.s32 $0xD400;
	v3 =	vsel vm1, $0x6100, v3;
	v4 =	vsel vm1, $0x6180, v4;
	v5 =	vsel vm1, $0x6200, v5  }
0x52: {  	s21 =	simm.s32 $0x6400;
	s22 =	simm.s32 $0xE400;
	s23 =	simm.s32 $0x7400;
	v6 =	vsel vm1, $0x6280, v6;
	v7 =	vsel vm1, $0x6300, v7;
	v8 =	vsel vm1, $0x6380, v8  }
0x53: {  	s24 =	simm.s32 $0xF400;
	s25 =	simm.s32 $0x1;
	s26 =	simm.s32 $0x200;
	v9 =	vsel vm1, $0x6400, v9;
	v10 =	vsel vm1, $0x6480, v10;
	v11 =	vsel vm1, $0x6500, v11  }
0x54: {  	s28 =	simm.s32 $0x10400;
	s29 =	simm.s32 $0x0;
	[dreg:$0x6] =	wrdreg s1;
	v12 =	vsel vm1, $0x6580, v12;
	v13 =	vsel vm1, $0x6600, v13;
	v14 =	vsel vm1, $0x6680, v14  }
0x55: {  	[dreg:$0x7] =	wrdreg s31;
	s1 =	simm.s32 $0x0;
	s3 =	sand.u32 $0x1, s3;
	v15 =	vsel vm1, $0x6700, v15;
	v16 =	vsel vm1, $0x6780, v16;
	v17 =	vsel vm1, $0x6800, v17  }
0x56: {  	s7 =	sshll.u32 s2, $0x7;
	s6 =	ssub.s32 $0x2, s3;
	s3 =	sshll.u32 s3, $0x6;
	v18 =	vsel vm1, $0x6880, v18;
	v19 =	vsel vm1, $0x6900, v19;
	v20 =	vsel vm1, $0x6980, v20  }
0x57: {  	[smem:$0x7FF] =	sst s1;
	s8 =	sshrl.u32 s6, $0x1;
	s7 =	sor.u32 s3, s7;
	v21 =	vsel vm1, $0x6A00, v21;
	v22 =	vsel vm1, $0x6A80, v22;
	v23 =	vsel vm1, $0x6B00, v23  }
0x58: {  	_ =	strace $0x80000047;
	s6 =	ssub.s32 s6, s8;
	s0 =	sadd.s32 s0, s7;
	v24 =	vsel vm1, $0x6B80, v24;
	v25 =	vsel vm1, $0x6C00, v25;
	v26 =	vsel vm1, $0x6C80, v26  }
0x59: {  	s4 =	sadd.s32 s4, s7;
	s5 =	sadd.s32 s5, s7;
	s7 =	simm.s32 $0x7A1400;
	v27 =	vsel vm1, $0x6D00, v27;
	v28 =	vsel vm1, $0x6D80, v28;
	v29 =	vsel vm1, $0x6E00, v29  }
0x5a: {  	s8 =	simm.s32 $0x2;
	[dreg:$0x8] =	wrdreg s0;
	s6 =	smax.u32 s6, $0x1;
	v30 =	vsel vm1, $0x6E80, v30;
	v31 =	vsel vm1, $0x6F00, v31;
	v32 =	vsel vm1, $0x6F80, v32  }
.LBB2_1:
0x5b: {  	s0 =	rddreg [dreg:$0x8]  }
0x5c: {  	[tilespmem:s1], [sflag:$0x2] =	stream.linear.gather [hbm4b:s0+s1], $0x200, $0x38;
	[tilespmem:$0x10600] =	vst v63  }
0x5d: {  	_ =	swait.ge [sflag:s8], $0x200  }
0x5e: {  	[sflag:s8] =	ssyncset.done $0x0  }
0x5f: {  	[sflag:s8] =	ssyncadd.s32 $0xFFFFFE00  }
0x60: {  	[tilespmem:s26], [sflag:$0x2] =	stream.linear.gather [hbm4b:s4+s1], $0x200, $0x38;
	[tilespmem:$0x10600] =	vst v63  }
0x61: {  	_ =	swait.ge [sflag:s8], $0x200  }
0x62: {  	s30 =	simm.s32 $0x200;
	[sflag:s8] =	ssyncset.done $0x0  }
0x63: {  	s31 =	simm.s32 $0x0;
	s0 =	simm.s32 $0x0;
	[sflag:s8] =	ssyncadd.s32 $0xFFFFFE00  }
.LBB2_2:
0x64: {  	v33 =	vld [tilespmem:s31+$0x0];
	_ =	sdelay $0x1  }
0x65: {  	v34 =	vld [tilespmem:s30+$0x0];
	_ =	sdelay $0x2  }
0x66: {  	s2 =	rddreg [dreg:$0x6];
	v33 =	vand.u32 $0xFFFFFF80, v33  }
0x67: {  	v33 =	vadd.s32 s2, v33  }
0x68: {  	s3 =	rddreg [dreg:$0x7];
	v34 =	vand.u32 $0xFFFFFF80, v34;
	(v2sf) =	vpush v33, $0x0  }
0x69: {  	v34 =	vadd.s32 s3, v34  }
0x6a: {  	(v2sf) =	vpush v34, $0x0;
	_ =	sdelay $0x1  }
0x6b: {  	(v2sf) =	vpush v33, $0x1;
	_ =	sdelay $0x1  }
0x6c: {  	(v2sf) =	vpush v34, $0x1;
	_ =	sdelay $0x1  }
0x6d: {  	(v2sf) =	vpush v33, $0x2;
	_ =	sdelay $0x1  }
0x6e: {  	(v2sf) =	vpush v34, $0x2;
	_ =	sdelay $0x1  }
0x6f: {  	(v2sf) =	vpush v33, $0x3;
	_ =	sdelay $0x1  }
0x70: {  	(v2sf) =	vpush v34, $0x3  }
0x71: {  	s3 =	spop (v2sf)  }
0x72: {  	(v2sf) =	vpush v33, $0x4;
	[tilespmem:s9], [sflag:$0x1] =	stream.strided.gather [hbm4b:s3+s9], $0x1000, s7, s9, $0x38;
	[tilespmem:$0x10600] =	vst v63  }
0x73: {  	s3 =	spop (v2sf)  }
0x74: {  	(v2sf) =	vpush v34, $0x4;
	[tilespmem:s10], [sflag:$0x1] =	stream.strided.gather [hbm4b:s3+s9], $0x1000, s7, s9, $0x38;
	[tilespmem:$0x10600] =	vst v63  }
0x75: {  	s3 =	spop (v2sf)  }
0x76: {  	(v2sf) =	vpush v33, $0x5;
	[tilespmem:s11], [sflag:$0x1] =	stream.strided.gather [hbm4b:s3+s9], $0x1000, s7, s9, $0x38;
	[tilespmem:$0x10600] =	vst v63  }
0x77: {  	s3 =	spop (v2sf)  }
0x78: {  	(v2sf) =	vpush v34, $0x5;
	[tilespmem:s12], [sflag:$0x1] =	stream.strided.gather [hbm4b:s3+s9], $0x1000, s7, s9, $0x38;
	[tilespmem:$0x10600] =	vst v63  }
0x79: {  	s3 =	spop (v2sf)  }
0x7a: {  	(v2sf) =	vpush v33, $0x6;
	[tilespmem:s13], [sflag:$0x1] =	stream.strided.gather [hbm4b:s3+s9], $0x1000, s7, s9, $0x38;
	[tilespmem:$0x10600] =	vst v63  }
0x7b: {  	s3 =	spop (v2sf)  }
0x7c: {  	(v2sf) =	vpush v34, $0x6;
	[tilespmem:s14], [sflag:$0x1] =	stream.strided.gather [hbm4b:s3+s9], $0x1000, s7, s9, $0x38;
	[tilespmem:$0x10600] =	vst v63  }
0x7d: {  	s3 =	spop (v2sf)  }
0x7e: {  	(v2sf) =	vpush v33, $0x7;
	[tilespmem:s15], [sflag:$0x1] =	stream.strided.gather [hbm4b:s3+s9], $0x1000, s7, s9, $0x38;
	[tilespmem:$0x10600] =	vst v63  }
0x7f: {  	s3 =	spop (v2sf)  }
0x80: {  	(v2sf) =	vpush v34, $0x7;
	[tilespmem:s16], [sflag:$0x1] =	stream.strided.gather [hbm4b:s3+s9], $0x1000, s7, s9, $0x38;
	[tilespmem:$0x10600] =	vst v63  }
0x81: {  	s3 =	spop (v2sf)  }
0x82: {  	[tilespmem:s17], [sflag:$0x1] =	stream.strided.gather [hbm4b:s3+s9], $0x1000, s7, s9, $0x38;
	[tilespmem:$0x10600] =	vst v63  }
0x83: {  	s3 =	spop (v2sf)  }
0x84: {  	[tilespmem:s18], [sflag:$0x1] =	stream.strided.gather [hbm4b:s3+s9], $0x1000, s7, s9, $0x38;
	[tilespmem:$0x10600] =	vst v63  }
0x85: {  	s3 =	spop (v2sf)  }
0x86: {  	[tilespmem:s19], [sflag:$0x1] =	stream.strided.gather [hbm4b:s3+s9], $0x1000, s7, s9, $0x38;
	[tilespmem:$0x10600] =	vst v63  }
0x87: {  	s3 =	spop (v2sf)  }
0x88: {  	[tilespmem:s20], [sflag:$0x1] =	stream.strided.gather [hbm4b:s3+s9], $0x1000, s7, s9, $0x38;
	[tilespmem:$0x10600] =	vst v63  }
0x89: {  	s3 =	spop (v2sf)  }
0x8a: {  	[tilespmem:s21], [sflag:$0x1] =	stream.strided.gather [hbm4b:s3+s9], $0x1000, s7, s9, $0x38;
	[tilespmem:$0x10600] =	vst v63  }
0x8b: {  	s3 =	spop (v2sf)  }
0x8c: {  	[tilespmem:s22], [sflag:$0x1] =	stream.strided.gather [hbm4b:s3+s9], $0x1000, s7, s9, $0x38;
	[tilespmem:$0x10600] =	vst v63  }
0x8d: {  	s3 =	spop (v2sf)  }
0x8e: {  	[tilespmem:s23], [sflag:$0x1] =	stream.strided.gather [hbm4b:s3+s9], $0x1000, s7, s9, $0x38;
	[tilespmem:$0x10600] =	vst v63  }
0x8f: {  	s3 =	spop (v2sf)  }
0x90: {  	[tilespmem:s24], [sflag:$0x1] =	stream.strided.gather [hbm4b:s3+s9], $0x1000, s7, s9, $0x38;
	[tilespmem:$0x10600] =	vst v63  }
0x91: {  	_ =	swait.ge [sflag:s25], $0x1000  }
0x92: {  	[sflag:s25] =	ssyncset.done $0x0  }
0x93: {  	[sflag:s25] =	ssyncadd.s32 $0xFFFFF000  }
0x94: {  	_ =	swait.ge [sflag:s25], $0x1000  }
0x95: {  	[sflag:s25] =	ssyncset.done $0x0  }
0x96: {  	[sflag:s25] =	ssyncadd.s32 $0xFFFFF000  }
0x97: {  	_ =	swait.ge [sflag:s25], $0x1000  }
0x98: {  	[sflag:s25] =	ssyncset.done $0x0  }
0x99: {  	[sflag:s25] =	ssyncadd.s32 $0xFFFFF000  }
0x9a: {  	_ =	swait.ge [sflag:s25], $0x1000  }
0x9b: {  	[sflag:s25] =	ssyncset.done $0x0  }
0x9c: {  	[sflag:s25] =	ssyncadd.s32 $0xFFFFF000  }
0x9d: {  	_ =	swait.ge [sflag:s25], $0x1000  }
0x9e: {  	[sflag:s25] =	ssyncset.done $0x0  }
0x9f: {  	[sflag:s25] =	ssyncadd.s32 $0xFFFFF000  }
0xa0: {  	_ =	swait.ge [sflag:s25], $0x1000  }
0xa1: {  	[sflag:s25] =	ssyncset.done $0x0  }
0xa2: {  	[sflag:s25] =	ssyncadd.s32 $0xFFFFF000  }
0xa3: {  	_ =	swait.ge [sflag:s25], $0x1000  }
0xa4: {  	[sflag:s25] =	ssyncset.done $0x0  }
0xa5: {  	[sflag:s25] =	ssyncadd.s32 $0xFFFFF000  }
0xa6: {  	_ =	swait.ge [sflag:s25], $0x1000  }
0xa7: {  	[sflag:s25] =	ssyncset.done $0x0  }
0xa8: {  	[sflag:s25] =	ssyncadd.s32 $0xFFFFF000  }
0xa9: {  	_ =	swait.ge [sflag:s25], $0x1000  }
0xaa: {  	[sflag:s25] =	ssyncset.done $0x0  }
0xab: {  	[sflag:s25] =	ssyncadd.s32 $0xFFFFF000  }
0xac: {  	_ =	swait.ge [sflag:s25], $0x1000  }
0xad: {  	[sflag:s25] =	ssyncset.done $0x0  }
0xae: {  	[sflag:s25] =	ssyncadd.s32 $0xFFFFF000  }
0xaf: {  	_ =	swait.ge [sflag:s25], $0x1000  }
0xb0: {  	[sflag:s25] =	ssyncset.done $0x0  }
0xb1: {  	[sflag:s25] =	ssyncadd.s32 $0xFFFFF000  }
0xb2: {  	_ =	swait.ge [sflag:s25], $0x1000  }
0xb3: {  	[sflag:s25] =	ssyncset.done $0x0  }
0xb4: {  	[sflag:s25] =	ssyncadd.s32 $0xFFFFF000  }
0xb5: {  	_ =	swait.ge [sflag:s25], $0x1000  }
0xb6: {  	[sflag:s25] =	ssyncset.done $0x0  }
0xb7: {  	[sflag:s25] =	ssyncadd.s32 $0xFFFFF000  }
0xb8: {  	_ =	swait.ge [sflag:s25], $0x1000  }
0xb9: {  	[sflag:s25] =	ssyncset.done $0x0  }
0xba: {  	[sflag:s25] =	ssyncadd.s32 $0xFFFFF000  }
0xbb: {  	_ =	swait.ge [sflag:s25], $0x1000  }
0xbc: {  	v35 =	vor.u32 s0, v0;
	[sflag:s25] =	ssyncset.done $0x0  }
0xbd: {  	[sflag:s25] =	ssyncadd.s32 $0xFFFFF000  }
0xbe: {  	_ =	swait.ge [sflag:s25], $0x1000  }
0xbf: {  	[sflag:s25] =	ssyncset.done $0x0  }
0xc0: {  	[sflag:s25] =	ssyncadd.s32 $0xFFFFF000  }
0xc1: {  	v36 =	vld.idx.msk [tilespmem:v35+s1+$0x0], $0xffff  }
0xc2: {  	v38 =	vld.idx.msk [tilespmem:v35+s26+$0x0], $0xffff;
	_ =	sdelay $0x3  }
0xc3: {  	v37 =	vand.u32 $0x7F, v36  }
0xc4: {  	v36 =	vand.u32 $0x7F, v38;
	v52 =	vor.u32 v1, v37  }
0xc5: {  	v39 =	vor.u32 v1, v36  }
0xc6: {  	v40 =	vor.u32 v2, v37  }
0xc7: {  	v41 =	vor.u32 v2, v36  }
0xc8: {  	v42 =	vor.u32 v3, v37  }
0xc9: {  	v43 =	vor.u32 v3, v36;
	v38 =	vld.idx.msk [tilespmem:v52+s9+$0x0], $0xffff  }
0xca: {  	v44 =	vor.u32 v4, v37;
	v39 =	vld.idx.msk [tilespmem:v39+s10+$0x0], $0xffff  }
0xcb: {  	v45 =	vor.u32 v4, v36;
	v40 =	vld.idx.msk [tilespmem:v40+s9+$0x0], $0xffff  }
0xcc: {  	v47 =	vor.u32 v5, v36;
	v41 =	vld.idx.msk [tilespmem:v41+s10+$0x0], $0xffff  }
0xcd: {  	v46 =	vor.u32 v5, v37;
	v42 =	vld.idx.msk [tilespmem:v42+s9+$0x0], $0xffff  }
0xce: {  	v48 =	vor.u32 v6, v37;
	v43 =	vld.idx.msk [tilespmem:v43+s10+$0x0], $0xffff  }
0xcf: {  	v49 =	vor.u32 v6, v36;
	v44 =	vld.idx.msk [tilespmem:v44+s9+$0x0], $0xffff  }
0xd0: {  	v50 =	vor.u32 v7, v37;
	v45 =	vld.idx.msk [tilespmem:v45+s10+$0x0], $0xffff  }
0xd1: {  	v54 =	vor.u32 v7, v36;
	v55 =	vld.idx.msk [tilespmem:v47+s10+$0x0], $0xffff;
	v38 =	vmul.f32 v39, v38;
	v53 =	vmul.f32 v41, v40  }
0xd2: {  	v56 =	vor.u32 v8, v37;
	v40 =	vld.idx.msk [tilespmem:v46+s9+$0x0], $0xffff  }
0xd3: {  	v59 =	vor.u32 v8, v36;
	v58 =	vld.idx.msk [tilespmem:v48+s9+$0x0], $0xffff;
	v57 =	vmul.f32 v43, v42;
	v38 =	vadd.f32 v53, v38  }
0xd4: {  	v61 =	vor.u32 v9, v37;
	v60 =	vld.idx.msk [tilespmem:v49+s10+$0x0], $0xffff  }
0xd5: {  	v63 =	vld.idx.msk [tilespmem:v50+s9+$0x0], $0xffff;
	v52 =	vor.u32 v9, v36;
	v62 =	vmul.f32 v45, v44;
	v38 =	vadd.f32 v57, v38  }
0xd6: {  	v41 =	vld.idx.msk [tilespmem:v54+s10+$0x0], $0xffff;
	v53 =	vor.u32 v10, v37  }
0xd7: {  	v54 =	vmul.f32 v55, v40;
	v55 =	vld.idx.msk [tilespmem:v56+s9+$0x0], $0xffff;
	v56 =	vor.u32 v10, v36;
	v38 =	vadd.f32 v62, v38  }
0xd8: {  	v43 =	vld.idx.msk [tilespmem:v59+s10+$0x0], $0xffff;
	v57 =	vor.u32 v11, v37  }
0xd9: {  	v58 =	vmul.f32 v60, v58;
	v59 =	vld.idx.msk [tilespmem:v61+s9+$0x0], $0xffff;
	v60 =	vor.u32 v11, v36;
	v38 =	vadd.f32 v54, v38  }
0xda: {  	v45 =	vld.idx.msk [tilespmem:v52+s10+$0x0], $0xffff;
	v61 =	vor.u32 v12, v37  }
0xdb: {  	v52 =	vor.u32 v12, v36;
	v62 =	vmul.f32 v41, v63;
	v63 =	vld.idx.msk [tilespmem:v53+s9+$0x0], $0xffff;
	v38 =	vadd.f32 v58, v38  }
0xdc: {  	v53 =	vor.u32 v13, v37;
	v46 =	vld.idx.msk [tilespmem:v56+s10+$0x0], $0xffff  }
0xdd: {  	v54 =	vmul.f32 v43, v55;
	v55 =	vld.idx.msk [tilespmem:v57+s9+$0x0], $0xffff;
	v56 =	vor.u32 v13, v36;
	v38 =	vadd.f32 v62, v38  }
0xde: {  	v57 =	vld.idx.msk [tilespmem:v60+s10+$0x0], $0xffff;
	v58 =	vor.u32 v14, v37  }
0xdf: {  	v59 =	vmul.f32 v45, v59;
	v60 =	vld.idx.msk [tilespmem:v61+s9+$0x0], $0xffff;
	v61 =	vor.u32 v14, v36;
	v38 =	vadd.f32 v54, v38  }
0xe0: {  	v44 =	vld.idx.msk [tilespmem:v52+s10+$0x0], $0xffff;
	v62 =	vor.u32 v15, v37  }
0xe1: {  	v52 =	vld.idx.msk [tilespmem:v53+s9+$0x0], $0xffff;
	v53 =	vor.u32 v15, v36;
	v63 =	vmul.f32 v46, v63;
	v38 =	vadd.f32 v59, v38  }
0xe2: {  	v54 =	vor.u32 v16, v37;
	v43 =	vld.idx.msk [tilespmem:v56+s10+$0x0], $0xffff  }
0xe3: {  	v55 =	vmul.f32 v57, v55;
	v56 =	vld.idx.msk [tilespmem:v58+s9+$0x0], $0xffff;
	v57 =	vor.u32 v16, v36;
	v38 =	vadd.f32 v63, v38  }
0xe4: {  	v45 =	vld.idx.msk [tilespmem:v61+s10+$0x0], $0xffff;
	v58 =	vor.u32 v17, v37  }
0xe5: {  	v61 =	vor.u32 v17, v36;
	v59 =	vmul.f32 v44, v60;
	v60 =	vld.idx.msk [tilespmem:v62+s9+$0x0], $0xffff;
	v38 =	vadd.f32 v55, v38  }
0xe6: {  	v46 =	vld.idx.msk [tilespmem:v53+s10+$0x0], $0xffff;
	v62 =	vor.u32 v18, v37  }
0xe7: {  	v53 =	vor.u32 v18, v36;
	v63 =	vmul.f32 v43, v52;
	v52 =	vld.idx.msk [tilespmem:v54+s9+$0x0], $0xffff;
	v38 =	vadd.f32 v59, v38  }
0xe8: {  	v47 =	vld.idx.msk [tilespmem:v57+s10+$0x0], $0xffff;
	v54 =	vor.u32 v19, v37  }
0xe9: {  	v55 =	vmul.f32 v45, v56;
	v56 =	vld.idx.msk [tilespmem:v58+s9+$0x0], $0xffff;
	v57 =	vor.u32 v19, v36;
	v38 =	vadd.f32 v63, v38  }
0xea: {  	v44 =	vld.idx.msk [tilespmem:v61+s10+$0x0], $0xffff;
	v61 =	vor.u32 v20, v36  }
0xeb: {  	v58 =	vor.u32 v20, v37;
	v59 =	vmul.f32 v46, v60;
	v60 =	vld.idx.msk [tilespmem:v62+s9+$0x0], $0xffff;
	v38 =	vadd.f32 v55, v38  }
0xec: {  	v43 =	vld.idx.msk [tilespmem:v53+s10+$0x0], $0xffff;
	v53 =	vor.u32 v21, v36  }
0xed: {  	v62 =	vor.u32 v21, v37;
	v63 =	vmul.f32 v47, v52;
	v52 =	vld.idx.msk [tilespmem:v54+s9+$0x0], $0xffff;
	v38 =	vadd.f32 v59, v38  }
0xee: {  	v45 =	vld.idx.msk [tilespmem:v57+s10+$0x0], $0xffff;
	v54 =	vor.u32 v22, v37  }
0xef: {  	v57 =	vor.u32 v22, v36;
	v46 =	vld.idx.msk [tilespmem:v61+s10+$0x0], $0xffff;
	v55 =	vmul.f32 v44, v56;
	v38 =	vadd.f32 v63, v38  }
0xf0: {  	v61 =	vor.u32 v23, v36;
	v56 =	vld.idx.msk [tilespmem:v58+s9+$0x0], $0xffff  }
0xf1: {  	v58 =	vor.u32 v23, v37;
	v47 =	vld.idx.msk [tilespmem:v53+s10+$0x0], $0xffff;
	v59 =	vmul.f32 v43, v60;
	v38 =	vadd.f32 v55, v38  }
0xf2: {  	v53 =	vor.u32 v24, v36;
	v60 =	vld.idx.msk [tilespmem:v62+s9+$0x0], $0xffff  }
0xf3: {  	v62 =	vor.u32 v24, v37;
	v63 =	vmul.f32 v45, v52;
	v52 =	vld.idx.msk [tilespmem:v54+s9+$0x0], $0xffff;
	v38 =	vadd.f32 v59, v38  }
0xf4: {  	v44 =	vld.idx.msk [tilespmem:v57+s10+$0x0], $0xffff;
	v57 =	vor.u32 v25, v36  }
0xf5: {  	v54 =	vor.u32 v25, v37;
	v43 =	vld.idx.msk [tilespmem:v61+s10+$0x0], $0xffff;
	v55 =	vmul.f32 v46, v56;
	v38 =	vadd.f32 v63, v38  }
0xf6: {  	v61 =	vor.u32 v26, v36;
	v56 =	vld.idx.msk [tilespmem:v58+s9+$0x0], $0xffff  }
0xf7: {  	v58 =	vor.u32 v26, v37;
	v45 =	vld.idx.msk [tilespmem:v53+s10+$0x0], $0xffff;
	v59 =	vmul.f32 v47, v60;
	v38 =	vadd.f32 v55, v38  }
0xf8: {  	v53 =	vor.u32 v27, v36;
	v60 =	vld.idx.msk [tilespmem:v62+s9+$0x0], $0xffff  }
0xf9: {  	v62 =	vor.u32 v27, v37;
	v46 =	vld.idx.msk [tilespmem:v57+s10+$0x0], $0xffff;
	v63 =	vmul.f32 v44, v52;
	v38 =	vadd.f32 v59, v38  }
0xfa: {  	v57 =	vor.u32 v28, v36;
	v52 =	vld.idx.msk [tilespmem:v54+s9+$0x0], $0xffff  }
0xfb: {  	v47 =	vld.idx.msk [tilespmem:v61+s10+$0x0], $0xffff;
	v54 =	vor.u32 v28, v37;
	v55 =	vmul.f32 v43, v56;
	v38 =	vadd.f32 v63, v38  }
0xfc: {  	v61 =	vor.u32 v29, v36;
	v56 =	vld.idx.msk [tilespmem:v58+s9+$0x0], $0xffff  }
0xfd: {  	v44 =	vld.idx.msk [tilespmem:v53+s10+$0x0], $0xffff;
	v58 =	vor.u32 v29, v37;
	v59 =	vmul.f32 v45, v60;
	v38 =	vadd.f32 v55, v38  }
0xfe: {  	v53 =	vor.u32 v30, v36;
	v60 =	vld.idx.msk [tilespmem:v62+s9+$0x0], $0xffff  }
0xff: {  	v62 =	vor.u32 v30, v37;
	v43 =	vld.idx.msk [tilespmem:v57+s10+$0x0], $0xffff;
	v63 =	vmul.f32 v46, v52;
	v38 =	vadd.f32 v59, v38  }
0x100: {  	v52 =	vld.idx.msk [tilespmem:v54+s9+$0x0], $0xffff;
	v54 =	vor.u32 v31, v37  }
0x101: {  	v57 =	vor.u32 v31, v36;
	v45 =	vld.idx.msk [tilespmem:v61+s10+$0x0], $0xffff;
	v55 =	vmul.f32 v47, v56;
	v38 =	vadd.f32 v63, v38  }
0x102: {  	(v2sf) =	vpush v33, $0x8;
	v36 =	vor.u32 v32, v36;
	v56 =	vld.idx.msk [tilespmem:v58+s9+$0x0], $0xffff  }
0x103: {  	v37 =	vor.u32 v32, v37;
	v58 =	vmul.f32 v44, v60;
	v60 =	vld.idx.msk [tilespmem:v53+s10+$0x0], $0xffff;
	v38 =	vadd.f32 v55, v38  }
0x104: {  	(v2sf) =	vpush v34, $0x8;
	v59 =	vld.idx.msk [tilespmem:v62+s9+$0x0], $0xffff  }
0x105: {  	v61 =	vmul.f32 v43, v52;
	v62 =	vld.idx.msk [tilespmem:v54+s9+$0x0], $0xffff;
	v38 =	vadd.f32 v58, v38  }
0x106: {  	(v2sf) =	vpush v33, $0x9;
	v63 =	vld.idx.msk [tilespmem:v57+s10+$0x0], $0xffff  }
0x107: {  	v36 =	vld.idx.msk [tilespmem:v36+s10+$0x0], $0xffff;
	v46 =	vmul.f32 v45, v56;
	v38 =	vadd.f32 v61, v38  }
0x108: {  	(v2sf) =	vpush v34, $0x9;
	v37 =	vld.idx.msk [tilespmem:v37+s9+$0x0], $0xffff  }
0x109: {  	v47 =	vmul.f32 v60, v59;
	v38 =	vadd.f32 v46, v38  }
0x10a: {  	(v2sf) =	vpush v33, $0xA  }
0x10b: {  	v48 =	vmul.f32 v63, v62;
	v38 =	vadd.f32 v47, v38  }
0x10c: {  	(v2sf) =	vpush v34, $0xA  }
0x10d: {  	v36 =	vmul.f32 v36, v37;
	v38 =	vadd.f32 v48, v38  }
0x10e: {  	(v2sf) =	vpush v33, $0xB  }
0x10f: {  	v36 =	vadd.f32 v36, v38  }
0x110: {  	(v2sf) =	vpush v34, $0xB  }
0x111: {  	s3 =	spop (v2sf);
	[tilespmem:v35+s28+$0x0] =	vst.idx.msk $0xff, v36  }
0x112: {  	(v2sf) =	vpush v33, $0xC;
	[tilespmem:s9], [sflag:$0x1] =	stream.strided.gather [hbm4b:s3+s9], $0x1000, s7, s9, $0x38;
	[tilespmem:$0x10600] =	vst v63  }
0x113: {  	s3 =	spop (v2sf)  }
0x114: {  	(v2sf) =	vpush v34, $0xC;
	[tilespmem:s10], [sflag:$0x1] =	stream.strided.gather [hbm4b:s3+s9], $0x1000, s7, s9, $0x38;
	[tilespmem:$0x10600] =	vst v63  }
0x115: {  	s3 =	spop (v2sf)  }
0x116: {  	(v2sf) =	vpush v33, $0xD;
	[tilespmem:s11], [sflag:$0x1] =	stream.strided.gather [hbm4b:s3+s9], $0x1000, s7, s9, $0x38;
	[tilespmem:$0x10600] =	vst v63  }
0x117: {  	s3 =	spop (v2sf)  }
0x118: {  	(v2sf) =	vpush v34, $0xD;
	[tilespmem:s12], [sflag:$0x1] =	stream.strided.gather [hbm4b:s3+s9], $0x1000, s7, s9, $0x38;
	[tilespmem:$0x10600] =	vst v63  }
0x119: {  	s3 =	spop (v2sf)  }
0x11a: {  	(v2sf) =	vpush v33, $0xE;
	[tilespmem:s13], [sflag:$0x1] =	stream.strided.gather [hbm4b:s3+s9], $0x1000, s7, s9, $0x38;
	[tilespmem:$0x10600] =	vst v63  }
0x11b: {  	s3 =	spop (v2sf)  }
0x11c: {  	(v2sf) =	vpush v34, $0xE;
	[tilespmem:s14], [sflag:$0x1] =	stream.strided.gather [hbm4b:s3+s9], $0x1000, s7, s9, $0x38;
	[tilespmem:$0x10600] =	vst v63  }
0x11d: {  	s3 =	spop (v2sf)  }
0x11e: {  	(v2sf) =	vpush v33, $0xF;
	[tilespmem:s15], [sflag:$0x1] =	stream.strided.gather [hbm4b:s3+s9], $0x1000, s7, s9, $0x38;
	[tilespmem:$0x10600] =	vst v63  }
0x11f: {  	s3 =	spop (v2sf)  }
0x120: {  	(v2sf) =	vpush v34, $0xF;
	[tilespmem:s16], [sflag:$0x1] =	stream.strided.gather [hbm4b:s3+s9], $0x1000, s7, s9, $0x38;
	[tilespmem:$0x10600] =	vst v63  }
0x121: {  	s3 =	spop (v2sf)  }
0x122: {  	[tilespmem:s17], [sflag:$0x1] =	stream.strided.gather [hbm4b:s3+s9], $0x1000, s7, s9, $0x38;
	[tilespmem:$0x10600] =	vst v63  }
0x123: {  	s3 =	spop (v2sf)  }
0x124: {  	[tilespmem:s18], [sflag:$0x1] =	stream.strided.gather [hbm4b:s3+s9], $0x1000, s7, s9, $0x38;
	[tilespmem:$0x10600] =	vst v63  }
0x125: {  	s3 =	spop (v2sf)  }
0x126: {  	[tilespmem:s19], [sflag:$0x1] =	stream.strided.gather [hbm4b:s3+s9], $0x1000, s7, s9, $0x38;
	[tilespmem:$0x10600] =	vst v63  }
0x127: {  	s3 =	spop (v2sf)  }
0x128: {  	[tilespmem:s20], [sflag:$0x1] =	stream.strided.gather [hbm4b:s3+s9], $0x1000, s7, s9, $0x38;
	[tilespmem:$0x10600] =	vst v63  }
0x129: {  	s3 =	spop (v2sf)  }
0x12a: {  	[tilespmem:s21], [sflag:$0x1] =	stream.strided.gather [hbm4b:s3+s9], $0x1000, s7, s9, $0x38;
	[tilespmem:$0x10600] =	vst v63  }
0x12b: {  	s3 =	spop (v2sf)  }
0x12c: {  	[tilespmem:s22], [sflag:$0x1] =	stream.strided.gather [hbm4b:s3+s9], $0x1000, s7, s9, $0x38;
	[tilespmem:$0x10600] =	vst v63  }
0x12d: {  	s3 =	spop (v2sf)  }
0x12e: {  	[tilespmem:s23], [sflag:$0x1] =	stream.strided.gather [hbm4b:s3+s9], $0x1000, s7, s9, $0x38;
	[tilespmem:$0x10600] =	vst v63  }
0x12f: {  	s3 =	spop (v2sf)  }
0x130: {  	[tilespmem:s24], [sflag:$0x1] =	stream.strided.gather [hbm4b:s3+s9], $0x1000, s7, s9, $0x38;
	[tilespmem:$0x10600] =	vst v63  }
0x131: {  	_ =	swait.ge [sflag:s25], $0x1000  }
0x132: {  	[sflag:s25] =	ssyncset.done $0x0  }
0x133: {  	[sflag:s25] =	ssyncadd.s32 $0xFFFFF000  }
0x134: {  	_ =	swait.ge [sflag:s25], $0x1000  }
0x135: {  	[sflag:s25] =	ssyncset.done $0x0  }
0x136: {  	[sflag:s25] =	ssyncadd.s32 $0xFFFFF000  }
0x137: {  	_ =	swait.ge [sflag:s25], $0x1000  }
0x138: {  	[sflag:s25] =	ssyncset.done $0x0  }
0x139: {  	[sflag:s25] =	ssyncadd.s32 $0xFFFFF000  }
0x13a: {  	_ =	swait.ge [sflag:s25], $0x1000  }
0x13b: {  	[sflag:s25] =	ssyncset.done $0x0  }
0x13c: {  	[sflag:s25] =	ssyncadd.s32 $0xFFFFF000  }
0x13d: {  	_ =	swait.ge [sflag:s25], $0x1000  }
0x13e: {  	[sflag:s25] =	ssyncset.done $0x0  }
0x13f: {  	[sflag:s25] =	ssyncadd.s32 $0xFFFFF000  }
0x140: {  	_ =	swait.ge [sflag:s25], $0x1000  }
0x141: {  	[sflag:s25] =	ssyncset.done $0x0  }
0x142: {  	[sflag:s25] =	ssyncadd.s32 $0xFFFFF000  }
0x143: {  	_ =	swait.ge [sflag:s25], $0x1000  }
0x144: {  	[sflag:s25] =	ssyncset.done $0x0  }
0x145: {  	[sflag:s25] =	ssyncadd.s32 $0xFFFFF000  }
0x146: {  	_ =	swait.ge [sflag:s25], $0x1000  }
0x147: {  	[sflag:s25] =	ssyncset.done $0x0  }
0x148: {  	[sflag:s25] =	ssyncadd.s32 $0xFFFFF000  }
0x149: {  	_ =	swait.ge [sflag:s25], $0x1000  }
0x14a: {  	[sflag:s25] =	ssyncset.done $0x0  }
0x14b: {  	[sflag:s25] =	ssyncadd.s32 $0xFFFFF000  }
0x14c: {  	_ =	swait.ge [sflag:s25], $0x1000  }
0x14d: {  	[sflag:s25] =	ssyncset.done $0x0  }
0x14e: {  	[sflag:s25] =	ssyncadd.s32 $0xFFFFF000  }
0x14f: {  	_ =	swait.ge [sflag:s25], $0x1000  }
0x150: {  	[sflag:s25] =	ssyncset.done $0x0  }
0x151: {  	[sflag:s25] =	ssyncadd.s32 $0xFFFFF000  }
0x152: {  	_ =	swait.ge [sflag:s25], $0x1000  }
0x153: {  	[sflag:s25] =	ssyncset.done $0x0  }
0x154: {  	[sflag:s25] =	ssyncadd.s32 $0xFFFFF000  }
0x155: {  	_ =	swait.ge [sflag:s25], $0x1000  }
0x156: {  	[sflag:s25] =	ssyncset.done $0x0  }
0x157: {  	[sflag:s25] =	ssyncadd.s32 $0xFFFFF000  }
0x158: {  	_ =	swait.ge [sflag:s25], $0x1000  }
0x159: {  	[sflag:s25] =	ssyncset.done $0x0  }
0x15a: {  	[sflag:s25] =	ssyncadd.s32 $0xFFFFF000  }
0x15b: {  	s3 =	sadd.s32 $0x8, s0;
	_ =	swait.ge [sflag:s25], $0x1000  }
0x15c: {  	v33 =	vor.u32 s3, v0;
	[sflag:s25] =	ssyncset.done $0x0  }
0x15d: {  	[sflag:s25] =	ssyncadd.s32 $0xFFFFF000  }
0x15e: {  	_ =	swait.ge [sflag:s25], $0x1000  }
0x15f: {  	[sflag:s25] =	ssyncset.done $0x0  }
0x160: {  	[sflag:s25] =	ssyncadd.s32 $0xFFFFF000  }
0x161: {  	v49 =	vld.idx.msk [tilespmem:v33+s1+$0x0], $0xffff  }
0x162: {  	v50 =	vld.idx.msk [tilespmem:v33+s26+$0x0], $0xffff;
	_ =	sdelay $0x3  }
0x163: {  	v35 =	vand.u32 $0x7F, v49  }
0x164: {  	v34 =	vand.u32 $0x7F, v50;
	v51 =	vor.u32 v1, v35  }
0x165: {  	v52 =	vor.u32 v1, v34  }
0x166: {  	v53 =	vor.u32 v2, v35  }
0x167: {  	v54 =	vor.u32 v2, v34  }
0x168: {  	v55 =	vor.u32 v3, v35  }
0x169: {  	v56 =	vor.u32 v3, v34;
	v36 =	vld.idx.msk [tilespmem:v51+s9+$0x0], $0xffff  }
0x16a: {  	v57 =	vor.u32 v4, v35;
	v37 =	vld.idx.msk [tilespmem:v52+s10+$0x0], $0xffff  }
0x16b: {  	v58 =	vor.u32 v4, v34;
	v38 =	vld.idx.msk [tilespmem:v53+s9+$0x0], $0xffff  }
0x16c: {  	v60 =	vor.u32 v5, v34;
	v39 =	vld.idx.msk [tilespmem:v54+s10+$0x0], $0xffff  }
0x16d: {  	v59 =	vor.u32 v5, v35;
	v40 =	vld.idx.msk [tilespmem:v55+s9+$0x0], $0xffff  }
0x16e: {  	v61 =	vor.u32 v6, v35;
	v41 =	vld.idx.msk [tilespmem:v56+s10+$0x0], $0xffff  }
0x16f: {  	v62 =	vor.u32 v6, v34;
	v42 =	vld.idx.msk [tilespmem:v57+s9+$0x0], $0xffff  }
0x170: {  	v63 =	vor.u32 v7, v35;
	v43 =	vld.idx.msk [tilespmem:v58+s10+$0x0], $0xffff  }
0x171: {  	v52 =	vor.u32 v7, v34;
	v53 =	vld.idx.msk [tilespmem:v60+s10+$0x0], $0xffff;
	v36 =	vmul.f32 v37, v36;
	v51 =	vmul.f32 v39, v38  }
0x172: {  	v54 =	vor.u32 v8, v35;
	v38 =	vld.idx.msk [tilespmem:v59+s9+$0x0], $0xffff  }
0x173: {  	v56 =	vld.idx.msk [tilespmem:v61+s9+$0x0], $0xffff;
	v57 =	vor.u32 v8, v34;
	v55 =	vmul.f32 v41, v40;
	v36 =	vadd.f32 v51, v36  }
0x174: {  	v58 =	vld.idx.msk [tilespmem:v62+s10+$0x0], $0xffff;
	v62 =	vor.u32 v9, v34  }
0x175: {  	v61 =	vld.idx.msk [tilespmem:v63+s9+$0x0], $0xffff;
	v59 =	vor.u32 v9, v35;
	v60 =	vmul.f32 v43, v42;
	v36 =	vadd.f32 v55, v36  }
0x176: {  	v63 =	vor.u32 v10, v35;
	v39 =	vld.idx.msk [tilespmem:v52+s10+$0x0], $0xffff  }
0x177: {  	v52 =	vmul.f32 v53, v38;
	v53 =	vld.idx.msk [tilespmem:v54+s9+$0x0], $0xffff;
	v54 =	vor.u32 v10, v34;
	v36 =	vadd.f32 v60, v36  }
0x178: {  	v41 =	vld.idx.msk [tilespmem:v57+s10+$0x0], $0xffff;
	v55 =	vor.u32 v11, v35  }
0x179: {  	v56 =	vmul.f32 v58, v56;
	v58 =	vor.u32 v11, v34;
	v43 =	vld.idx.msk [tilespmem:v62+s10+$0x0], $0xffff;
	v36 =	vadd.f32 v52, v36  }
0x17a: {  	v62 =	vor.u32 v12, v34;
	v57 =	vld.idx.msk [tilespmem:v59+s9+$0x0], $0xffff  }
0x17b: {  	v59 =	vor.u32 v12, v35;
	v60 =	vmul.f32 v39, v61;
	v61 =	vld.idx.msk [tilespmem:v63+s9+$0x0], $0xffff;
	v36 =	vadd.f32 v56, v36  }
0x17c: {  	v63 =	vor.u32 v13, v35;
	v44 =	vld.idx.msk [tilespmem:v54+s10+$0x0], $0xffff  }
0x17d: {  	v52 =	vld.idx.msk [tilespmem:v55+s9+$0x0], $0xffff;
	v51 =	vmul.f32 v41, v53;
	v53 =	vor.u32 v13, v34;
	v36 =	vadd.f32 v60, v36  }
0x17e: {  	v55 =	vor.u32 v14, v35;
	v54 =	vld.idx.msk [tilespmem:v58+s10+$0x0], $0xffff  }
0x17f: {  	v42 =	vld.idx.msk [tilespmem:v62+s10+$0x0], $0xffff;
	v56 =	vmul.f32 v43, v57;
	v58 =	vor.u32 v14, v34;
	v36 =	vadd.f32 v51, v36  }
0x180: {  	v62 =	vor.u32 v15, v34;
	v57 =	vld.idx.msk [tilespmem:v59+s9+$0x0], $0xffff  }
0x181: {  	v59 =	vor.u32 v15, v35;
	v60 =	vmul.f32 v44, v61;
	v61 =	vld.idx.msk [tilespmem:v63+s9+$0x0], $0xffff;
	v36 =	vadd.f32 v56, v36  }
0x182: {  	v41 =	vld.idx.msk [tilespmem:v53+s10+$0x0], $0xffff;
	v63 =	vor.u32 v16, v35  }
0x183: {  	v52 =	vmul.f32 v54, v52;
	v53 =	vld.idx.msk [tilespmem:v55+s9+$0x0], $0xffff;
	v54 =	vor.u32 v16, v34;
	v36 =	vadd.f32 v60, v36  }
0x184: {  	v43 =	vld.idx.msk [tilespmem:v58+s10+$0x0], $0xffff;
	v55 =	vor.u32 v17, v35  }
0x185: {  	v58 =	vor.u32 v17, v34;
	v44 =	vld.idx.msk [tilespmem:v62+s10+$0x0], $0xffff;
	v56 =	vmul.f32 v42, v57;
	v36 =	vadd.f32 v52, v36  }
0x186: {  	v62 =	vor.u32 v18, v34;
	v57 =	vld.idx.msk [tilespmem:v59+s9+$0x0], $0xffff  }
0x187: {  	v59 =	vor.u32 v18, v35;
	v60 =	vmul.f32 v41, v61;
	v61 =	vld.idx.msk [tilespmem:v63+s9+$0x0], $0xffff;
	v36 =	vadd.f32 v56, v36  }
0x188: {  	v45 =	vld.idx.msk [tilespmem:v54+s10+$0x0], $0xffff;
	v63 =	vor.u32 v19, v35  }
0x189: {  	v52 =	vmul.f32 v43, v53;
	v53 =	vld.idx.msk [tilespmem:v55+s9+$0x0], $0xffff;
	v54 =	vor.u32 v19, v34;
	v36 =	vadd.f32 v60, v36  }
0x18a: {  	v42 =	vld.idx.msk [tilespmem:v58+s10+$0x0], $0xffff;
	v58 =	vor.u32 v20, v34  }
0x18b: {  	v55 =	vor.u32 v20, v35;
	v41 =	vld.idx.msk [tilespmem:v62+s10+$0x0], $0xffff;
	v56 =	vmul.f32 v44, v57;
	v36 =	vadd.f32 v52, v36  }
0x18c: {  	v62 =	vor.u32 v21, v34;
	v57 =	vld.idx.msk [tilespmem:v59+s9+$0x0], $0xffff  }
0x18d: {  	v59 =	vor.u32 v21, v35;
	v60 =	vmul.f32 v45, v61;
	v61 =	vld.idx.msk [tilespmem:v63+s9+$0x0], $0xffff;
	v36 =	vadd.f32 v56, v36  }
0x18e: {  	v43 =	vld.idx.msk [tilespmem:v54+s10+$0x0], $0xffff;
	v63 =	vor.u32 v22, v35  }
0x18f: {  	v54 =	vor.u32 v22, v34;
	v44 =	vld.idx.msk [tilespmem:v58+s10+$0x0], $0xffff;
	v52 =	vmul.f32 v42, v53;
	v36 =	vadd.f32 v60, v36  }
0x190: {  	v58 =	vor.u32 v23, v34;
	v53 =	vld.idx.msk [tilespmem:v55+s9+$0x0], $0xffff  }
0x191: {  	v45 =	vld.idx.msk [tilespmem:v62+s10+$0x0], $0xffff;
	v55 =	vor.u32 v23, v35;
	v56 =	vmul.f32 v41, v57;
	v36 =	vadd.f32 v52, v36  }
0x192: {  	v62 =	vor.u32 v24, v34;
	v57 =	vld.idx.msk [tilespmem:v59+s9+$0x0], $0xffff  }
0x193: {  	v59 =	vor.u32 v24, v35;
	v60 =	vmul.f32 v43, v61;
	v61 =	vld.idx.msk [tilespmem:v63+s9+$0x0], $0xffff;
	v36 =	vadd.f32 v56, v36  }
0x194: {  	v42 =	vld.idx.msk [tilespmem:v54+s10+$0x0], $0xffff;
	v54 =	vor.u32 v25, v34  }
0x195: {  	v63 =	vor.u32 v25, v35;
	v41 =	vld.idx.msk [tilespmem:v58+s10+$0x0], $0xffff;
	v52 =	vmul.f32 v44, v53;
	v36 =	vadd.f32 v60, v36  }
0x196: {  	v58 =	vor.u32 v26, v34;
	v53 =	vld.idx.msk [tilespmem:v55+s9+$0x0], $0xffff  }
0x197: {  	v43 =	vld.idx.msk [tilespmem:v62+s10+$0x0], $0xffff;
	v55 =	vor.u32 v26, v35;
	v56 =	vmul.f32 v45, v57;
	v36 =	vadd.f32 v52, v36  }
0x198: {  	v62 =	vor.u32 v27, v34;
	v57 =	vld.idx.msk [tilespmem:v59+s9+$0x0], $0xffff  }
0x199: {  	v59 =	vor.u32 v27, v35;
	v44 =	vld.idx.msk [tilespmem:v54+s10+$0x0], $0xffff;
	v60 =	vmul.f32 v42, v61;
	v36 =	vadd.f32 v56, v36  }
0x19a: {  	v54 =	vor.u32 v28, v34;
	v61 =	vld.idx.msk [tilespmem:v63+s9+$0x0], $0xffff  }
0x19b: {  	v45 =	vld.idx.msk [tilespmem:v58+s10+$0x0], $0xffff;
	v63 =	vor.u32 v28, v35;
	v52 =	vmul.f32 v41, v53;
	v36 =	vadd.f32 v60, v36  }
0x19c: {  	v58 =	vor.u32 v29, v34;
	v53 =	vld.idx.msk [tilespmem:v55+s9+$0x0], $0xffff  }
0x19d: {  	v42 =	vld.idx.msk [tilespmem:v62+s10+$0x0], $0xffff;
	v55 =	vor.u32 v29, v35;
	v56 =	vmul.f32 v43, v57;
	v36 =	vadd.f32 v52, v36  }
0x19e: {  	v62 =	vor.u32 v30, v34;
	v57 =	vld.idx.msk [tilespmem:v59+s9+$0x0], $0xffff  }
0x19f: {  	v59 =	vor.u32 v30, v35;
	v41 =	vld.idx.msk [tilespmem:v54+s10+$0x0], $0xffff;
	v60 =	vmul.f32 v44, v61;
	v36 =	vadd.f32 v56, v36  }
0x1a0: {  	v61 =	vld.idx.msk [tilespmem:v63+s9+$0x0], $0xffff;
	v63 =	vor.u32 v31, v35  }
0x1a1: {  	v54 =	vor.u32 v31, v34;
	v43 =	vld.idx.msk [tilespmem:v58+s10+$0x0], $0xffff;
	v52 =	vmul.f32 v45, v53;
	v36 =	vadd.f32 v60, v36  }
0x1a2: {  	v34 =	vor.u32 v32, v34;
	v53 =	vld.idx.msk [tilespmem:v55+s9+$0x0], $0xffff  }
0x1a3: {  	v35 =	vor.u32 v32, v35;
	v55 =	vmul.f32 v42, v57;
	v57 =	vld.idx.msk [tilespmem:v62+s10+$0x0], $0xffff;
	v36 =	vadd.f32 v52, v36  }
0x1a4: {  	v56 =	vld.idx.msk [tilespmem:v59+s9+$0x0], $0xffff  }
0x1a5: {  	v58 =	vmul.f32 v41, v61;
	v59 =	vld.idx.msk [tilespmem:v63+s9+$0x0], $0xffff;
	v36 =	vadd.f32 v55, v36  }
0x1a6: {  	v60 =	vld.idx.msk [tilespmem:v54+s10+$0x0], $0xffff  }
0x1a7: {  	v34 =	vld.idx.msk [tilespmem:v34+s10+$0x0], $0xffff;
	v61 =	vmul.f32 v43, v53;
	v36 =	vadd.f32 v58, v36  }
0x1a8: {  	v35 =	vld.idx.msk [tilespmem:v35+s9+$0x0], $0xffff  }
0x1a9: {  	v62 =	vmul.f32 v57, v56;
	v36 =	vadd.f32 v61, v36;
	_ =	sdelay $0x1  }
0x1aa: {  	v63 =	vmul.f32 v60, v59;
	v36 =	vadd.f32 v62, v36  }
0x1ab: {  	p0 =	sne.s32 s0, $0x1F0  }
.Ltmp0:
0x1ac: {  	v34 =	vmul.f32 v34, v35;
	v36 =	vadd.f32 v63, v36;
	(pc) =	sbr.rel @p0 .LBB2_2-.Ltmp0, $3  }
0x1ad: {  	_ = 	snop  }
0x1ae: {  	v34 =	vadd.f32 v34, v36;
	_ =	sdelay $0x1  }
0x1af: {  	s31 =	sadd.s32 $0x10, s31;
	s30 =	sadd.s32 $0x10, s30;
	s0 =	sadd.s32 $0x10, s0;
	[tilespmem:v33+s28+$0x0] =	vst.idx.msk $0xff, v34  }
0x1b0: {  	s29 =	sadd.s32 $0x1, s29  }
0x1b1: {  	p0 =	sne.s32 s29, s6  }
.Ltmp1:
0x1b2: {  	_ = 	snop;
	(pc) =	sbr.rel @p0 .LBB2_1-.Ltmp1, $4  }
0x1b3: {  	[hbm4b:s5+s1] =	stream.linear.scatter [tilespmem:s28], [sflag:$0x2], $0x200, $0x38;
	[tilespmem:$0x10600] =	vst v63  }
0x1b4: {  	_ =	swait.ge [sflag:s8], $0x200  }
0x1b5: {  	[sflag:s8] =	ssyncset.done $0x0  }
0x1b6: {  	[sflag:s8] =	ssyncadd.s32 $0xFFFFFE00  }
0x1b7: {  	_ =	sfence.sel $0x180000  }
0x1b8: {  	[bflag:$0x0] =	sbarrier.arrive $0xFFFF  }
0x1b9: {  	_ =	strace $0x90000047  }
0x1ba: {  	s0 =	stileid.u32;
	[bflag:$0x2] =	sbarrier.arrive $0xFFFF  }
0x1bb: {  	p0 =	sne.s32 s0, $0x0;
	s0 =	rddreg [dreg:$0x5]  }
0x1bc: {  	s0 =	sadd.s32 @!p0 $0x100000, s0  }
0x1bd: {  	[sflag:s0] =	ssyncadd.tile.s32 @!p0 $0x1;
	_ =	shalt  }
.Lfunc_end2:
_tile_overlayer_lowered:
.L_overlay_start_2:
0x1be: {  	(tag) =	ssettag $0x2  }
0x1bf: {  	s0 =	rddreg [dreg:$0x0];
	s2 =	stileid.u32  }
0x1c0: {  	s1 =	rddreg [dreg:$0x1];
	p0 =	sne.s32 s2, $0x0  }
0x1c1: {  	s3 =	rddreg [dreg:$0x2];
	[bflag:$0x3] =	sbarrier.arrive $0xFFFF;
	s2 =	simm.s32 @!p0 $0x1C02  }
0x1c2: {  	[timem:s3], [sflag:s2] =	dma.local @!p0 [hbm:s0], s1  }
0x1c3: {  	s0 =	simm.s32 @!p0 $0x2  }
0x1c4: {  	_ =	swait.ge @!p0 [sflag:s0], s1  }
0x1c5: {  	s1 =	ssub.s32 @!p0 $0x0, s1;
	[sflag:s0] =	ssyncset.done @!p0 $0x0  }
0x1c6: {  	[sflag:s0] =	ssyncadd.s32 @!p0 s1  }
0x1c7: {  	[bflag:$0x3] =	sbarrier.arrive $0xFFFF  }
0x1c8: {  	_ =	shalt  }

</sc_bundles>
